<compile_context>
chip_gen: v7x
topology: tpu7x:2x2x1
jax: 0.10.2.dev20260603
libtpu: 0.0.44.dev20260713+nightly
codegen_flags: <defaults>
</compile_context>

<pallas_src>
import functools

import jax
import jax.numpy as jnp
from jax import lax
from jax.experimental import pallas as pl
from jax.experimental.pallas import tpu as pltpu
from jax.experimental.pallas import tpu_sc as plsc




def _tc_pre_body(x_ref, w_ref, asrc_ref, adst_ref, h_ref, s_ref, d_ref):
    h = jnp.dot(x_ref[...], w_ref[...], preferred_element_type=jnp.float32)
    h_ref[...] = h
    s_ref[...] = jnp.dot(h, asrc_ref[...], preferred_element_type=jnp.float32)
    d_ref[...] = jnp.dot(h, adst_ref[...], preferred_element_type=jnp.float32)


def _tc_pre(x, W, Asrc, Adst):
    N, F = x.shape
    BLK = 1000
    return pl.pallas_call(
        _tc_pre_body,
        grid=(N // BLK,),
        in_specs=[
            pl.BlockSpec((BLK, F), lambda i: (i, 0)),
            pl.BlockSpec((F, 128), lambda i: (0, 0)),
            pl.BlockSpec((128, 16), lambda i: (0, 0)),
            pl.BlockSpec((128, 16), lambda i: (0, 0)),
        ],
        out_specs=[
            pl.BlockSpec((BLK, 128), lambda i: (i, 0)),
            pl.BlockSpec((BLK, 16), lambda i: (i, 0)),
            pl.BlockSpec((BLK, 16), lambda i: (i, 0)),
        ],
        out_shape=[
            jax.ShapeDtypeStruct((N, 128), jnp.float32),
            jax.ShapeDtypeStruct((N, 16), jnp.float32),
            jax.ShapeDtypeStruct((N, 16), jnp.float32),
        ],
    )(x, W, Asrc, Adst)


_BLK = 1000


def _tc_norm_y_body(acc_ref, r_ref, b_ref, y_ref, sum_ref):
    i = pl.program_id(0)
    P = acc_ref[0] + acc_ref[1]
    hagg = P[:, :128]
    denb = jnp.dot(P[:, 128:144], r_ref[...], preferred_element_type=jnp.float32)
    y = jnp.where(denb > 0.0, hagg / denb, 0.0) + b_ref[...]
    y_ref[...] = y
    part = jnp.sum(y, axis=0, keepdims=True)

    @pl.when(i == 0)
    def _():
        sum_ref[...] = part

    @pl.when(i != 0)
    def _():
        sum_ref[...] += part


def _tc_norm_y(acc, R, bias):
    N = acc.shape[1]
    return pl.pallas_call(
        _tc_norm_y_body,
        grid=(N // _BLK,),
        in_specs=[
            pl.BlockSpec((2, _BLK, 144), lambda i: (0, i, 0)),
            pl.BlockSpec((16, 128), lambda i: (0, 0)),
            pl.BlockSpec((1, 128), lambda i: (0, 0)),
        ],
        out_specs=[
            pl.BlockSpec((_BLK, 128), lambda i: (i, 0)),
            pl.BlockSpec((1, 128), lambda i: (0, 0)),
        ],
        out_shape=[
            jax.ShapeDtypeStruct((N, 128), jnp.float32),
            jax.ShapeDtypeStruct((1, 128), jnp.float32),
        ],
    )(acc, R, bias.reshape(1, 128))


def _tc_var_body(y_ref, sum_ref, v_ref, *, n):
    i = pl.program_id(0)
    mu = sum_ref[...] * (1.0 / n)
    d = y_ref[...] - mu
    part = jnp.sum(d * d, axis=0, keepdims=True)

    @pl.when(i == 0)
    def _():
        v_ref[...] = part

    @pl.when(i != 0)
    def _():
        v_ref[...] += part


def _tc_var(y, ysum):
    N = y.shape[0]
    return pl.pallas_call(
        functools.partial(_tc_var_body, n=N),
        grid=(N // _BLK,),
        in_specs=[
            pl.BlockSpec((_BLK, 128), lambda i: (i, 0)),
            pl.BlockSpec((1, 128), lambda i: (0, 0)),
        ],
        out_specs=pl.BlockSpec((1, 128), lambda i: (0, 0)),
        out_shape=jax.ShapeDtypeStruct((1, 128), jnp.float32),
    )(y, ysum)


def _tc_bn_mat_body(y_ref, sum_ref, v_ref, g_ref, be_ref, w_ref, asrc_ref,
                    adst_ref, h2_ref, s_ref, d_ref, *, n):
    mu = sum_ref[...] * (1.0 / n)
    var = v_ref[...] * (1.0 / n)
    yn = (y_ref[...] - mu) * lax.rsqrt(var + 1e-5) * g_ref[...] + be_ref[...]
    yr = jnp.maximum(yn, 0.0)
    h2 = jnp.dot(yr, w_ref[...], preferred_element_type=jnp.float32)
    h2_ref[...] = h2
    s_ref[...] = jnp.dot(h2, asrc_ref[...], preferred_element_type=jnp.float32)
    d_ref[...] = jnp.dot(h2, adst_ref[...], preferred_element_type=jnp.float32)


def _tc_bn_mat(y, ysum, vsum, gamma, beta, W, Asrc, Adst):
    N = y.shape[0]
    return pl.pallas_call(
        functools.partial(_tc_bn_mat_body, n=N),
        grid=(N // _BLK,),
        in_specs=[
            pl.BlockSpec((_BLK, 128), lambda i: (i, 0)),
            pl.BlockSpec((1, 128), lambda i: (0, 0)),
            pl.BlockSpec((1, 128), lambda i: (0, 0)),
            pl.BlockSpec((1, 128), lambda i: (0, 0)),
            pl.BlockSpec((1, 128), lambda i: (0, 0)),
            pl.BlockSpec((128, 128), lambda i: (0, 0)),
            pl.BlockSpec((128, 16), lambda i: (0, 0)),
            pl.BlockSpec((128, 16), lambda i: (0, 0)),
        ],
        out_specs=[
            pl.BlockSpec((_BLK, 128), lambda i: (i, 0)),
            pl.BlockSpec((_BLK, 16), lambda i: (i, 0)),
            pl.BlockSpec((_BLK, 16), lambda i: (i, 0)),
        ],
        out_shape=[
            jax.ShapeDtypeStruct((N, 128), jnp.float32),
            jax.ShapeDtypeStruct((N, 16), jnp.float32),
            jax.ShapeDtypeStruct((N, 16), jnp.float32),
        ],
    )(y, ysum, vsum, gamma.reshape(1, 128), beta.reshape(1, 128), W, Asrc,
      Adst)


def _tc_mid(acc, R, bias, gamma, beta, W, Asrc, Adst):
    y, ysum = _tc_norm_y(acc, R, bias)
    vsum = _tc_var(y, ysum)
    return _tc_bn_mat(y, ysum, vsum, gamma, beta, W, Asrc, Adst)


def _tc_bn_fc_body(y_ref, sum_ref, v_ref, g_ref, be_ref, fcw_ref, fcb_ref,
                   out_ref, *, n):
    mu = sum_ref[...] * (1.0 / n)
    var = v_ref[...] * (1.0 / n)
    yn = (y_ref[...] - mu) * lax.rsqrt(var + 1e-5) * g_ref[...] + be_ref[...]
    yr = jnp.maximum(yn, 0.0)
    o = jnp.dot(yr, fcw_ref[...], preferred_element_type=jnp.float32)
    out_ref[...] = jax.nn.sigmoid(o + fcb_ref[0, 0])


def _tc_post(acc, R, bias, gamma, beta, fcW, fcb):
    N = acc.shape[1]
    y, ysum = _tc_norm_y(acc, R, bias)
    vsum = _tc_var(y, ysum)
    return pl.pallas_call(
        functools.partial(_tc_bn_fc_body, n=N),
        grid=(N // _BLK,),
        in_specs=[
            pl.BlockSpec((_BLK, 128), lambda i: (i, 0)),
            pl.BlockSpec((1, 128), lambda i: (0, 0)),
            pl.BlockSpec((1, 128), lambda i: (0, 0)),
            pl.BlockSpec((1, 128), lambda i: (0, 0)),
            pl.BlockSpec((1, 128), lambda i: (0, 0)),
            pl.BlockSpec((128, 1), lambda i: (0, 0)),
            pl.BlockSpec((1, 1), lambda i: (0, 0)),
        ],
        out_specs=pl.BlockSpec((_BLK, 1), lambda i: (i, 0)),
        out_shape=jax.ShapeDtypeStruct((N, 1), jnp.float32),
    )(y, ysum, vsum, gamma.reshape(1, 128), beta.reshape(1, 128), fcW,
      fcb.reshape(1, 1))



_K = 80


def _sc_edge(src, dst, s16, d16, h, num_heads):
    N = h.shape[0]
    E = src.shape[0]
    NT = 32
    PT = E // NT
    NB = PT // _K
    RPT = (N // 16) // 8 * 8
    mesh = plsc.VectorSubcoreMesh(core_axis_name="c", subcore_axis_name="s")

    @functools.partial(
        pl.kernel,
        mesh=mesh,
        compiler_params=pltpu.CompilerParams(use_tc_tiling_on_sc=False),
        out_type=jax.ShapeDtypeStruct((2, N, 144), jnp.float32),
        scratch_types=[
            pltpu.VMEM((_K,), jnp.int32),
            pltpu.VMEM((_K,), jnp.int32),
            pltpu.VMEM((_K, 16), jnp.float32),
            pltpu.VMEM((_K, 16), jnp.float32),
            pltpu.VMEM((_K, 128), jnp.float32),
            pltpu.VMEM((_K, 144), jnp.float32),
            pltpu.VMEM_SHARED((N, 144), jnp.float32),
        ],
    )
    def kern(src_hbm, dst_hbm, s_hbm, d_hbm, h_hbm, acc_hbm,
             src_v, dst_v, sbuf, dbuf, rows, u, A):
        cid = lax.axis_index("c")
        sid = lax.axis_index("s")
        wid = cid * 16 + sid
        base = wid * PT
        zeros16 = jnp.zeros((16,), jnp.float32)
        iota16 = lax.iota(jnp.int32, 16)

        @pl.loop(0, _K)
        def _(k):
            @pl.loop(0, 9)
            def _(j):
                u[k, pl.ds(j * 16, 16)] = zeros16

        r0 = sid * RPT

        @pl.loop(0, RPT // _K)
        def _(b):
            pltpu.sync_copy(u, A.at[pl.ds(r0 + b * _K, _K), :])

        rem = RPT - (RPT // _K) * _K
        if rem:
            pltpu.sync_copy(u.at[pl.ds(0, rem), :],
                            A.at[pl.ds(r0 + RPT - rem, rem), :])

        nlast = N - 16 * RPT
        if nlast:
            @pl.when(sid == 15)
            def _():
                pltpu.sync_copy(u.at[pl.ds(0, nlast), :],
                                A.at[pl.ds(16 * RPT, nlast), :])
        plsc.subcore_barrier()

        @pl.loop(0, NB)
        def _(b):
            off = base + b * _K
            pltpu.sync_copy(src_hbm.at[pl.ds(off, _K)], src_v)
            pltpu.sync_copy(dst_hbm.at[pl.ds(off, _K)], dst_v)
            pltpu.sync_copy(s_hbm.at[src_v], sbuf)
            pltpu.sync_copy(d_hbm.at[dst_v], dbuf)
            pltpu.sync_copy(h_hbm.at[src_v], rows)

            @pl.loop(0, _K)
            def _(k):
                aq = sbuf[k, :] + dbuf[k, :]
                aq = jnp.maximum(aq, aq * 0.2)
                exq = jnp.exp(aq)
                u[k, pl.ds(128, 16)] = jnp.where(iota16 < num_heads, exq, 0.0)
                for c in range(8):
                    hh = (c // 2) if num_heads == 4 else 0
                    w = jnp.full((16,), exq[hh], jnp.float32)
                    u[k, pl.ds(c * 16, 16)] = rows[k, pl.ds(c * 16, 16)] * w

            pltpu.sync_copy(u, A.at[dst_v], add=True)

        plsc.subcore_barrier()

        @pl.loop(0, RPT // _K)
        def _(b):
            pltpu.sync_copy(A.at[pl.ds(r0 + b * _K, _K), :], u)
            pltpu.sync_copy(u, acc_hbm.at[cid, pl.ds(r0 + b * _K, _K), :])

        if rem:
            pltpu.sync_copy(A.at[pl.ds(r0 + RPT - rem, rem), :],
                            u.at[pl.ds(0, rem), :])
            pltpu.sync_copy(u.at[pl.ds(0, rem), :],
                            acc_hbm.at[cid, pl.ds(r0 + RPT - rem, rem), :])
        if nlast:
            @pl.when(sid == 15)
            def _():
                pltpu.sync_copy(A.at[pl.ds(16 * RPT, nlast), :],
                                u.at[pl.ds(0, nlast), :])
                pltpu.sync_copy(u.at[pl.ds(0, nlast), :],
                                acc_hbm.at[cid, pl.ds(16 * RPT, nlast), :])

    return kern(src, dst, s16, d16, h)




def _expand_att(att):
    H, C = att.shape
    rows = jnp.arange(H * C)[:, None]
    cols = jnp.arange(16)[None, :]
    return jnp.where(cols == rows // C, att.reshape(-1)[:, None], 0.0)


def _head_repeat_mat(H, C):
    rows = jnp.arange(16)[:, None]
    cols = jnp.arange(H * C)[None, :]
    return jnp.where(rows == cols // C, 1.0, 0.0).astype(jnp.float32)


def kernel(x, edge_index, W1, att_src1, att_dst1, bias1, gamma1, beta1,
           W2, att_src2, att_dst2, bias2, gamma2, beta2, fcW, fcb):
    src = edge_index[0]
    dst = edge_index[1]

    Asrc1 = _expand_att(att_src1)
    Adst1 = _expand_att(att_dst1)
    R1 = _head_repeat_mat(4, 32)
    Asrc2 = _expand_att(att_src2)
    Adst2 = _expand_att(att_dst2)
    R2 = _head_repeat_mat(1, 128)

    h1, s1, d1 = _tc_pre(x, W1, Asrc1, Adst1)
    acc1 = _sc_edge(src, dst, s1, d1, h1, 4)
    h2, s2, d2 = _tc_mid(acc1, R1, bias1, gamma1, beta1, W2, Asrc2, Adst2)
    acc2 = _sc_edge(src, dst, s2, d2, h2, 1)
    return _tc_post(acc2, R2, bias2, gamma2, beta2, fcW, fcb)

# --- scband reference (transcript-rebuilt; emitter-appended) ---
"""Pipeline reference for scband-reaction-center-gat-62732292326006 (READ-ONLY COPY).

The authoritative reference and input builder live on the scoring server;
editing this copy changes nothing except your own understanding.
"""

import jax, jax.numpy as jnp
import numpy as np

N = 10000
E = 320000
F = 128
HID = 128
HEADS = 4
C1 = HID // HEADS


def setup_inputs(seed: int = 0):
    key = jax.random.key(seed)
    ks = jax.random.split(key, 12)
    inp = {}
    inp['x'] = jax.random.normal(ks[0], (N, F), dtype=jnp.float32)
    inp['edge_index'] = jax.random.randint(ks[1], (2, E), 0, N)
    # conv1 params (GATConv: in=F, out=C1, heads=HEADS, concat -> HID)
    inp['W1'] = jax.random.normal(ks[2], (F, HEADS * C1), dtype=jnp.float32) * 0.1
    inp['att_src1'] = jax.random.normal(ks[3], (HEADS, C1), dtype=jnp.float32) * 0.1
    inp['att_dst1'] = jax.random.normal(ks[4], (HEADS, C1), dtype=jnp.float32) * 0.1
    inp['bias1'] = jnp.zeros((HID,), jnp.float32)
    inp['gamma1'] = jnp.ones((HID,), jnp.float32)
    inp['beta1'] = jnp.zeros((HID,), jnp.float32)
    # conv2 params (GATConv: in=HID, out=HID, heads=1)
    inp['W2'] = jax.random.normal(ks[5], (HID, HID), dtype=jnp.float32) * 0.1
    inp['att_src2'] = jax.random.normal(ks[6], (1, HID), dtype=jnp.float32) * 0.1
    inp['att_dst2'] = jax.random.normal(ks[7], (1, HID), dtype=jnp.float32) * 0.1
    inp['bias2'] = jnp.zeros((HID,), jnp.float32)
    inp['gamma2'] = jnp.ones((HID,), jnp.float32)
    inp['beta2'] = jnp.zeros((HID,), jnp.float32)
    inp['fcW'] = jax.random.normal(ks[8], (HID, 1), dtype=jnp.float32) * 0.1
    inp['fcb'] = jnp.zeros((1,), jnp.float32)
    return inp


def _gat_conv(x, edge_index, W, att_src, att_dst, bias):
    n = x.shape[0]
    H, C = att_src.shape
    h = (x @ W).reshape(n, H, C)
    src = edge_index[0]
    dst = edge_index[1]
    a_src = (h * att_src[None, :, :]).sum(-1)  # [N, H]
    a_dst = (h * att_dst[None, :, :]).sum(-1)  # [N, H]
    alpha = a_src[src] + a_dst[dst]            # [E, H]
    alpha = jax.nn.leaky_relu(alpha, negative_slope=0.2)
    amax = jax.ops.segment_max(alpha, dst, num_segments=n)
    amax = jnp.where(jnp.isfinite(amax), amax, 0.0)
    amax = jax.lax.stop_gradient(amax)
    ex = jnp.exp(alpha - amax[dst])
    denom = jax.ops.segment_sum(ex, dst, num_segments=n)
    att = ex / (denom[dst] + 1e-16)            # [E, H]
    msg = h[src] * att[:, :, None]             # [E, H, C]
    out = jax.ops.segment_sum(msg, dst, num_segments=n)  # [N, H, C]
    return out.reshape(n, H * C) + bias


def _batch_norm(x, gamma, beta, eps=1e-5):
    mean = x.mean(axis=0)
    var = ((x - mean) ** 2).mean(axis=0)
    return (x - mean) / jnp.sqrt(var + eps) * gamma + beta


def reference(x, edge_index, W1, att_src1, att_dst1, bias1, gamma1, beta1,
              W2, att_src2, att_dst2, bias2, gamma2, beta2, fcW, fcb):
    h = _gat_conv(x, edge_index, W1, att_src1, att_dst1, bias1)
    h = _batch_norm(h, gamma1, beta1)
    h = jax.nn.relu(h)
    # dropout is identity in eval/reference mode
    h = _gat_conv(h, edge_index, W2, att_src2, att_dst2, bias2)
    h = _batch_norm(h, gamma2, beta2)
    h = jax.nn.relu(h)
    out = h @ fcW + fcb
    return jax.nn.sigmoid(out)

if __name__ == "__main__":
    import jax
    _d = setup_inputs()
    print(jax.jit(kernel)(*tuple(_d.values())))

</pallas_src>

<mosaic_0001>
#map = affine_map<(d0, d1) -> (0)>
#map1 = affine_map<(d0, d1) -> (0, 0)>
#map2 = affine_map<(d0, d1) -> (0, 0, 0)>
module attributes {stable_mosaic.version = 14 : i64} {
  func.func @kern(%arg0: i32, %arg1: i32, %arg2: memref<320000xi32, #tpu.memory_space<hbm>>, %arg3: memref<320000xi32, #tpu.memory_space<hbm>>, %arg4: memref<10000x16xf32, #tpu.memory_space<hbm>>, %arg5: memref<10000x16xf32, #tpu.memory_space<hbm>>, %arg6: memref<10000x128xf32, #tpu.memory_space<hbm>>, %arg7: memref<2x10000x144xf32, #tpu.memory_space<hbm>>, %arg8: memref<80xi32, #tpu.memory_space<vmem>>, %arg9: memref<80xi32, #tpu.memory_space<vmem>>, %arg10: memref<80x16xf32, #tpu.memory_space<vmem>>, %arg11: memref<80x16xf32, #tpu.memory_space<vmem>>, %arg12: memref<80x128xf32, #tpu.memory_space<vmem>>, %arg13: memref<80x144xf32, #tpu.memory_space<vmem>>, %arg14: memref<10000x144xf32, #tpu.memory_space<vmem_shared>>) attributes {dimension_semantics = [#tpu.dimension_semantics<core_parallel>, #tpu.dimension_semantics<subcore_parallel>], iteration_bounds = array<i64: 2, 16>, scalar_prefetch = 0 : i64, scratch_operands = 7 : i64, tpu.core_type = #tpu.core_type<sc_vector_subcore>, window_params = [{transform_indices = #map}, {transform_indices = #map}, {transform_indices = #map1}, {transform_indices = #map1}, {transform_indices = #map1}, {transform_indices = #map2}]} {
    %mul3A = arith.constant 16 : i32
    %mul3A_0 = arith.muli %arg0, %mul3A : i32
    %add3A = arith.addi %mul3A_0, %arg1 : i32
    %mul3A_1 = arith.constant 10000 : i32
    %mul3A_2 = arith.muli %add3A, %mul3A_1 : i32
    %broadcast_in_dim3A = arith.constant 0.000000e+00 : f32
    %broadcast_in_dim3A_3 = vector.broadcast %broadcast_in_dim3A : f32 to vector<16xf32>
    %iota3A = tpu.iota {dimensions = array<i32: 0>} : vector<16xi32>
    %scan3A = arith.constant 0 : i32
    %scan3A_4 = arith.constant 80 : i32
    %scan3A_5 = arith.addi %scan3A, %scan3A_4 : i32
    %scan3A_6 = arith.constant 1 : i32
    scf.for %scan3A_44 = %scan3A to %scan3A_5 step %scan3A_6  : i32 {
      %mul3A_45 = arith.constant 1 : i32
      %mul3A_46 = arith.muli %scan3A_44, %mul3A_45 : i32
      %add3A_47 = arith.constant 0 : i32
      %add3A_48 = arith.addi %add3A_47, %mul3A_46 : i32
      %scan3A_49 = arith.constant 0 : i32
      %scan3A_50 = arith.constant 9 : i32
      %scan3A_51 = arith.addi %scan3A_49, %scan3A_50 : i32
      %scan3A_52 = arith.constant 1 : i32
      scf.for %scan3A_54 = %scan3A_49 to %scan3A_51 step %scan3A_52  : i32 {
        %mul3A_55 = arith.constant 1 : i32
        %mul3A_56 = arith.muli %scan3A_54, %mul3A_55 : i32
        %add3A_57 = arith.constant 0 : i32
        %add3A_58 = arith.addi %add3A_57, %mul3A_56 : i32
        %mul3A_59 = arith.constant 16 : i32
        %mul3A_60 = arith.muli %add3A_58, %mul3A_59 : i32
        %swap3A = arith.index_cast %add3A_48 : i32 to index
        %swap3A_61 = arith.index_cast %mul3A_60 : i32 to index
        %swap3A_62 = tpu.vector_load %arg13[%swap3A, %swap3A_61] {strides = array<i32>} : memref<80x144xf32, #tpu.memory_space<vmem>>, vector<1x16xf32>,
        %swap3A_63 = vector.shape_cast %swap3A_62 : vector<1x16xf32> to vector<16xf32>
        %swap3A_64 = vector.shape_cast %broadcast_in_dim3A_3 : vector<16xf32> to vector<1x16xf32>
        tpu.vector_store %arg13[%swap3A, %swap3A_61], %swap3A_64 {strides = array<i32>} : memref<80x144xf32, #tpu.memory_space<vmem>>, vector<1x16xf32>,
      }
      %scan3A_53 = arith.constant 9 : i32
    }
    %scan3A_7 = arith.constant 80 : i32
    %mul3A_8 = arith.constant 624 : i32
    %mul3A_9 = arith.muli %arg1, %mul3A_8 : i32
    %scan3A_10 = arith.constant 0 : i32
    %scan3A_11 = arith.constant 7 : i32
    %scan3A_12 = arith.addi %scan3A_10, %scan3A_11 : i32
    %scan3A_13 = arith.constant 1 : i32
    scf.for %scan3A_44 = %scan3A_10 to %scan3A_12 step %scan3A_13  : i32 {
      %mul3A_45 = arith.constant 1 : i32
      %mul3A_46 = arith.muli %scan3A_44, %mul3A_45 : i32
      %add3A_47 = arith.constant 0 : i32
      %add3A_48 = arith.addi %add3A_47, %mul3A_46 : i32
      %mul3A_49 = arith.constant 80 : i32
      %mul3A_50 = arith.muli %add3A_48, %mul3A_49 : i32
      %add3A_51 = arith.addi %mul3A_9, %mul3A_50 : i32
      "tpu.region"() ({
        %run_scoped3A = tpu.sem_alloc : memref<!tpu.dma_semaphore, #tpu.memory_space<semaphore_mem>>
        %dma_start3A = arith.constant 0 : i32
        %dma_start3A_52 = tpu.memref_slice %arg14[%add3A_51, %dma_start3A] : memref<10000x144xf32, #tpu.memory_space<vmem_shared>> -> memref<80x144xf32, #tpu.memory_space<vmem_shared>>
        %dma_start3A_53 = arith.constant 0 : i32
        %dma_start3A_54 = tpu.memref_slice %arg14[%add3A_51, %dma_start3A_53] : memref<10000x144xf32, #tpu.memory_space<vmem_shared>> -> memref<80x144xf32, #tpu.memory_space<vmem_shared>>
        tpu.enqueue_dma source(%arg13 : memref<80x144xf32, #tpu.memory_space<vmem>>) target(%dma_start3A_54 : memref<80x144xf32, #tpu.memory_space<vmem_shared>>) target_semaphore(%run_scoped3A : memref<!tpu.dma_semaphore, #tpu.memory_space<semaphore_mem>>)
        %dma_wait3A = arith.constant 0 : i32
        %dma_wait3A_55 = tpu.memref_slice %arg14[%add3A_51, %dma_wait3A] : memref<10000x144xf32, #tpu.memory_space<vmem_shared>> -> memref<80x144xf32, #tpu.memory_space<vmem_shared>>
        %dma_wait3A_56 = arith.constant 0 : i32
        %dma_wait3A_57 = tpu.memref_slice %arg14[%add3A_51, %dma_wait3A_56] : memref<10000x144xf32, #tpu.memory_space<vmem_shared>> -> memref<80x144xf32, #tpu.memory_space<vmem_shared>>
        tpu.wait_dma2 semaphore(%run_scoped3A : memref<!tpu.dma_semaphore, #tpu.memory_space<semaphore_mem>>) src(%arg13 : memref<80x144xf32, #tpu.memory_space<vmem>>) dst(%dma_wait3A_57 : memref<80x144xf32, #tpu.memory_space<vmem_shared>>)
        tpu.yield
      }) : () -> ()
    }
    %scan3A_14 = arith.constant 7 : i32
    %add3A_15 = arith.constant 624 : i32
    %add3A_16 = arith.addi %mul3A_9, %add3A_15 : i32
    %sub3A = arith.constant 64 : i32
    %sub3A_17 = arith.subi %add3A_16, %sub3A : i32
    "tpu.region"() ({
      %run_scoped3A = tpu.sem_alloc : memref<!tpu.dma_semaphore, #tpu.memory_space<semaphore_mem>>
      %dma_start3A = arith.constant 0 : i32
      %dma_start3A_44 = arith.constant 0 : i32
      %dma_start3A_45 = tpu.memref_slice %arg13[%dma_start3A, %dma_start3A_44] : memref<80x144xf32, #tpu.memory_space<vmem>> -> memref<64x144xf32, #tpu.memory_space<vmem>>
      %dma_start3A_46 = arith.constant 0 : i32
      %dma_start3A_47 = tpu.memref_slice %arg14[%sub3A_17, %dma_start3A_46] : memref<10000x144xf32, #tpu.memory_space<vmem_shared>> -> memref<64x144xf32, #tpu.memory_space<vmem_shared>>
      %dma_start3A_48 = arith.constant 0 : i32
      %dma_start3A_49 = tpu.memref_slice %arg14[%sub3A_17, %dma_start3A_48] : memref<10000x144xf32, #tpu.memory_space<vmem_shared>> -> memref<64x144xf32, #tpu.memory_space<vmem_shared>>
      %dma_start3A_50 = arith.constant 0 : i32
      %dma_start3A_51 = arith.constant 0 : i32
      %dma_start3A_52 = tpu.memref_slice %arg13[%dma_start3A_50, %dma_start3A_51] : memref<80x144xf32, #tpu.memory_space<vmem>> -> memref<64x144xf32, #tpu.memory_space<vmem>>
      tpu.enqueue_dma source(%dma_start3A_52 : memref<64x144xf32, #tpu.memory_space<vmem>>) target(%dma_start3A_49 : memref<64x144xf32, #tpu.memory_space<vmem_shared>>) target_semaphore(%run_scoped3A : memref<!tpu.dma_semaphore, #tpu.memory_space<semaphore_mem>>)
      %dma_wait3A = arith.constant 0 : i32
      %dma_wait3A_53 = arith.constant 0 : i32
      %dma_wait3A_54 = tpu.memref_slice %arg13[%dma_wait3A, %dma_wait3A_53] : memref<80x144xf32, #tpu.memory_space<vmem>> -> memref<64x144xf32, #tpu.memory_space<vmem>>
      %dma_wait3A_55 = arith.constant 0 : i32
      %dma_wait3A_56 = tpu.memref_slice %arg14[%sub3A_17, %dma_wait3A_55] : memref<10000x144xf32, #tpu.memory_space<vmem_shared>> -> memref<64x144xf32, #tpu.memory_space<vmem_shared>>
      %dma_wait3A_57 = arith.constant 0 : i32
      %dma_wait3A_58 = tpu.memref_slice %arg14[%sub3A_17, %dma_wait3A_57] : memref<10000x144xf32, #tpu.memory_space<vmem_shared>> -> memref<64x144xf32, #tpu.memory_space<vmem_shared>>
      %dma_wait3A_59 = arith.constant 0 : i32
      %dma_wait3A_60 = arith.constant 0 : i32
      %dma_wait3A_61 = tpu.memref_slice %arg13[%dma_wait3A_59, %dma_wait3A_60] : memref<80x144xf32, #tpu.memory_space<vmem>> -> memref<64x144xf32, #tpu.memory_space<vmem>>
      tpu.wait_dma2 semaphore(%run_scoped3A : memref<!tpu.dma_semaphore, #tpu.memory_space<semaphore_mem>>) src(%dma_wait3A_61 : memref<64x144xf32, #tpu.memory_space<vmem>>) dst(%dma_wait3A_58 : memref<64x144xf32, #tpu.memory_space<vmem_shared>>)
      tpu.yield
    }) : () -> ()
    %eq3A = arith.constant 15 : i32
    %eq3A_18 = arith.cmpi eq, %arg1, %eq3A : i32
    %convert_element_type3A = arith.extui %eq3A_18 : i1 to i32
    %cond3A = arith.constant 0 : i32
    %cond3A_19 = arith.cmpi ne, %convert_element_type3A, %cond3A : i32
    scf.if %cond3A_19 {
      "tpu.region"() ({
        %run_scoped3A = tpu.sem_alloc : memref<!tpu.dma_semaphore, #tpu.memory_space<semaphore_mem>>
        %dma_start3A = arith.constant 0 : i32
        %dma_start3A_44 = arith.constant 0 : i32
        %dma_start3A_45 = tpu.memref_slice %arg13[%dma_start3A, %dma_start3A_44] : memref<80x144xf32, #tpu.memory_space<vmem>> -> memref<16x144xf32, #tpu.memory_space<vmem>>
        %dma_start3A_46 = arith.constant 9984 : i32
        %dma_start3A_47 = arith.constant 0 : i32
        %dma_start3A_48 = tpu.memref_slice %arg14[%dma_start3A_46, %dma_start3A_47] : memref<10000x144xf32, #tpu.memory_space<vmem_shared>> -> memref<16x144xf32, #tpu.memory_space<vmem_shared>>
        %dma_start3A_49 = arith.constant 9984 : i32
        %dma_start3A_50 = arith.constant 0 : i32
        %dma_start3A_51 = tpu.memref_slice %arg14[%dma_start3A_49, %dma_start3A_50] : memref<10000x144xf32, #tpu.memory_space<vmem_shared>> -> memref<16x144xf32, #tpu.memory_space<vmem_shared>>
        %dma_start3A_52 = arith.constant 0 : i32
        %dma_start3A_53 = arith.constant 0 : i32
        %dma_start3A_54 = tpu.memref_slice %arg13[%dma_start3A_52, %dma_start3A_53] : memref<80x144xf32, #tpu.memory_space<vmem>> -> memref<16x144xf32, #tpu.memory_space<vmem>>
        tpu.enqueue_dma source(%dma_start3A_54 : memref<16x144xf32, #tpu.memory_space<vmem>>) target(%dma_start3A_51 : memref<16x144xf32, #tpu.memory_space<vmem_shared>>) target_semaphore(%run_scoped3A : memref<!tpu.dma_semaphore, #tpu.memory_space<semaphore_mem>>)
        %dma_wait3A = arith.constant 0 : i32
        %dma_wait3A_55 = arith.constant 0 : i32
        %dma_wait3A_56 = tpu.memref_slice %arg13[%dma_wait3A, %dma_wait3A_55] : memref<80x144xf32, #tpu.memory_space<vmem>> -> memref<16x144xf32, #tpu.memory_space<vmem>>
        %dma_wait3A_57 = arith.constant 9984 : i32
        %dma_wait3A_58 = arith.constant 0 : i32
        %dma_wait3A_59 = tpu.memref_slice %arg14[%dma_wait3A_57, %dma_wait3A_58] : memref<10000x144xf32, #tpu.memory_space<vmem_shared>> -> memref<16x144xf32, #tpu.memory_space<vmem_shared>>
        %dma_wait3A_60 = arith.constant 9984 : i32
        %dma_wait3A_61 = arith.constant 0 : i32
        %dma_wait3A_62 = tpu.memref_slice %arg14[%dma_wait3A_60, %dma_wait3A_61] : memref<10000x144xf32, #tpu.memory_space<vmem_shared>> -> memref<16x144xf32, #tpu.memory_space<vmem_shared>>
        %dma_wait3A_63 = arith.constant 0 : i32
        %dma_wait3A_64 = arith.constant 0 : i32
        %dma_wait3A_65 = tpu.memref_slice %arg13[%dma_wait3A_63, %dma_wait3A_64] : memref<80x144xf32, #tpu.memory_space<vmem>> -> memref<16x144xf32, #tpu.memory_space<vmem>>
        tpu.wait_dma2 semaphore(%run_scoped3A : memref<!tpu.dma_semaphore, #tpu.memory_space<semaphore_mem>>) src(%dma_wait3A_65 : memref<16x144xf32, #tpu.memory_space<vmem>>) dst(%dma_wait3A_62 : memref<16x144xf32, #tpu.memory_space<vmem_shared>>)
        tpu.yield
      }) : () -> ()
    } else {
    }
    %barrier3A = arith.constant 0 : index
    tpu.barrier barrier_id(%barrier3A)
    %scan3A_20 = arith.constant 0 : i32
    %scan3A_21 = arith.constant 125 : i32
    %scan3A_22 = arith.addi %scan3A_20, %scan3A_21 : i32
    %scan3A_23 = arith.constant 1 : i32
    scf.for %scan3A_44 = %scan3A_20 to %scan3A_22 step %scan3A_23  : i32 {
      %mul3A_45 = arith.constant 1 : i32
      %mul3A_46 = arith.muli %scan3A_44, %mul3A_45 : i32
      %add3A_47 = arith.constant 0 : i32
      %add3A_48 = arith.addi %add3A_47, %mul3A_46 : i32
      %mul3A_49 = arith.constant 80 : i32
      %mul3A_50 = arith.muli %add3A_48, %mul3A_49 : i32
      %add3A_51 = arith.addi %mul3A_2, %mul3A_50 : i32
      "tpu.region"() ({
        %run_scoped3A = tpu.sem_alloc : memref<!tpu.dma_semaphore, #tpu.memory_space<semaphore_mem>>
        %dma_start3A = tpu.memref_slice %arg2[%add3A_51] : memref<320000xi32, #tpu.memory_space<hbm>> -> memref<80xi32, #tpu.memory_space<hbm>>
        %dma_start3A_57 = tpu.memref_slice %arg2[%add3A_51] : memref<320000xi32, #tpu.memory_space<hbm>> -> memref<80xi32, #tpu.memory_space<hbm>>
        tpu.enqueue_dma source(%dma_start3A_57 : memref<80xi32, #tpu.memory_space<hbm>>) target(%arg8 : memref<80xi32, #tpu.memory_space<vmem>>) target_semaphore(%run_scoped3A : memref<!tpu.dma_semaphore, #tpu.memory_space<semaphore_mem>>)
        %dma_wait3A = tpu.memref_slice %arg2[%add3A_51] : memref<320000xi32, #tpu.memory_space<hbm>> -> memref<80xi32, #tpu.memory_space<hbm>>
        %dma_wait3A_58 = tpu.memref_slice %arg2[%add3A_51] : memref<320000xi32, #tpu.memory_space<hbm>> -> memref<80xi32, #tpu.memory_space<hbm>>
        tpu.wait_dma2 semaphore(%run_scoped3A : memref<!tpu.dma_semaphore, #tpu.memory_space<semaphore_mem>>) src(%dma_wait3A_58 : memref<80xi32, #tpu.memory_space<hbm>>) dst(%arg8 : memref<80xi32, #tpu.memory_space<vmem>>)
        tpu.yield
      }) : () -> ()
      "tpu.region"() ({
        %run_scoped3A = tpu.sem_alloc : memref<!tpu.dma_semaphore, #tpu.memory_space<semaphore_mem>>
        %dma_start3A = tpu.memref_slice %arg3[%add3A_51] : memref<320000xi32, #tpu.memory_space<hbm>> -> memref<80xi32, #tpu.memory_space<hbm>>
        %dma_start3A_57 = tpu.memref_slice %arg3[%add3A_51] : memref<320000xi32, #tpu.memory_space<hbm>> -> memref<80xi32, #tpu.memory_space<hbm>>
        tpu.enqueue_dma source(%dma_start3A_57 : memref<80xi32, #tpu.memory_space<hbm>>) target(%arg9 : memref<80xi32, #tpu.memory_space<vmem>>) target_semaphore(%run_scoped3A : memref<!tpu.dma_semaphore, #tpu.memory_space<semaphore_mem>>)
        %dma_wait3A = tpu.memref_slice %arg3[%add3A_51] : memref<320000xi32, #tpu.memory_space<hbm>> -> memref<80xi32, #tpu.memory_space<hbm>>
        %dma_wait3A_58 = tpu.memref_slice %arg3[%add3A_51] : memref<320000xi32, #tpu.memory_space<hbm>> -> memref<80xi32, #tpu.memory_space<hbm>>
        tpu.wait_dma2 semaphore(%run_scoped3A : memref<!tpu.dma_semaphore, #tpu.memory_space<semaphore_mem>>) src(%dma_wait3A_58 : memref<80xi32, #tpu.memory_space<hbm>>) dst(%arg9 : memref<80xi32, #tpu.memory_space<vmem>>)
        tpu.yield
      }) : () -> ()
      "tpu.region"() ({
        %run_scoped3A = tpu.sem_alloc : memref<!tpu.dma_semaphore, #tpu.memory_space<semaphore_mem>>
        %dma_start3A = arith.constant 0 : i32
        %dma_start3A_57 = arith.constant 0 : i32
        %dma_start3A_58 = tpu.memref_slice %arg4[%dma_start3A, %dma_start3A_57] : memref<10000x16xf32, #tpu.memory_space<hbm>> -> memref<10000x16xf32, #tpu.memory_space<hbm>>
        tpu.enqueue_indirect_dma source(%dma_start3A_58 : memref<10000x16xf32, #tpu.memory_space<hbm>>) target(%arg10 : memref<80x16xf32, #tpu.memory_space<vmem>>) offsets(%arg8 : memref<80xi32, #tpu.memory_space<vmem>>) semaphore(%run_scoped3A : memref<!tpu.dma_semaphore, #tpu.memory_space<semaphore_mem>>)
        %dma_wait3A = arith.constant 0 : i32
        %dma_wait3A_59 = arith.constant 0 : i32
        %dma_wait3A_60 = tpu.memref_slice %arg4[%dma_wait3A, %dma_wait3A_59] : memref<10000x16xf32, #tpu.memory_space<hbm>> -> memref<10000x16xf32, #tpu.memory_space<hbm>>
        tpu.wait_indirect_dma semaphore(%run_scoped3A : memref<!tpu.dma_semaphore, #tpu.memory_space<semaphore_mem>>) src(%dma_wait3A_60 : memref<10000x16xf32, #tpu.memory_space<hbm>>) dst(%arg10 : memref<80x16xf32, #tpu.memory_space<vmem>>)
        tpu.yield
      }) : () -> ()
      "tpu.region"() ({
        %run_scoped3A = tpu.sem_alloc : memref<!tpu.dma_semaphore, #tpu.memory_space<semaphore_mem>>
        %dma_start3A = arith.constant 0 : i32
        %dma_start3A_57 = arith.constant 0 : i32
        %dma_start3A_58 = tpu.memref_slice %arg5[%dma_start3A, %dma_start3A_57] : memref<10000x16xf32, #tpu.memory_space<hbm>> -> memref<10000x16xf32, #tpu.memory_space<hbm>>
        tpu.enqueue_indirect_dma source(%dma_start3A_58 : memref<10000x16xf32, #tpu.memory_space<hbm>>) target(%arg11 : memref<80x16xf32, #tpu.memory_space<vmem>>) offsets(%arg9 : memref<80xi32, #tpu.memory_space<vmem>>) semaphore(%run_scoped3A : memref<!tpu.dma_semaphore, #tpu.memory_space<semaphore_mem>>)
        %dma_wait3A = arith.constant 0 : i32
        %dma_wait3A_59 = arith.constant 0 : i32
        %dma_wait3A_60 = tpu.memref_slice %arg5[%dma_wait3A, %dma_wait3A_59] : memref<10000x16xf32, #tpu.memory_space<hbm>> -> memref<10000x16xf32, #tpu.memory_space<hbm>>
        tpu.wait_indirect_dma semaphore(%run_scoped3A : memref<!tpu.dma_semaphore, #tpu.memory_space<semaphore_mem>>) src(%dma_wait3A_60 : memref<10000x16xf32, #tpu.memory_space<hbm>>) dst(%arg11 : memref<80x16xf32, #tpu.memory_space<vmem>>)
        tpu.yield
      }) : () -> ()
      "tpu.region"() ({
        %run_scoped3A = tpu.sem_alloc : memref<!tpu.dma_semaphore, #tpu.memory_space<semaphore_mem>>
        %dma_start3A = arith.constant 0 : i32
        %dma_start3A_57 = arith.constant 0 : i32
        %dma_start3A_58 = tpu.memref_slice %arg6[%dma_start3A, %dma_start3A_57] : memref<10000x128xf32, #tpu.memory_space<hbm>> -> memref<10000x128xf32, #tpu.memory_space<hbm>>
        tpu.enqueue_indirect_dma source(%dma_start3A_58 : memref<10000x128xf32, #tpu.memory_space<hbm>>) target(%arg12 : memref<80x128xf32, #tpu.memory_space<vmem>>) offsets(%arg8 : memref<80xi32, #tpu.memory_space<vmem>>) semaphore(%run_scoped3A : memref<!tpu.dma_semaphore, #tpu.memory_space<semaphore_mem>>)
        %dma_wait3A = arith.constant 0 : i32
        %dma_wait3A_59 = arith.constant 0 : i32
        %dma_wait3A_60 = tpu.memref_slice %arg6[%dma_wait3A, %dma_wait3A_59] : memref<10000x128xf32, #tpu.memory_space<hbm>> -> memref<10000x128xf32, #tpu.memory_space<hbm>>
        tpu.wait_indirect_dma semaphore(%run_scoped3A : memref<!tpu.dma_semaphore, #tpu.memory_space<semaphore_mem>>) src(%dma_wait3A_60 : memref<10000x128xf32, #tpu.memory_space<hbm>>) dst(%arg12 : memref<80x128xf32, #tpu.memory_space<vmem>>)
        tpu.yield
      }) : () -> ()
      %scan3A_52 = arith.constant 0 : i32
      %scan3A_53 = arith.constant 80 : i32
      %scan3A_54 = arith.addi %scan3A_52, %scan3A_53 : i32
      %scan3A_55 = arith.constant 1 : i32
      scf.for %scan3A_57 = %scan3A_52 to %scan3A_54 step %scan3A_55  : i32 {
        %mul3A_58 = arith.constant 1 : i32
        %mul3A_59 = arith.muli %scan3A_57, %mul3A_58 : i32
        %add3A_60 = arith.constant 0 : i32
        %add3A_61 = arith.addi %add3A_60, %mul3A_59 : i32
        %get3A = arith.index_cast %add3A_61 : i32 to index
        %get3A_62 = arith.constant 0 : index
        %get3A_63 = tpu.vector_load %arg10[%get3A, %get3A_62] {strides = array<i32>} : memref<80x16xf32, #tpu.memory_space<vmem>>, vector<1x16xf32>,
        %get3A_64 = vector.shape_cast %get3A_63 : vector<1x16xf32> to vector<16xf32>
        %get3A_65 = arith.index_cast %add3A_61 : i32 to index
        %get3A_66 = arith.constant 0 : index
        %get3A_67 = tpu.vector_load %arg11[%get3A_65, %get3A_66] {strides = array<i32>} : memref<80x16xf32, #tpu.memory_space<vmem>>, vector<1x16xf32>,
        %get3A_68 = vector.shape_cast %get3A_67 : vector<1x16xf32> to vector<16xf32>
        %add3A_69 = arith.addf %get3A_64, %get3A_68 : vector<16xf32>
        %mul3A_70 = arith.constant 2.000000e-01 : f32
        %mul3A_71 = vector.broadcast %mul3A_70 : f32 to vector<16xf32>
        %mul3A_72 = arith.mulf %add3A_69, %mul3A_71 : vector<16xf32>
        %max3A = arith.maximumf %add3A_69, %mul3A_72 : vector<16xf32>
        %exp3A = math.exp %max3A : vector<16xf32>
        %lt3A = arith.constant 4 : i32
        %lt3A_73 = vector.broadcast %lt3A : i32 to vector<16xi32>
        %lt3A_74 = arith.cmpi slt, %iota3A, %lt3A_73 : vector<16xi32>
        %jit3A = arith.constant 0.000000e+00 : f32
        %broadcast_in_dim3A_75 = vector.broadcast %jit3A : f32 to vector<16xf32>
        %select_n3A = arith.select %lt3A_74, %exp3A, %broadcast_in_dim3A_75 : vector<16xi1>, vector<16xf32>
        %swap3A = arith.index_cast %add3A_61 : i32 to index
        %swap3A_76 = arith.constant 128 : index
        %swap3A_77 = tpu.vector_load %arg13[%swap3A, %swap3A_76] {strides = array<i32>} : memref<80x144xf32, #tpu.memory_space<vmem>>, vector<1x16xf32>,
        %swap3A_78 = vector.shape_cast %swap3A_77 : vector<1x16xf32> to vector<16xf32>
        %swap3A_79 = vector.shape_cast %select_n3A : vector<16xf32> to vector<1x16xf32>
        tpu.vector_store %arg13[%swap3A, %swap3A_76], %swap3A_79 {strides = array<i32>} : memref<80x144xf32, #tpu.memory_space<vmem>>, vector<1x16xf32>,
        %slice3A = vector.extract_strided_slice %exp3A {offsets = [0], sizes = [1], strides = [1]} : vector<16xf32> to vector<1xf32>
        %squeeze3A = vector.extract %slice3A[0] : f32 from vector<1xf32>
        %broadcast_in_dim3A_80 = vector.broadcast %squeeze3A : f32 to vector<16xf32>
        %get3A_81 = arith.index_cast %add3A_61 : i32 to index
        %get3A_82 = arith.constant 0 : index
        %get3A_83 = tpu.vector_load %arg12[%get3A_81, %get3A_82] {strides = array<i32>} : memref<80x128xf32, #tpu.memory_space<vmem>>, vector<1x16xf32>,
        %get3A_84 = vector.shape_cast %get3A_83 : vector<1x16xf32> to vector<16xf32>
        %mul3A_85 = arith.mulf %get3A_84, %broadcast_in_dim3A_80 : vector<16xf32>
        %swap3A_86 = arith.index_cast %add3A_61 : i32 to index
        %swap3A_87 = arith.constant 0 : index
        %swap3A_88 = tpu.vector_load %arg13[%swap3A_86, %swap3A_87] {strides = array<i32>} : memref<80x144xf32, #tpu.memory_space<vmem>>, vector<1x16xf32>,
        %swap3A_89 = vector.shape_cast %swap3A_88 : vector<1x16xf32> to vector<16xf32>
        %swap3A_90 = vector.shape_cast %mul3A_85 : vector<16xf32> to vector<1x16xf32>
        tpu.vector_store %arg13[%swap3A_86, %swap3A_87], %swap3A_90 {strides = array<i32>} : memref<80x144xf32, #tpu.memory_space<vmem>>, vector<1x16xf32>,
        %slice3A_91 = vector.extract_strided_slice %exp3A {offsets = [0], sizes = [1], strides = [1]} : vector<16xf32> to vector<1xf32>
        %squeeze3A_92 = vector.extract %slice3A_91[0] : f32 from vector<1xf32>
        %broadcast_in_dim3A_93 = vector.broadcast %squeeze3A_92 : f32 to vector<16xf32>
        %get3A_94 = arith.index_cast %add3A_61 : i32 to index
        %get3A_95 = arith.constant 16 : index
        %get3A_96 = tpu.vector_load %arg12[%get3A_94, %get3A_95] {strides = array<i32>} : memref<80x128xf32, #tpu.memory_space<vmem>>, vector<1x16xf32>,
        %get3A_97 = vector.shape_cast %get3A_96 : vector<1x16xf32> to vector<16xf32>
        %mul3A_98 = arith.mulf %get3A_97, %broadcast_in_dim3A_93 : vector<16xf32>
        %swap3A_99 = arith.index_cast %add3A_61 : i32 to index
        %swap3A_100 = arith.constant 16 : index
        %swap3A_101 = tpu.vector_load %arg13[%swap3A_99, %swap3A_100] {strides = array<i32>} : memref<80x144xf32, #tpu.memory_space<vmem>>, vector<1x16xf32>,
        %swap3A_102 = vector.shape_cast %swap3A_101 : vector<1x16xf32> to vector<16xf32>
        %swap3A_103 = vector.shape_cast %mul3A_98 : vector<16xf32> to vector<1x16xf32>
        tpu.vector_store %arg13[%swap3A_99, %swap3A_100], %swap3A_103 {strides = array<i32>} : memref<80x144xf32, #tpu.memory_space<vmem>>, vector<1x16xf32>,
        %slice3A_104 = vector.extract_strided_slice %exp3A {offsets = [1], sizes = [1], strides = [1]} : vector<16xf32> to vector<1xf32>
        %squeeze3A_105 = vector.extract %slice3A_104[0] : f32 from vector<1xf32>
        %broadcast_in_dim3A_106 = vector.broadcast %squeeze3A_105 : f32 to vector<16xf32>
        %get3A_107 = arith.index_cast %add3A_61 : i32 to index
        %get3A_108 = arith.constant 32 : index
        %get3A_109 = tpu.vector_load %arg12[%get3A_107, %get3A_108] {strides = array<i32>} : memref<80x128xf32, #tpu.memory_space<vmem>>, vector<1x16xf32>,
        %get3A_110 = vector.shape_cast %get3A_109 : vector<1x16xf32> to vector<16xf32>
        %mul3A_111 = arith.mulf %get3A_110, %broadcast_in_dim3A_106 : vector<16xf32>
        %swap3A_112 = arith.index_cast %add3A_61 : i32 to index
        %swap3A_113 = arith.constant 32 : index
        %swap3A_114 = tpu.vector_load %arg13[%swap3A_112, %swap3A_113] {strides = array<i32>} : memref<80x144xf32, #tpu.memory_space<vmem>>, vector<1x16xf32>,
        %swap3A_115 = vector.shape_cast %swap3A_114 : vector<1x16xf32> to vector<16xf32>
        %swap3A_116 = vector.shape_cast %mul3A_111 : vector<16xf32> to vector<1x16xf32>
        tpu.vector_store %arg13[%swap3A_112, %swap3A_113], %swap3A_116 {strides = array<i32>} : memref<80x144xf32, #tpu.memory_space<vmem>>, vector<1x16xf32>,
        %slice3A_117 = vector.extract_strided_slice %exp3A {offsets = [1], sizes = [1], strides = [1]} : vector<16xf32> to vector<1xf32>
        %squeeze3A_118 = vector.extract %slice3A_117[0] : f32 from vector<1xf32>
        %broadcast_in_dim3A_119 = vector.broadcast %squeeze3A_118 : f32 to vector<16xf32>
        %get3A_120 = arith.index_cast %add3A_61 : i32 to index
        %get3A_121 = arith.constant 48 : index
        %get3A_122 = tpu.vector_load %arg12[%get3A_120, %get3A_121] {strides = array<i32>} : memref<80x128xf32, #tpu.memory_space<vmem>>, vector<1x16xf32>,
        %get3A_123 = vector.shape_cast %get3A_122 : vector<1x16xf32> to vector<16xf32>
        %mul3A_124 = arith.mulf %get3A_123, %broadcast_in_dim3A_119 : vector<16xf32>
        %swap3A_125 = arith.index_cast %add3A_61 : i32 to index
        %swap3A_126 = arith.constant 48 : index
        %swap3A_127 = tpu.vector_load %arg13[%swap3A_125, %swap3A_126] {strides = array<i32>} : memref<80x144xf32, #tpu.memory_space<vmem>>, vector<1x16xf32>,
        %swap3A_128 = vector.shape_cast %swap3A_127 : vector<1x16xf32> to vector<16xf32>
        %swap3A_129 = vector.shape_cast %mul3A_124 : vector<16xf32> to vector<1x16xf32>
        tpu.vector_store %arg13[%swap3A_125, %swap3A_126], %swap3A_129 {strides = array<i32>} : memref<80x144xf32, #tpu.memory_space<vmem>>, vector<1x16xf32>,
        %slice3A_130 = vector.extract_strided_slice %exp3A {offsets = [2], sizes = [1], strides = [1]} : vector<16xf32> to vector<1xf32>
        %squeeze3A_131 = vector.extract %slice3A_130[0] : f32 from vector<1xf32>
        %broadcast_in_dim3A_132 = vector.broadcast %squeeze3A_131 : f32 to vector<16xf32>
        %get3A_133 = arith.index_cast %add3A_61 : i32 to index
        %get3A_134 = arith.constant 64 : index
        %get3A_135 = tpu.vector_load %arg12[%get3A_133, %get3A_134] {strides = array<i32>} : memref<80x128xf32, #tpu.memory_space<vmem>>, vector<1x16xf32>,
        %get3A_136 = vector.shape_cast %get3A_135 : vector<1x16xf32> to vector<16xf32>
        %mul3A_137 = arith.mulf %get3A_136, %broadcast_in_dim3A_132 : vector<16xf32>
        %swap3A_138 = arith.index_cast %add3A_61 : i32 to index
        %swap3A_139 = arith.constant 64 : index
        %swap3A_140 = tpu.vector_load %arg13[%swap3A_138, %swap3A_139] {strides = array<i32>} : memref<80x144xf32, #tpu.memory_space<vmem>>, vector<1x16xf32>,
        %swap3A_141 = vector.shape_cast %swap3A_140 : vector<1x16xf32> to vector<16xf32>
        %swap3A_142 = vector.shape_cast %mul3A_137 : vector<16xf32> to vector<1x16xf32>
        tpu.vector_store %arg13[%swap3A_138, %swap3A_139], %swap3A_142 {strides = array<i32>} : memref<80x144xf32, #tpu.memory_space<vmem>>, vector<1x16xf32>,
        %slice3A_143 = vector.extract_strided_slice %exp3A {offsets = [2], sizes = [1], strides = [1]} : vector<16xf32> to vector<1xf32>
        %squeeze3A_144 = vector.extract %slice3A_143[0] : f32 from vector<1xf32>
        %broadcast_in_dim3A_145 = vector.broadcast %squeeze3A_144 : f32 to vector<16xf32>
        %get3A_146 = arith.index_cast %add3A_61 : i32 to index
        %get3A_147 = arith.constant 80 : index
        %get3A_148 = tpu.vector_load %arg12[%get3A_146, %get3A_147] {strides = array<i32>} : memref<80x128xf32, #tpu.memory_space<vmem>>, vector<1x16xf32>,
        %get3A_149 = vector.shape_cast %get3A_148 : vector<1x16xf32> to vector<16xf32>
        %mul3A_150 = arith.mulf %get3A_149, %broadcast_in_dim3A_145 : vector<16xf32>
        %swap3A_151 = arith.index_cast %add3A_61 : i32 to index
        %swap3A_152 = arith.constant 80 : index
        %swap3A_153 = tpu.vector_load %arg13[%swap3A_151, %swap3A_152] {strides = array<i32>} : memref<80x144xf32, #tpu.memory_space<vmem>>, vector<1x16xf32>,
        %swap3A_154 = vector.shape_cast %swap3A_153 : vector<1x16xf32> to vector<16xf32>
        %swap3A_155 = vector.shape_cast %mul3A_150 : vector<16xf32> to vector<1x16xf32>
        tpu.vector_store %arg13[%swap3A_151, %swap3A_152], %swap3A_155 {strides = array<i32>} : memref<80x144xf32, #tpu.memory_space<vmem>>, vector<1x16xf32>,
        %slice3A_156 = vector.extract_strided_slice %exp3A {offsets = [3], sizes = [1], strides = [1]} : vector<16xf32> to vector<1xf32>
        %squeeze3A_157 = vector.extract %slice3A_156[0] : f32 from vector<1xf32>
        %broadcast_in_dim3A_158 = vector.broadcast %squeeze3A_157 : f32 to vector<16xf32>
        %get3A_159 = arith.index_cast %add3A_61 : i32 to index
        %get3A_160 = arith.constant 96 : index
        %get3A_161 = tpu.vector_load %arg12[%get3A_159, %get3A_160] {strides = array<i32>} : memref<80x128xf32, #tpu.memory_space<vmem>>, vector<1x16xf32>,
        %get3A_162 = vector.shape_cast %get3A_161 : vector<1x16xf32> to vector<16xf32>
        %mul3A_163 = arith.mulf %get3A_162, %broadcast_in_dim3A_158 : vector<16xf32>
        %swap3A_164 = arith.index_cast %add3A_61 : i32 to index
        %swap3A_165 = arith.constant 96 : index
        %swap3A_166 = tpu.vector_load %arg13[%swap3A_164, %swap3A_165] {strides = array<i32>} : memref<80x144xf32, #tpu.memory_space<vmem>>, vector<1x16xf32>,
        %swap3A_167 = vector.shape_cast %swap3A_166 : vector<1x16xf32> to vector<16xf32>
        %swap3A_168 = vector.shape_cast %mul3A_163 : vector<16xf32> to vector<1x16xf32>
        tpu.vector_store %arg13[%swap3A_164, %swap3A_165], %swap3A_168 {strides = array<i32>} : memref<80x144xf32, #tpu.memory_space<vmem>>, vector<1x16xf32>,
        %slice3A_169 = vector.extract_strided_slice %exp3A {offsets = [3], sizes = [1], strides = [1]} : vector<16xf32> to vector<1xf32>
        %squeeze3A_170 = vector.extract %slice3A_169[0] : f32 from vector<1xf32>
        %broadcast_in_dim3A_171 = vector.broadcast %squeeze3A_170 : f32 to vector<16xf32>
        %get3A_172 = arith.index_cast %add3A_61 : i32 to index
        %get3A_173 = arith.constant 112 : index
        %get3A_174 = tpu.vector_load %arg12[%get3A_172, %get3A_173] {strides = array<i32>} : memref<80x128xf32, #tpu.memory_space<vmem>>, vector<1x16xf32>,
        %get3A_175 = vector.shape_cast %get3A_174 : vector<1x16xf32> to vector<16xf32>
        %mul3A_176 = arith.mulf %get3A_175, %broadcast_in_dim3A_171 : vector<16xf32>
        %swap3A_177 = arith.index_cast %add3A_61 : i32 to index
        %swap3A_178 = arith.constant 112 : index
        %swap3A_179 = tpu.vector_load %arg13[%swap3A_177, %swap3A_178] {strides = array<i32>} : memref<80x144xf32, #tpu.memory_space<vmem>>, vector<1x16xf32>,
        %swap3A_180 = vector.shape_cast %swap3A_179 : vector<1x16xf32> to vector<16xf32>
        %swap3A_181 = vector.shape_cast %mul3A_176 : vector<16xf32> to vector<1x16xf32>
        tpu.vector_store %arg13[%swap3A_177, %swap3A_178], %swap3A_181 {strides = array<i32>} : memref<80x144xf32, #tpu.memory_space<vmem>>, vector<1x16xf32>,
      }
      %scan3A_56 = arith.constant 80 : i32
      "tpu.region"() ({
        %run_scoped3A = tpu.sem_alloc : memref<!tpu.dma_semaphore, #tpu.memory_space<semaphore_mem>>
        %dma_start3A = arith.constant 0 : i32
        %dma_start3A_57 = arith.constant 0 : i32
        %dma_start3A_58 = tpu.memref_slice %arg14[%dma_start3A, %dma_start3A_57] : memref<10000x144xf32, #tpu.memory_space<vmem_shared>> -> memref<10000x144xf32, #tpu.memory_space<vmem_shared>>
        tpu.enqueue_indirect_dma source(%arg13 : memref<80x144xf32, #tpu.memory_space<vmem>>) target(%dma_start3A_58 : memref<10000x144xf32, #tpu.memory_space<vmem_shared>>) offsets(%arg9 : memref<80xi32, #tpu.memory_space<vmem>>) semaphore(%run_scoped3A : memref<!tpu.dma_semaphore, #tpu.memory_space<semaphore_mem>>) {add = true}
        %dma_wait3A = arith.constant 0 : i32
        %dma_wait3A_59 = arith.constant 0 : i32
        %dma_wait3A_60 = tpu.memref_slice %arg14[%dma_wait3A, %dma_wait3A_59] : memref<10000x144xf32, #tpu.memory_space<vmem_shared>> -> memref<10000x144xf32, #tpu.memory_space<vmem_shared>>
        tpu.wait_indirect_dma semaphore(%run_scoped3A : memref<!tpu.dma_semaphore, #tpu.memory_space<semaphore_mem>>) src(%arg13 : memref<80x144xf32, #tpu.memory_space<vmem>>) dst(%dma_wait3A_60 : memref<10000x144xf32, #tpu.memory_space<vmem_shared>>)
        tpu.yield
      }) : () -> ()
    }
    %scan3A_24 = arith.constant 125 : i32
    %barrier3A_25 = arith.constant 0 : index
    tpu.barrier barrier_id(%barrier3A_25)
    %scan3A_26 = arith.constant 0 : i32
    %scan3A_27 = arith.constant 7 : i32
    %scan3A_28 = arith.addi %scan3A_26, %scan3A_27 : i32
    %scan3A_29 = arith.constant 1 : i32
    scf.for %scan3A_44 = %scan3A_26 to %scan3A_28 step %scan3A_29  : i32 {
      %mul3A_45 = arith.constant 1 : i32
      %mul3A_46 = arith.muli %scan3A_44, %mul3A_45 : i32
      %add3A_47 = arith.constant 0 : i32
      %add3A_48 = arith.addi %add3A_47, %mul3A_46 : i32
      %mul3A_49 = arith.constant 80 : i32
      %mul3A_50 = arith.muli %add3A_48, %mul3A_49 : i32
      %add3A_51 = arith.addi %mul3A_9, %mul3A_50 : i32
      "tpu.region"() ({
        %run_scoped3A = tpu.sem_alloc : memref<!tpu.dma_semaphore, #tpu.memory_space<semaphore_mem>>
        %dma_start3A = arith.constant 0 : i32
        %dma_start3A_55 = tpu.memref_slice %arg14[%add3A_51, %dma_start3A] : memref<10000x144xf32, #tpu.memory_space<vmem_shared>> -> memref<80x144xf32, #tpu.memory_space<vmem_shared>>
        %dma_start3A_56 = arith.constant 0 : i32
        %dma_start3A_57 = tpu.memref_slice %arg14[%add3A_51, %dma_start3A_56] : memref<10000x144xf32, #tpu.memory_space<vmem_shared>> -> memref<80x144xf32, #tpu.memory_space<vmem_shared>>
        tpu.enqueue_dma source(%dma_start3A_57 : memref<80x144xf32, #tpu.memory_space<vmem_shared>>) target(%arg13 : memref<80x144xf32, #tpu.memory_space<vmem>>) target_semaphore(%run_scoped3A : memref<!tpu.dma_semaphore, #tpu.memory_space<semaphore_mem>>)
        %dma_wait3A = arith.constant 0 : i32
        %dma_wait3A_58 = tpu.memref_slice %arg14[%add3A_51, %dma_wait3A] : memref<10000x144xf32, #tpu.memory_space<vmem_shared>> -> memref<80x144xf32, #tpu.memory_space<vmem_shared>>
        %dma_wait3A_59 = arith.constant 0 : i32
        %dma_wait3A_60 = tpu.memref_slice %arg14[%add3A_51, %dma_wait3A_59] : memref<10000x144xf32, #tpu.memory_space<vmem_shared>> -> memref<80x144xf32, #tpu.memory_space<vmem_shared>>
        tpu.wait_dma2 semaphore(%run_scoped3A : memref<!tpu.dma_semaphore, #tpu.memory_space<semaphore_mem>>) src(%dma_wait3A_60 : memref<80x144xf32, #tpu.memory_space<vmem_shared>>) dst(%arg13 : memref<80x144xf32, #tpu.memory_space<vmem>>)
        tpu.yield
      }) : () -> ()
      %mul3A_52 = arith.constant 80 : i32
      %mul3A_53 = arith.muli %add3A_48, %mul3A_52 : i32
      %add3A_54 = arith.addi %mul3A_9, %mul3A_53 : i32
      "tpu.region"() ({
        %run_scoped3A = tpu.sem_alloc : memref<!tpu.dma_semaphore, #tpu.memory_space<semaphore_mem>>
        %dma_start3A = arith.constant 0 : i32
        %dma_start3A_55 = tpu.memref_slice %arg7[%arg0, %add3A_54, %dma_start3A] : memref<2x10000x144xf32, #tpu.memory_space<hbm>> -> memref<1x80x144xf32, #tpu.memory_space<hbm>>
        %dma_start3A_56 = tpu.memref_squeeze %dma_start3A_55 : memref<1x80x144xf32, #tpu.memory_space<hbm>> -> memref<80x144xf32, #tpu.memory_space<hbm>>
        %dma_start3A_57 = arith.constant 0 : i32
        %dma_start3A_58 = tpu.memref_slice %arg7[%arg0, %add3A_54, %dma_start3A_57] : memref<2x10000x144xf32, #tpu.memory_space<hbm>> -> memref<1x80x144xf32, #tpu.memory_space<hbm>>
        %dma_start3A_59 = tpu.memref_squeeze %dma_start3A_58 : memref<1x80x144xf32, #tpu.memory_space<hbm>> -> memref<80x144xf32, #tpu.memory_space<hbm>>
        tpu.enqueue_dma source(%arg13 : memref<80x144xf32, #tpu.memory_space<vmem>>) target(%dma_start3A_59 : memref<80x144xf32, #tpu.memory_space<hbm>>) target_semaphore(%run_scoped3A : memref<!tpu.dma_semaphore, #tpu.memory_space<semaphore_mem>>)
        %dma_wait3A = arith.constant 0 : i32
        %dma_wait3A_60 = tpu.memref_slice %arg7[%arg0, %add3A_54, %dma_wait3A] : memref<2x10000x144xf32, #tpu.memory_space<hbm>> -> memref<1x80x144xf32, #tpu.memory_space<hbm>>
        %dma_wait3A_61 = tpu.memref_squeeze %dma_wait3A_60 : memref<1x80x144xf32, #tpu.memory_space<hbm>> -> memref<80x144xf32, #tpu.memory_space<hbm>>
        %dma_wait3A_62 = arith.constant 0 : i32
        %dma_wait3A_63 = tpu.memref_slice %arg7[%arg0, %add3A_54, %dma_wait3A_62] : memref<2x10000x144xf32, #tpu.memory_space<hbm>> -> memref<1x80x144xf32, #tpu.memory_space<hbm>>
        %dma_wait3A_64 = tpu.memref_squeeze %dma_wait3A_63 : memref<1x80x144xf32, #tpu.memory_space<hbm>> -> memref<80x144xf32, #tpu.memory_space<hbm>>
        tpu.wait_dma2 semaphore(%run_scoped3A : memref<!tpu.dma_semaphore, #tpu.memory_space<semaphore_mem>>) src(%arg13 : memref<80x144xf32, #tpu.memory_space<vmem>>) dst(%dma_wait3A_64 : memref<80x144xf32, #tpu.memory_space<hbm>>)
        tpu.yield
      }) : () -> ()
    }
    %scan3A_30 = arith.constant 7 : i32
    %add3A_31 = arith.constant 624 : i32
    %add3A_32 = arith.addi %mul3A_9, %add3A_31 : i32
    %sub3A_33 = arith.constant 64 : i32
    %sub3A_34 = arith.subi %add3A_32, %sub3A_33 : i32
    "tpu.region"() ({
      %run_scoped3A = tpu.sem_alloc : memref<!tpu.dma_semaphore, #tpu.memory_space<semaphore_mem>>
      %dma_start3A = arith.constant 0 : i32
      %dma_start3A_44 = arith.constant 0 : i32
      %dma_start3A_45 = tpu.memref_slice %arg13[%dma_start3A, %dma_start3A_44] : memref<80x144xf32, #tpu.memory_space<vmem>> -> memref<64x144xf32, #tpu.memory_space<vmem>>
      %dma_start3A_46 = arith.constant 0 : i32
      %dma_start3A_47 = tpu.memref_slice %arg14[%sub3A_34, %dma_start3A_46] : memref<10000x144xf32, #tpu.memory_space<vmem_shared>> -> memref<64x144xf32, #tpu.memory_space<vmem_shared>>
      %dma_start3A_48 = arith.constant 0 : i32
      %dma_start3A_49 = arith.constant 0 : i32
      %dma_start3A_50 = tpu.memref_slice %arg13[%dma_start3A_48, %dma_start3A_49] : memref<80x144xf32, #tpu.memory_space<vmem>> -> memref<64x144xf32, #tpu.memory_space<vmem>>
      %dma_start3A_51 = arith.constant 0 : i32
      %dma_start3A_52 = tpu.memref_slice %arg14[%sub3A_34, %dma_start3A_51] : memref<10000x144xf32, #tpu.memory_space<vmem_shared>> -> memref<64x144xf32, #tpu.memory_space<vmem_shared>>
      tpu.enqueue_dma source(%dma_start3A_52 : memref<64x144xf32, #tpu.memory_space<vmem_shared>>) target(%dma_start3A_50 : memref<64x144xf32, #tpu.memory_space<vmem>>) target_semaphore(%run_scoped3A : memref<!tpu.dma_semaphore, #tpu.memory_space<semaphore_mem>>)
      %dma_wait3A = arith.constant 0 : i32
      %dma_wait3A_53 = arith.constant 0 : i32
      %dma_wait3A_54 = tpu.memref_slice %arg13[%dma_wait3A, %dma_wait3A_53] : memref<80x144xf32, #tpu.memory_space<vmem>> -> memref<64x144xf32, #tpu.memory_space<vmem>>
      %dma_wait3A_55 = arith.constant 0 : i32
      %dma_wait3A_56 = tpu.memref_slice %arg14[%sub3A_34, %dma_wait3A_55] : memref<10000x144xf32, #tpu.memory_space<vmem_shared>> -> memref<64x144xf32, #tpu.memory_space<vmem_shared>>
      %dma_wait3A_57 = arith.constant 0 : i32
      %dma_wait3A_58 = arith.constant 0 : i32
      %dma_wait3A_59 = tpu.memref_slice %arg13[%dma_wait3A_57, %dma_wait3A_58] : memref<80x144xf32, #tpu.memory_space<vmem>> -> memref<64x144xf32, #tpu.memory_space<vmem>>
      %dma_wait3A_60 = arith.constant 0 : i32
      %dma_wait3A_61 = tpu.memref_slice %arg14[%sub3A_34, %dma_wait3A_60] : memref<10000x144xf32, #tpu.memory_space<vmem_shared>> -> memref<64x144xf32, #tpu.memory_space<vmem_shared>>
      tpu.wait_dma2 semaphore(%run_scoped3A : memref<!tpu.dma_semaphore, #tpu.memory_space<semaphore_mem>>) src(%dma_wait3A_61 : memref<64x144xf32, #tpu.memory_space<vmem_shared>>) dst(%dma_wait3A_59 : memref<64x144xf32, #tpu.memory_space<vmem>>)
      tpu.yield
    }) : () -> ()
    %add3A_35 = arith.constant 624 : i32
    %add3A_36 = arith.addi %mul3A_9, %add3A_35 : i32
    %sub3A_37 = arith.constant 64 : i32
    %sub3A_38 = arith.subi %add3A_36, %sub3A_37 : i32
    "tpu.region"() ({
      %run_scoped3A = tpu.sem_alloc : memref<!tpu.dma_semaphore, #tpu.memory_space<semaphore_mem>>
      %dma_start3A = arith.constant 0 : i32
      %dma_start3A_44 = arith.constant 0 : i32
      %dma_start3A_45 = tpu.memref_slice %arg13[%dma_start3A, %dma_start3A_44] : memref<80x144xf32, #tpu.memory_space<vmem>> -> memref<64x144xf32, #tpu.memory_space<vmem>>
      %dma_start3A_46 = arith.constant 0 : i32
      %dma_start3A_47 = tpu.memref_slice %arg7[%arg0, %sub3A_38, %dma_start3A_46] : memref<2x10000x144xf32, #tpu.memory_space<hbm>> -> memref<1x64x144xf32, #tpu.memory_space<hbm>>
      %dma_start3A_48 = tpu.memref_squeeze %dma_start3A_47 : memref<1x64x144xf32, #tpu.memory_space<hbm>> -> memref<64x144xf32, #tpu.memory_space<hbm>>
      %dma_start3A_49 = arith.constant 0 : i32
      %dma_start3A_50 = tpu.memref_slice %arg7[%arg0, %sub3A_38, %dma_start3A_49] : memref<2x10000x144xf32, #tpu.memory_space<hbm>> -> memref<1x64x144xf32, #tpu.memory_space<hbm>>
      %dma_start3A_51 = tpu.memref_squeeze %dma_start3A_50 : memref<1x64x144xf32, #tpu.memory_space<hbm>> -> memref<64x144xf32, #tpu.memory_space<hbm>>
      %dma_start3A_52 = arith.constant 0 : i32
      %dma_start3A_53 = arith.constant 0 : i32
      %dma_start3A_54 = tpu.memref_slice %arg13[%dma_start3A_52, %dma_start3A_53] : memref<80x144xf32, #tpu.memory_space<vmem>> -> memref<64x144xf32, #tpu.memory_space<vmem>>
      tpu.enqueue_dma source(%dma_start3A_54 : memref<64x144xf32, #tpu.memory_space<vmem>>) target(%dma_start3A_51 : memref<64x144xf32, #tpu.memory_space<hbm>>) target_semaphore(%run_scoped3A : memref<!tpu.dma_semaphore, #tpu.memory_space<semaphore_mem>>)
      %dma_wait3A = arith.constant 0 : i32
      %dma_wait3A_55 = arith.constant 0 : i32
      %dma_wait3A_56 = tpu.memref_slice %arg13[%dma_wait3A, %dma_wait3A_55] : memref<80x144xf32, #tpu.memory_space<vmem>> -> memref<64x144xf32, #tpu.memory_space<vmem>>
      %dma_wait3A_57 = arith.constant 0 : i32
      %dma_wait3A_58 = tpu.memref_slice %arg7[%arg0, %sub3A_38, %dma_wait3A_57] : memref<2x10000x144xf32, #tpu.memory_space<hbm>> -> memref<1x64x144xf32, #tpu.memory_space<hbm>>
      %dma_wait3A_59 = tpu.memref_squeeze %dma_wait3A_58 : memref<1x64x144xf32, #tpu.memory_space<hbm>> -> memref<64x144xf32, #tpu.memory_space<hbm>>
      %dma_wait3A_60 = arith.constant 0 : i32
      %dma_wait3A_61 = tpu.memref_slice %arg7[%arg0, %sub3A_38, %dma_wait3A_60] : memref<2x10000x144xf32, #tpu.memory_space<hbm>> -> memref<1x64x144xf32, #tpu.memory_space<hbm>>
      %dma_wait3A_62 = tpu.memref_squeeze %dma_wait3A_61 : memref<1x64x144xf32, #tpu.memory_space<hbm>> -> memref<64x144xf32, #tpu.memory_space<hbm>>
      %dma_wait3A_63 = arith.constant 0 : i32
      %dma_wait3A_64 = arith.constant 0 : i32
      %dma_wait3A_65 = tpu.memref_slice %arg13[%dma_wait3A_63, %dma_wait3A_64] : memref<80x144xf32, #tpu.memory_space<vmem>> -> memref<64x144xf32, #tpu.memory_space<vmem>>
      tpu.wait_dma2 semaphore(%run_scoped3A : memref<!tpu.dma_semaphore, #tpu.memory_space<semaphore_mem>>) src(%dma_wait3A_65 : memref<64x144xf32, #tpu.memory_space<vmem>>) dst(%dma_wait3A_62 : memref<64x144xf32, #tpu.memory_space<hbm>>)
      tpu.yield
    }) : () -> ()
    %eq3A_39 = arith.constant 15 : i32
    %eq3A_40 = arith.cmpi eq, %arg1, %eq3A_39 : i32
    %convert_element_type3A_41 = arith.extui %eq3A_40 : i1 to i32
    %cond3A_42 = arith.constant 0 : i32
    %cond3A_43 = arith.cmpi ne, %convert_element_type3A_41, %cond3A_42 : i32
    scf.if %cond3A_43 {
      "tpu.region"() ({
        %run_scoped3A = tpu.sem_alloc : memref<!tpu.dma_semaphore, #tpu.memory_space<semaphore_mem>>
        %dma_start3A = arith.constant 0 : i32
        %dma_start3A_44 = arith.constant 0 : i32
        %dma_start3A_45 = tpu.memref_slice %arg13[%dma_start3A, %dma_start3A_44] : memref<80x144xf32, #tpu.memory_space<vmem>> -> memref<16x144xf32, #tpu.memory_space<vmem>>
        %dma_start3A_46 = arith.constant 9984 : i32
        %dma_start3A_47 = arith.constant 0 : i32
        %dma_start3A_48 = tpu.memref_slice %arg14[%dma_start3A_46, %dma_start3A_47] : memref<10000x144xf32, #tpu.memory_space<vmem_shared>> -> memref<16x144xf32, #tpu.memory_space<vmem_shared>>
        %dma_start3A_49 = arith.constant 0 : i32
        %dma_start3A_50 = arith.constant 0 : i32
        %dma_start3A_51 = tpu.memref_slice %arg13[%dma_start3A_49, %dma_start3A_50] : memref<80x144xf32, #tpu.memory_space<vmem>> -> memref<16x144xf32, #tpu.memory_space<vmem>>
        %dma_start3A_52 = arith.constant 9984 : i32
        %dma_start3A_53 = arith.constant 0 : i32
        %dma_start3A_54 = tpu.memref_slice %arg14[%dma_start3A_52, %dma_start3A_53] : memref<10000x144xf32, #tpu.memory_space<vmem_shared>> -> memref<16x144xf32, #tpu.memory_space<vmem_shared>>
        tpu.enqueue_dma source(%dma_start3A_54 : memref<16x144xf32, #tpu.memory_space<vmem_shared>>) target(%dma_start3A_51 : memref<16x144xf32, #tpu.memory_space<vmem>>) target_semaphore(%run_scoped3A : memref<!tpu.dma_semaphore, #tpu.memory_space<semaphore_mem>>)
        %dma_wait3A = arith.constant 0 : i32
        %dma_wait3A_55 = arith.constant 0 : i32
        %dma_wait3A_56 = tpu.memref_slice %arg13[%dma_wait3A, %dma_wait3A_55] : memref<80x144xf32, #tpu.memory_space<vmem>> -> memref<16x144xf32, #tpu.memory_space<vmem>>
        %dma_wait3A_57 = arith.constant 9984 : i32
        %dma_wait3A_58 = arith.constant 0 : i32
        %dma_wait3A_59 = tpu.memref_slice %arg14[%dma_wait3A_57, %dma_wait3A_58] : memref<10000x144xf32, #tpu.memory_space<vmem_shared>> -> memref<16x144xf32, #tpu.memory_space<vmem_shared>>
        %dma_wait3A_60 = arith.constant 0 : i32
        %dma_wait3A_61 = arith.constant 0 : i32
        %dma_wait3A_62 = tpu.memref_slice %arg13[%dma_wait3A_60, %dma_wait3A_61] : memref<80x144xf32, #tpu.memory_space<vmem>> -> memref<16x144xf32, #tpu.memory_space<vmem>>
        %dma_wait3A_63 = arith.constant 9984 : i32
        %dma_wait3A_64 = arith.constant 0 : i32
        %dma_wait3A_65 = tpu.memref_slice %arg14[%dma_wait3A_63, %dma_wait3A_64] : memref<10000x144xf32, #tpu.memory_space<vmem_shared>> -> memref<16x144xf32, #tpu.memory_space<vmem_shared>>
        tpu.wait_dma2 semaphore(%run_scoped3A : memref<!tpu.dma_semaphore, #tpu.memory_space<semaphore_mem>>) src(%dma_wait3A_65 : memref<16x144xf32, #tpu.memory_space<vmem_shared>>) dst(%dma_wait3A_62 : memref<16x144xf32, #tpu.memory_space<vmem>>)
        tpu.yield
      }) : () -> ()
      "tpu.region"() ({
        %run_scoped3A = tpu.sem_alloc : memref<!tpu.dma_semaphore, #tpu.memory_space<semaphore_mem>>
        %dma_start3A = arith.constant 0 : i32
        %dma_start3A_44 = arith.constant 0 : i32
        %dma_start3A_45 = tpu.memref_slice %arg13[%dma_start3A, %dma_start3A_44] : memref<80x144xf32, #tpu.memory_space<vmem>> -> memref<16x144xf32, #tpu.memory_space<vmem>>
        %dma_start3A_46 = arith.constant 9984 : i32
        %dma_start3A_47 = arith.constant 0 : i32
        %dma_start3A_48 = tpu.memref_slice %arg7[%arg0, %dma_start3A_46, %dma_start3A_47] : memref<2x10000x144xf32, #tpu.memory_space<hbm>> -> memref<1x16x144xf32, #tpu.memory_space<hbm>>
        %dma_start3A_49 = tpu.memref_squeeze %dma_start3A_48 : memref<1x16x144xf32, #tpu.memory_space<hbm>> -> memref<16x144xf32, #tpu.memory_space<hbm>>
        %dma_start3A_50 = arith.constant 9984 : i32
        %dma_start3A_51 = arith.constant 0 : i32
        %dma_start3A_52 = tpu.memref_slice %arg7[%arg0, %dma_start3A_50, %dma_start3A_51] : memref<2x10000x144xf32, #tpu.memory_space<hbm>> -> memref<1x16x144xf32, #tpu.memory_space<hbm>>
        %dma_start3A_53 = tpu.memref_squeeze %dma_start3A_52 : memref<1x16x144xf32, #tpu.memory_space<hbm>> -> memref<16x144xf32, #tpu.memory_space<hbm>>
        %dma_start3A_54 = arith.constant 0 : i32
        %dma_start3A_55 = arith.constant 0 : i32
        %dma_start3A_56 = tpu.memref_slice %arg13[%dma_start3A_54, %dma_start3A_55] : memref<80x144xf32, #tpu.memory_space<vmem>> -> memref<16x144xf32, #tpu.memory_space<vmem>>
        tpu.enqueue_dma source(%dma_start3A_56 : memref<16x144xf32, #tpu.memory_space<vmem>>) target(%dma_start3A_53 : memref<16x144xf32, #tpu.memory_space<hbm>>) target_semaphore(%run_scoped3A : memref<!tpu.dma_semaphore, #tpu.memory_space<semaphore_mem>>)
        %dma_wait3A = arith.constant 0 : i32
        %dma_wait3A_57 = arith.constant 0 : i32
        %dma_wait3A_58 = tpu.memref_slice %arg13[%dma_wait3A, %dma_wait3A_57] : memref<80x144xf32, #tpu.memory_space<vmem>> -> memref<16x144xf32, #tpu.memory_space<vmem>>
        %dma_wait3A_59 = arith.constant 9984 : i32
        %dma_wait3A_60 = arith.constant 0 : i32
        %dma_wait3A_61 = tpu.memref_slice %arg7[%arg0, %dma_wait3A_59, %dma_wait3A_60] : memref<2x10000x144xf32, #tpu.memory_space<hbm>> -> memref<1x16x144xf32, #tpu.memory_space<hbm>>
        %dma_wait3A_62 = tpu.memref_squeeze %dma_wait3A_61 : memref<1x16x144xf32, #tpu.memory_space<hbm>> -> memref<16x144xf32, #tpu.memory_space<hbm>>
        %dma_wait3A_63 = arith.constant 9984 : i32
        %dma_wait3A_64 = arith.constant 0 : i32
        %dma_wait3A_65 = tpu.memref_slice %arg7[%arg0, %dma_wait3A_63, %dma_wait3A_64] : memref<2x10000x144xf32, #tpu.memory_space<hbm>> -> memref<1x16x144xf32, #tpu.memory_space<hbm>>
        %dma_wait3A_66 = tpu.memref_squeeze %dma_wait3A_65 : memref<1x16x144xf32, #tpu.memory_space<hbm>> -> memref<16x144xf32, #tpu.memory_space<hbm>>
        %dma_wait3A_67 = arith.constant 0 : i32
        %dma_wait3A_68 = arith.constant 0 : i32
        %dma_wait3A_69 = tpu.memref_slice %arg13[%dma_wait3A_67, %dma_wait3A_68] : memref<80x144xf32, #tpu.memory_space<vmem>> -> memref<16x144xf32, #tpu.memory_space<vmem>>
        tpu.wait_dma2 semaphore(%run_scoped3A : memref<!tpu.dma_semaphore, #tpu.memory_space<semaphore_mem>>) src(%dma_wait3A_69 : memref<16x144xf32, #tpu.memory_space<vmem>>) dst(%dma_wait3A_66 : memref<16x144xf32, #tpu.memory_space<hbm>>)
        tpu.yield
      }) : () -> ()
    } else {
    }
    return
  }
}

#map = affine_map<(d0, d1) -> (0)>
#map1 = affine_map<(d0, d1) -> (0, 0)>
#map2 = affine_map<(d0, d1) -> (0, 0, 0)>
module attributes {stable_mosaic.version = 14 : i64} {
  func.func @kern(%arg0: i32, %arg1: i32, %arg2: memref<320000xi32, #tpu.memory_space<hbm>>, %arg3: memref<320000xi32, #tpu.memory_space<hbm>>, %arg4: memref<10000x16xf32, #tpu.memory_space<hbm>>, %arg5: memref<10000x16xf32, #tpu.memory_space<hbm>>, %arg6: memref<10000x128xf32, #tpu.memory_space<hbm>>, %arg7: memref<2x10000x144xf32, #tpu.memory_space<hbm>>, %arg8: memref<80xi32, #tpu.memory_space<vmem>>, %arg9: memref<80xi32, #tpu.memory_space<vmem>>, %arg10: memref<80x16xf32, #tpu.memory_space<vmem>>, %arg11: memref<80x16xf32, #tpu.memory_space<vmem>>, %arg12: memref<80x128xf32, #tpu.memory_space<vmem>>, %arg13: memref<80x144xf32, #tpu.memory_space<vmem>>, %arg14: memref<10000x144xf32, #tpu.memory_space<vmem_shared>>) attributes {dimension_semantics = [#tpu.dimension_semantics<core_parallel>, #tpu.dimension_semantics<subcore_parallel>], iteration_bounds = array<i64: 2, 16>, scalar_prefetch = 0 : i64, scratch_operands = 7 : i64, tpu.core_type = #tpu.core_type<sc_vector_subcore>, window_params = [{transform_indices = #map}, {transform_indices = #map}, {transform_indices = #map1}, {transform_indices = #map1}, {transform_indices = #map1}, {transform_indices = #map2}]} {
    %mul3A = arith.constant 16 : i32
    %mul3A_0 = arith.muli %arg0, %mul3A : i32
    %add3A = arith.addi %mul3A_0, %arg1 : i32
    %mul3A_1 = arith.constant 10000 : i32
    %mul3A_2 = arith.muli %add3A, %mul3A_1 : i32
    %broadcast_in_dim3A = arith.constant 0.000000e+00 : f32
    %broadcast_in_dim3A_3 = vector.broadcast %broadcast_in_dim3A : f32 to vector<16xf32>
    %iota3A = tpu.iota {dimensions = array<i32: 0>} : vector<16xi32>
    %scan3A = arith.constant 0 : i32
    %scan3A_4 = arith.constant 80 : i32
    %scan3A_5 = arith.addi %scan3A, %scan3A_4 : i32
    %scan3A_6 = arith.constant 1 : i32
    scf.for %scan3A_44 = %scan3A to %scan3A_5 step %scan3A_6  : i32 {
      %mul3A_45 = arith.constant 1 : i32
      %mul3A_46 = arith.muli %scan3A_44, %mul3A_45 : i32
      %add3A_47 = arith.constant 0 : i32
      %add3A_48 = arith.addi %add3A_47, %mul3A_46 : i32
      %scan3A_49 = arith.constant 0 : i32
      %scan3A_50 = arith.constant 9 : i32
      %scan3A_51 = arith.addi %scan3A_49, %scan3A_50 : i32
      %scan3A_52 = arith.constant 1 : i32
      scf.for %scan3A_54 = %scan3A_49 to %scan3A_51 step %scan3A_52  : i32 {
        %mul3A_55 = arith.constant 1 : i32
        %mul3A_56 = arith.muli %scan3A_54, %mul3A_55 : i32
        %add3A_57 = arith.constant 0 : i32
        %add3A_58 = arith.addi %add3A_57, %mul3A_56 : i32
        %mul3A_59 = arith.constant 16 : i32
        %mul3A_60 = arith.muli %add3A_58, %mul3A_59 : i32
        %swap3A = arith.index_cast %add3A_48 : i32 to index
        %swap3A_61 = arith.index_cast %mul3A_60 : i32 to index
        %swap3A_62 = tpu.vector_load %arg13[%swap3A, %swap3A_61] {strides = array<i32>} : memref<80x144xf32, #tpu.memory_space<vmem>>, vector<1x16xf32>,
        %swap3A_63 = vector.shape_cast %swap3A_62 : vector<1x16xf32> to vector<16xf32>
        %swap3A_64 = vector.shape_cast %broadcast_in_dim3A_3 : vector<16xf32> to vector<1x16xf32>
        tpu.vector_store %arg13[%swap3A, %swap3A_61], %swap3A_64 {strides = array<i32>} : memref<80x144xf32, #tpu.memory_space<vmem>>, vector<1x16xf32>,
      }
      %scan3A_53 = arith.constant 9 : i32
    }
    %scan3A_7 = arith.constant 80 : i32
    %mul3A_8 = arith.constant 624 : i32
    %mul3A_9 = arith.muli %arg1, %mul3A_8 : i32
    %scan3A_10 = arith.constant 0 : i32
    %scan3A_11 = arith.constant 7 : i32
    %scan3A_12 = arith.addi %scan3A_10, %scan3A_11 : i32
    %scan3A_13 = arith.constant 1 : i32
    scf.for %scan3A_44 = %scan3A_10 to %scan3A_12 step %scan3A_13  : i32 {
      %mul3A_45 = arith.constant 1 : i32
      %mul3A_46 = arith.muli %scan3A_44, %mul3A_45 : i32
      %add3A_47 = arith.constant 0 : i32
      %add3A_48 = arith.addi %add3A_47, %mul3A_46 : i32
      %mul3A_49 = arith.constant 80 : i32
      %mul3A_50 = arith.muli %add3A_48, %mul3A_49 : i32
      %add3A_51 = arith.addi %mul3A_9, %mul3A_50 : i32
      "tpu.region"() ({
        %run_scoped3A = tpu.sem_alloc : memref<!tpu.dma_semaphore, #tpu.memory_space<semaphore_mem>>
        %dma_start3A = arith.constant 0 : i32
        %dma_start3A_52 = tpu.memref_slice %arg14[%add3A_51, %dma_start3A] : memref<10000x144xf32, #tpu.memory_space<vmem_shared>> -> memref<80x144xf32, #tpu.memory_space<vmem_shared>>
        %dma_start3A_53 = arith.constant 0 : i32
        %dma_start3A_54 = tpu.memref_slice %arg14[%add3A_51, %dma_start3A_53] : memref<10000x144xf32, #tpu.memory_space<vmem_shared>> -> memref<80x144xf32, #tpu.memory_space<vmem_shared>>
        tpu.enqueue_dma source(%arg13 : memref<80x144xf32, #tpu.memory_space<vmem>>) target(%dma_start3A_54 : memref<80x144xf32, #tpu.memory_space<vmem_shared>>) target_semaphore(%run_scoped3A : memref<!tpu.dma_semaphore, #tpu.memory_space<semaphore_mem>>)
        %dma_wait3A = arith.constant 0 : i32
        %dma_wait3A_55 = tpu.memref_slice %arg14[%add3A_51, %dma_wait3A] : memref<10000x144xf32, #tpu.memory_space<vmem_shared>> -> memref<80x144xf32, #tpu.memory_space<vmem_shared>>
        %dma_wait3A_56 = arith.constant 0 : i32
        %dma_wait3A_57 = tpu.memref_slice %arg14[%add3A_51, %dma_wait3A_56] : memref<10000x144xf32, #tpu.memory_space<vmem_shared>> -> memref<80x144xf32, #tpu.memory_space<vmem_shared>>
        tpu.wait_dma2 semaphore(%run_scoped3A : memref<!tpu.dma_semaphore, #tpu.memory_space<semaphore_mem>>) src(%arg13 : memref<80x144xf32, #tpu.memory_space<vmem>>) dst(%dma_wait3A_57 : memref<80x144xf32, #tpu.memory_space<vmem_shared>>)
        tpu.yield
      }) : () -> ()
    }
    %scan3A_14 = arith.constant 7 : i32
    %add3A_15 = arith.constant 624 : i32
    %add3A_16 = arith.addi %mul3A_9, %add3A_15 : i32
    %sub3A = arith.constant 64 : i32
    %sub3A_17 = arith.subi %add3A_16, %sub3A : i32
    "tpu.region"() ({
      %run_scoped3A = tpu.sem_alloc : memref<!tpu.dma_semaphore, #tpu.memory_space<semaphore_mem>>
      %dma_start3A = arith.constant 0 : i32
      %dma_start3A_44 = arith.constant 0 : i32
      %dma_start3A_45 = tpu.memref_slice %arg13[%dma_start3A, %dma_start3A_44] : memref<80x144xf32, #tpu.memory_space<vmem>> -> memref<64x144xf32, #tpu.memory_space<vmem>>
      %dma_start3A_46 = arith.constant 0 : i32
      %dma_start3A_47 = tpu.memref_slice %arg14[%sub3A_17, %dma_start3A_46] : memref<10000x144xf32, #tpu.memory_space<vmem_shared>> -> memref<64x144xf32, #tpu.memory_space<vmem_shared>>
      %dma_start3A_48 = arith.constant 0 : i32
      %dma_start3A_49 = tpu.memref_slice %arg14[%sub3A_17, %dma_start3A_48] : memref<10000x144xf32, #tpu.memory_space<vmem_shared>> -> memref<64x144xf32, #tpu.memory_space<vmem_shared>>
      %dma_start3A_50 = arith.constant 0 : i32
      %dma_start3A_51 = arith.constant 0 : i32
      %dma_start3A_52 = tpu.memref_slice %arg13[%dma_start3A_50, %dma_start3A_51] : memref<80x144xf32, #tpu.memory_space<vmem>> -> memref<64x144xf32, #tpu.memory_space<vmem>>
      tpu.enqueue_dma source(%dma_start3A_52 : memref<64x144xf32, #tpu.memory_space<vmem>>) target(%dma_start3A_49 : memref<64x144xf32, #tpu.memory_space<vmem_shared>>) target_semaphore(%run_scoped3A : memref<!tpu.dma_semaphore, #tpu.memory_space<semaphore_mem>>)
      %dma_wait3A = arith.constant 0 : i32
      %dma_wait3A_53 = arith.constant 0 : i32
      %dma_wait3A_54 = tpu.memref_slice %arg13[%dma_wait3A, %dma_wait3A_53] : memref<80x144xf32, #tpu.memory_space<vmem>> -> memref<64x144xf32, #tpu.memory_space<vmem>>
      %dma_wait3A_55 = arith.constant 0 : i32
      %dma_wait3A_56 = tpu.memref_slice %arg14[%sub3A_17, %dma_wait3A_55] : memref<10000x144xf32, #tpu.memory_space<vmem_shared>> -> memref<64x144xf32, #tpu.memory_space<vmem_shared>>
      %dma_wait3A_57 = arith.constant 0 : i32
      %dma_wait3A_58 = tpu.memref_slice %arg14[%sub3A_17, %dma_wait3A_57] : memref<10000x144xf32, #tpu.memory_space<vmem_shared>> -> memref<64x144xf32, #tpu.memory_space<vmem_shared>>
      %dma_wait3A_59 = arith.constant 0 : i32
      %dma_wait3A_60 = arith.constant 0 : i32
      %dma_wait3A_61 = tpu.memref_slice %arg13[%dma_wait3A_59, %dma_wait3A_60] : memref<80x144xf32, #tpu.memory_space<vmem>> -> memref<64x144xf32, #tpu.memory_space<vmem>>
      tpu.wait_dma2 semaphore(%run_scoped3A : memref<!tpu.dma_semaphore, #tpu.memory_space<semaphore_mem>>) src(%dma_wait3A_61 : memref<64x144xf32, #tpu.memory_space<vmem>>) dst(%dma_wait3A_58 : memref<64x144xf32, #tpu.memory_space<vmem_shared>>)
      tpu.yield
    }) : () -> ()
    %eq3A = arith.constant 15 : i32
    %eq3A_18 = arith.cmpi eq, %arg1, %eq3A : i32
    %convert_element_type3A = arith.extui %eq3A_18 : i1 to i32
    %cond3A = arith.constant 0 : i32
    %cond3A_19 = arith.cmpi ne, %convert_element_type3A, %cond3A : i32
    scf.if %cond3A_19 {
      "tpu.region"() ({
        %run_scoped3A = tpu.sem_alloc : memref<!tpu.dma_semaphore, #tpu.memory_space<semaphore_mem>>
        %dma_start3A = arith.constant 0 : i32
        %dma_start3A_44 = arith.constant 0 : i32
        %dma_start3A_45 = tpu.memref_slice %arg13[%dma_start3A, %dma_start3A_44] : memref<80x144xf32, #tpu.memory_space<vmem>> -> memref<16x144xf32, #tpu.memory_space<vmem>>
        %dma_start3A_46 = arith.constant 9984 : i32
        %dma_start3A_47 = arith.constant 0 : i32
        %dma_start3A_48 = tpu.memref_slice %arg14[%dma_start3A_46, %dma_start3A_47] : memref<10000x144xf32, #tpu.memory_space<vmem_shared>> -> memref<16x144xf32, #tpu.memory_space<vmem_shared>>
        %dma_start3A_49 = arith.constant 9984 : i32
        %dma_start3A_50 = arith.constant 0 : i32
        %dma_start3A_51 = tpu.memref_slice %arg14[%dma_start3A_49, %dma_start3A_50] : memref<10000x144xf32, #tpu.memory_space<vmem_shared>> -> memref<16x144xf32, #tpu.memory_space<vmem_shared>>
        %dma_start3A_52 = arith.constant 0 : i32
        %dma_start3A_53 = arith.constant 0 : i32
        %dma_start3A_54 = tpu.memref_slice %arg13[%dma_start3A_52, %dma_start3A_53] : memref<80x144xf32, #tpu.memory_space<vmem>> -> memref<16x144xf32, #tpu.memory_space<vmem>>
        tpu.enqueue_dma source(%dma_start3A_54 : memref<16x144xf32, #tpu.memory_space<vmem>>) target(%dma_start3A_51 : memref<16x144xf32, #tpu.memory_space<vmem_shared>>) target_semaphore(%run_scoped3A : memref<!tpu.dma_semaphore, #tpu.memory_space<semaphore_mem>>)
        %dma_wait3A = arith.constant 0 : i32
        %dma_wait3A_55 = arith.constant 0 : i32
        %dma_wait3A_56 = tpu.memref_slice %arg13[%dma_wait3A, %dma_wait3A_55] : memref<80x144xf32, #tpu.memory_space<vmem>> -> memref<16x144xf32, #tpu.memory_space<vmem>>
        %dma_wait3A_57 = arith.constant 9984 : i32
        %dma_wait3A_58 = arith.constant 0 : i32
        %dma_wait3A_59 = tpu.memref_slice %arg14[%dma_wait3A_57, %dma_wait3A_58] : memref<10000x144xf32, #tpu.memory_space<vmem_shared>> -> memref<16x144xf32, #tpu.memory_space<vmem_shared>>
        %dma_wait3A_60 = arith.constant 9984 : i32
        %dma_wait3A_61 = arith.constant 0 : i32
        %dma_wait3A_62 = tpu.memref_slice %arg14[%dma_wait3A_60, %dma_wait3A_61] : memref<10000x144xf32, #tpu.memory_space<vmem_shared>> -> memref<16x144xf32, #tpu.memory_space<vmem_shared>>
        %dma_wait3A_63 = arith.constant 0 : i32
        %dma_wait3A_64 = arith.constant 0 : i32
        %dma_wait3A_65 = tpu.memref_slice %arg13[%dma_wait3A_63, %dma_wait3A_64] : memref<80x144xf32, #tpu.memory_space<vmem>> -> memref<16x144xf32, #tpu.memory_space<vmem>>
        tpu.wait_dma2 semaphore(%run_scoped3A : memref<!tpu.dma_semaphore, #tpu.memory_space<semaphore_mem>>) src(%dma_wait3A_65 : memref<16x144xf32, #tpu.memory_space<vmem>>) dst(%dma_wait3A_62 : memref<16x144xf32, #tpu.memory_space<vmem_shared>>)
        tpu.yield
      }) : () -> ()
    } else {
    }
    %barrier3A = arith.constant 0 : index
    tpu.barrier barrier_id(%barrier3A)
    %scan3A_20 = arith.constant 0 : i32
    %scan3A_21 = arith.constant 125 : i32
    %scan3A_22 = arith.addi %scan3A_20, %scan3A_21 : i32
    %scan3A_23 = arith.constant 1 : i32
    scf.for %scan3A_44 = %scan3A_20 to %scan3A_22 step %scan3A_23  : i32 {
      %mul3A_45 = arith.constant 1 : i32
      %mul3A_46 = arith.muli %scan3A_44, %mul3A_45 : i32
      %add3A_47 = arith.constant 0 : i32
      %add3A_48 = arith.addi %add3A_47, %mul3A_46 : i32
      %mul3A_49 = arith.constant 80 : i32
      %mul3A_50 = arith.muli %add3A_48, %mul3A_49 : i32
      %add3A_51 = arith.addi %mul3A_2, %mul3A_50 : i32
      "tpu.region"() ({
        %run_scoped3A = tpu.sem_alloc : memref<!tpu.dma_semaphore, #tpu.memory_space<semaphore_mem>>
        %dma_start3A = tpu.memref_slice %arg2[%add3A_51] : memref<320000xi32, #tpu.memory_space<hbm>> -> memref<80xi32, #tpu.memory_space<hbm>>
        %dma_start3A_57 = tpu.memref_slice %arg2[%add3A_51] : memref<320000xi32, #tpu.memory_space<hbm>> -> memref<80xi32, #tpu.memory_space<hbm>>
        tpu.enqueue_dma source(%dma_start3A_57 : memref<80xi32, #tpu.memory_space<hbm>>) target(%arg8 : memref<80xi32, #tpu.memory_space<vmem>>) target_semaphore(%run_scoped3A : memref<!tpu.dma_semaphore, #tpu.memory_space<semaphore_mem>>)
        %dma_wait3A = tpu.memref_slice %arg2[%add3A_51] : memref<320000xi32, #tpu.memory_space<hbm>> -> memref<80xi32, #tpu.memory_space<hbm>>
        %dma_wait3A_58 = tpu.memref_slice %arg2[%add3A_51] : memref<320000xi32, #tpu.memory_space<hbm>> -> memref<80xi32, #tpu.memory_space<hbm>>
        tpu.wait_dma2 semaphore(%run_scoped3A : memref<!tpu.dma_semaphore, #tpu.memory_space<semaphore_mem>>) src(%dma_wait3A_58 : memref<80xi32, #tpu.memory_space<hbm>>) dst(%arg8 : memref<80xi32, #tpu.memory_space<vmem>>)
        tpu.yield
      }) : () -> ()
      "tpu.region"() ({
        %run_scoped3A = tpu.sem_alloc : memref<!tpu.dma_semaphore, #tpu.memory_space<semaphore_mem>>
        %dma_start3A = tpu.memref_slice %arg3[%add3A_51] : memref<320000xi32, #tpu.memory_space<hbm>> -> memref<80xi32, #tpu.memory_space<hbm>>
        %dma_start3A_57 = tpu.memref_slice %arg3[%add3A_51] : memref<320000xi32, #tpu.memory_space<hbm>> -> memref<80xi32, #tpu.memory_space<hbm>>
        tpu.enqueue_dma source(%dma_start3A_57 : memref<80xi32, #tpu.memory_space<hbm>>) target(%arg9 : memref<80xi32, #tpu.memory_space<vmem>>) target_semaphore(%run_scoped3A : memref<!tpu.dma_semaphore, #tpu.memory_space<semaphore_mem>>)
        %dma_wait3A = tpu.memref_slice %arg3[%add3A_51] : memref<320000xi32, #tpu.memory_space<hbm>> -> memref<80xi32, #tpu.memory_space<hbm>>
        %dma_wait3A_58 = tpu.memref_slice %arg3[%add3A_51] : memref<320000xi32, #tpu.memory_space<hbm>> -> memref<80xi32, #tpu.memory_space<hbm>>
        tpu.wait_dma2 semaphore(%run_scoped3A : memref<!tpu.dma_semaphore, #tpu.memory_space<semaphore_mem>>) src(%dma_wait3A_58 : memref<80xi32, #tpu.memory_space<hbm>>) dst(%arg9 : memref<80xi32, #tpu.memory_space<vmem>>)
        tpu.yield
      }) : () -> ()
      "tpu.region"() ({
        %run_scoped3A = tpu.sem_alloc : memref<!tpu.dma_semaphore, #tpu.memory_space<semaphore_mem>>
        %dma_start3A = arith.constant 0 : i32
        %dma_start3A_57 = arith.constant 0 : i32
        %dma_start3A_58 = tpu.memref_slice %arg4[%dma_start3A, %dma_start3A_57] : memref<10000x16xf32, #tpu.memory_space<hbm>> -> memref<10000x16xf32, #tpu.memory_space<hbm>>
        tpu.enqueue_indirect_dma source(%dma_start3A_58 : memref<10000x16xf32, #tpu.memory_space<hbm>>) target(%arg10 : memref<80x16xf32, #tpu.memory_space<vmem>>) offsets(%arg8 : memref<80xi32, #tpu.memory_space<vmem>>) semaphore(%run_scoped3A : memref<!tpu.dma_semaphore, #tpu.memory_space<semaphore_mem>>)
        %dma_wait3A = arith.constant 0 : i32
        %dma_wait3A_59 = arith.constant 0 : i32
        %dma_wait3A_60 = tpu.memref_slice %arg4[%dma_wait3A, %dma_wait3A_59] : memref<10000x16xf32, #tpu.memory_space<hbm>> -> memref<10000x16xf32, #tpu.memory_space<hbm>>
        tpu.wait_indirect_dma semaphore(%run_scoped3A : memref<!tpu.dma_semaphore, #tpu.memory_space<semaphore_mem>>) src(%dma_wait3A_60 : memref<10000x16xf32, #tpu.memory_space<hbm>>) dst(%arg10 : memref<80x16xf32, #tpu.memory_space<vmem>>)
        tpu.yield
      }) : () -> ()
      "tpu.region"() ({
        %run_scoped3A = tpu.sem_alloc : memref<!tpu.dma_semaphore, #tpu.memory_space<semaphore_mem>>
        %dma_start3A = arith.constant 0 : i32
        %dma_start3A_57 = arith.constant 0 : i32
        %dma_start3A_58 = tpu.memref_slice %arg5[%dma_start3A, %dma_start3A_57] : memref<10000x16xf32, #tpu.memory_space<hbm>> -> memref<10000x16xf32, #tpu.memory_space<hbm>>
        tpu.enqueue_indirect_dma source(%dma_start3A_58 : memref<10000x16xf32, #tpu.memory_space<hbm>>) target(%arg11 : memref<80x16xf32, #tpu.memory_space<vmem>>) offsets(%arg9 : memref<80xi32, #tpu.memory_space<vmem>>) semaphore(%run_scoped3A : memref<!tpu.dma_semaphore, #tpu.memory_space<semaphore_mem>>)
        %dma_wait3A = arith.constant 0 : i32
        %dma_wait3A_59 = arith.constant 0 : i32
        %dma_wait3A_60 = tpu.memref_slice %arg5[%dma_wait3A, %dma_wait3A_59] : memref<10000x16xf32, #tpu.memory_space<hbm>> -> memref<10000x16xf32, #tpu.memory_space<hbm>>
        tpu.wait_indirect_dma semaphore(%run_scoped3A : memref<!tpu.dma_semaphore, #tpu.memory_space<semaphore_mem>>) src(%dma_wait3A_60 : memref<10000x16xf32, #tpu.memory_space<hbm>>) dst(%arg11 : memref<80x16xf32, #tpu.memory_space<vmem>>)
        tpu.yield
      }) : () -> ()
      "tpu.region"() ({
        %run_scoped3A = tpu.sem_alloc : memref<!tpu.dma_semaphore, #tpu.memory_space<semaphore_mem>>
        %dma_start3A = arith.constant 0 : i32
        %dma_start3A_57 = arith.constant 0 : i32
        %dma_start3A_58 = tpu.memref_slice %arg6[%dma_start3A, %dma_start3A_57] : memref<10000x128xf32, #tpu.memory_space<hbm>> -> memref<10000x128xf32, #tpu.memory_space<hbm>>
        tpu.enqueue_indirect_dma source(%dma_start3A_58 : memref<10000x128xf32, #tpu.memory_space<hbm>>) target(%arg12 : memref<80x128xf32, #tpu.memory_space<vmem>>) offsets(%arg8 : memref<80xi32, #tpu.memory_space<vmem>>) semaphore(%run_scoped3A : memref<!tpu.dma_semaphore, #tpu.memory_space<semaphore_mem>>)
        %dma_wait3A = arith.constant 0 : i32
        %dma_wait3A_59 = arith.constant 0 : i32
        %dma_wait3A_60 = tpu.memref_slice %arg6[%dma_wait3A, %dma_wait3A_59] : memref<10000x128xf32, #tpu.memory_space<hbm>> -> memref<10000x128xf32, #tpu.memory_space<hbm>>
        tpu.wait_indirect_dma semaphore(%run_scoped3A : memref<!tpu.dma_semaphore, #tpu.memory_space<semaphore_mem>>) src(%dma_wait3A_60 : memref<10000x128xf32, #tpu.memory_space<hbm>>) dst(%arg12 : memref<80x128xf32, #tpu.memory_space<vmem>>)
        tpu.yield
      }) : () -> ()
      %scan3A_52 = arith.constant 0 : i32
      %scan3A_53 = arith.constant 80 : i32
      %scan3A_54 = arith.addi %scan3A_52, %scan3A_53 : i32
      %scan3A_55 = arith.constant 1 : i32
      scf.for %scan3A_57 = %scan3A_52 to %scan3A_54 step %scan3A_55  : i32 {
        %mul3A_58 = arith.constant 1 : i32
        %mul3A_59 = arith.muli %scan3A_57, %mul3A_58 : i32
        %add3A_60 = arith.constant 0 : i32
        %add3A_61 = arith.addi %add3A_60, %mul3A_59 : i32
        %get3A = arith.index_cast %add3A_61 : i32 to index
        %get3A_62 = arith.constant 0 : index
        %get3A_63 = tpu.vector_load %arg10[%get3A, %get3A_62] {strides = array<i32>} : memref<80x16xf32, #tpu.memory_space<vmem>>, vector<1x16xf32>,
        %get3A_64 = vector.shape_cast %get3A_63 : vector<1x16xf32> to vector<16xf32>
        %get3A_65 = arith.index_cast %add3A_61 : i32 to index
        %get3A_66 = arith.constant 0 : index
        %get3A_67 = tpu.vector_load %arg11[%get3A_65, %get3A_66] {strides = array<i32>} : memref<80x16xf32, #tpu.memory_space<vmem>>, vector<1x16xf32>,
        %get3A_68 = vector.shape_cast %get3A_67 : vector<1x16xf32> to vector<16xf32>
        %add3A_69 = arith.addf %get3A_64, %get3A_68 : vector<16xf32>
        %mul3A_70 = arith.constant 2.000000e-01 : f32
        %mul3A_71 = vector.broadcast %mul3A_70 : f32 to vector<16xf32>
        %mul3A_72 = arith.mulf %add3A_69, %mul3A_71 : vector<16xf32>
        %max3A = arith.maximumf %add3A_69, %mul3A_72 : vector<16xf32>
        %exp3A = math.exp %max3A : vector<16xf32>
        %lt3A = arith.constant 1 : i32
        %lt3A_73 = vector.broadcast %lt3A : i32 to vector<16xi32>
        %lt3A_74 = arith.cmpi slt, %iota3A, %lt3A_73 : vector<16xi32>
        %jit3A = arith.constant 0.000000e+00 : f32
        %broadcast_in_dim3A_75 = vector.broadcast %jit3A : f32 to vector<16xf32>
        %select_n3A = arith.select %lt3A_74, %exp3A, %broadcast_in_dim3A_75 : vector<16xi1>, vector<16xf32>
        %swap3A = arith.index_cast %add3A_61 : i32 to index
        %swap3A_76 = arith.constant 128 : index
        %swap3A_77 = tpu.vector_load %arg13[%swap3A, %swap3A_76] {strides = array<i32>} : memref<80x144xf32, #tpu.memory_space<vmem>>, vector<1x16xf32>,
        %swap3A_78 = vector.shape_cast %swap3A_77 : vector<1x16xf32> to vector<16xf32>
        %swap3A_79 = vector.shape_cast %select_n3A : vector<16xf32> to vector<1x16xf32>
        tpu.vector_store %arg13[%swap3A, %swap3A_76], %swap3A_79 {strides = array<i32>} : memref<80x144xf32, #tpu.memory_space<vmem>>, vector<1x16xf32>,
        %slice3A = vector.extract_strided_slice %exp3A {offsets = [0], sizes = [1], strides = [1]} : vector<16xf32> to vector<1xf32>
        %squeeze3A = vector.extract %slice3A[0] : f32 from vector<1xf32>
        %broadcast_in_dim3A_80 = vector.broadcast %squeeze3A : f32 to vector<16xf32>
        %get3A_81 = arith.index_cast %add3A_61 : i32 to index
        %get3A_82 = arith.constant 0 : index
        %get3A_83 = tpu.vector_load %arg12[%get3A_81, %get3A_82] {strides = array<i32>} : memref<80x128xf32, #tpu.memory_space<vmem>>, vector<1x16xf32>,
        %get3A_84 = vector.shape_cast %get3A_83 : vector<1x16xf32> to vector<16xf32>
        %mul3A_85 = arith.mulf %get3A_84, %broadcast_in_dim3A_80 : vector<16xf32>
        %swap3A_86 = arith.index_cast %add3A_61 : i32 to index
        %swap3A_87 = arith.constant 0 : index
        %swap3A_88 = tpu.vector_load %arg13[%swap3A_86, %swap3A_87] {strides = array<i32>} : memref<80x144xf32, #tpu.memory_space<vmem>>, vector<1x16xf32>,
        %swap3A_89 = vector.shape_cast %swap3A_88 : vector<1x16xf32> to vector<16xf32>
        %swap3A_90 = vector.shape_cast %mul3A_85 : vector<16xf32> to vector<1x16xf32>
        tpu.vector_store %arg13[%swap3A_86, %swap3A_87], %swap3A_90 {strides = array<i32>} : memref<80x144xf32, #tpu.memory_space<vmem>>, vector<1x16xf32>,
        %slice3A_91 = vector.extract_strided_slice %exp3A {offsets = [0], sizes = [1], strides = [1]} : vector<16xf32> to vector<1xf32>
        %squeeze3A_92 = vector.extract %slice3A_91[0] : f32 from vector<1xf32>
        %broadcast_in_dim3A_93 = vector.broadcast %squeeze3A_92 : f32 to vector<16xf32>
        %get3A_94 = arith.index_cast %add3A_61 : i32 to index
        %get3A_95 = arith.constant 16 : index
        %get3A_96 = tpu.vector_load %arg12[%get3A_94, %get3A_95] {strides = array<i32>} : memref<80x128xf32, #tpu.memory_space<vmem>>, vector<1x16xf32>,
        %get3A_97 = vector.shape_cast %get3A_96 : vector<1x16xf32> to vector<16xf32>
        %mul3A_98 = arith.mulf %get3A_97, %broadcast_in_dim3A_93 : vector<16xf32>
        %swap3A_99 = arith.index_cast %add3A_61 : i32 to index
        %swap3A_100 = arith.constant 16 : index
        %swap3A_101 = tpu.vector_load %arg13[%swap3A_99, %swap3A_100] {strides = array<i32>} : memref<80x144xf32, #tpu.memory_space<vmem>>, vector<1x16xf32>,
        %swap3A_102 = vector.shape_cast %swap3A_101 : vector<1x16xf32> to vector<16xf32>
        %swap3A_103 = vector.shape_cast %mul3A_98 : vector<16xf32> to vector<1x16xf32>
        tpu.vector_store %arg13[%swap3A_99, %swap3A_100], %swap3A_103 {strides = array<i32>} : memref<80x144xf32, #tpu.memory_space<vmem>>, vector<1x16xf32>,
        %slice3A_104 = vector.extract_strided_slice %exp3A {offsets = [0], sizes = [1], strides = [1]} : vector<16xf32> to vector<1xf32>
        %squeeze3A_105 = vector.extract %slice3A_104[0] : f32 from vector<1xf32>
        %broadcast_in_dim3A_106 = vector.broadcast %squeeze3A_105 : f32 to vector<16xf32>
        %get3A_107 = arith.index_cast %add3A_61 : i32 to index
        %get3A_108 = arith.constant 32 : index
        %get3A_109 = tpu.vector_load %arg12[%get3A_107, %get3A_108] {strides = array<i32>} : memref<80x128xf32, #tpu.memory_space<vmem>>, vector<1x16xf32>,
        %get3A_110 = vector.shape_cast %get3A_109 : vector<1x16xf32> to vector<16xf32>
        %mul3A_111 = arith.mulf %get3A_110, %broadcast_in_dim3A_106 : vector<16xf32>
        %swap3A_112 = arith.index_cast %add3A_61 : i32 to index
        %swap3A_113 = arith.constant 32 : index
        %swap3A_114 = tpu.vector_load %arg13[%swap3A_112, %swap3A_113] {strides = array<i32>} : memref<80x144xf32, #tpu.memory_space<vmem>>, vector<1x16xf32>,
        %swap3A_115 = vector.shape_cast %swap3A_114 : vector<1x16xf32> to vector<16xf32>
        %swap3A_116 = vector.shape_cast %mul3A_111 : vector<16xf32> to vector<1x16xf32>
        tpu.vector_store %arg13[%swap3A_112, %swap3A_113], %swap3A_116 {strides = array<i32>} : memref<80x144xf32, #tpu.memory_space<vmem>>, vector<1x16xf32>,
        %slice3A_117 = vector.extract_strided_slice %exp3A {offsets = [0], sizes = [1], strides = [1]} : vector<16xf32> to vector<1xf32>
        %squeeze3A_118 = vector.extract %slice3A_117[0] : f32 from vector<1xf32>
        %broadcast_in_dim3A_119 = vector.broadcast %squeeze3A_118 : f32 to vector<16xf32>
        %get3A_120 = arith.index_cast %add3A_61 : i32 to index
        %get3A_121 = arith.constant 48 : index
        %get3A_122 = tpu.vector_load %arg12[%get3A_120, %get3A_121] {strides = array<i32>} : memref<80x128xf32, #tpu.memory_space<vmem>>, vector<1x16xf32>,
        %get3A_123 = vector.shape_cast %get3A_122 : vector<1x16xf32> to vector<16xf32>
        %mul3A_124 = arith.mulf %get3A_123, %broadcast_in_dim3A_119 : vector<16xf32>
        %swap3A_125 = arith.index_cast %add3A_61 : i32 to index
        %swap3A_126 = arith.constant 48 : index
        %swap3A_127 = tpu.vector_load %arg13[%swap3A_125, %swap3A_126] {strides = array<i32>} : memref<80x144xf32, #tpu.memory_space<vmem>>, vector<1x16xf32>,
        %swap3A_128 = vector.shape_cast %swap3A_127 : vector<1x16xf32> to vector<16xf32>
        %swap3A_129 = vector.shape_cast %mul3A_124 : vector<16xf32> to vector<1x16xf32>
        tpu.vector_store %arg13[%swap3A_125, %swap3A_126], %swap3A_129 {strides = array<i32>} : memref<80x144xf32, #tpu.memory_space<vmem>>, vector<1x16xf32>,
        %slice3A_130 = vector.extract_strided_slice %exp3A {offsets = [0], sizes = [1], strides = [1]} : vector<16xf32> to vector<1xf32>
        %squeeze3A_131 = vector.extract %slice3A_130[0] : f32 from vector<1xf32>
        %broadcast_in_dim3A_132 = vector.broadcast %squeeze3A_131 : f32 to vector<16xf32>
        %get3A_133 = arith.index_cast %add3A_61 : i32 to index
        %get3A_134 = arith.constant 64 : index
        %get3A_135 = tpu.vector_load %arg12[%get3A_133, %get3A_134] {strides = array<i32>} : memref<80x128xf32, #tpu.memory_space<vmem>>, vector<1x16xf32>,
        %get3A_136 = vector.shape_cast %get3A_135 : vector<1x16xf32> to vector<16xf32>
        %mul3A_137 = arith.mulf %get3A_136, %broadcast_in_dim3A_132 : vector<16xf32>
        %swap3A_138 = arith.index_cast %add3A_61 : i32 to index
        %swap3A_139 = arith.constant 64 : index
        %swap3A_140 = tpu.vector_load %arg13[%swap3A_138, %swap3A_139] {strides = array<i32>} : memref<80x144xf32, #tpu.memory_space<vmem>>, vector<1x16xf32>,
        %swap3A_141 = vector.shape_cast %swap3A_140 : vector<1x16xf32> to vector<16xf32>
        %swap3A_142 = vector.shape_cast %mul3A_137 : vector<16xf32> to vector<1x16xf32>
        tpu.vector_store %arg13[%swap3A_138, %swap3A_139], %swap3A_142 {strides = array<i32>} : memref<80x144xf32, #tpu.memory_space<vmem>>, vector<1x16xf32>,
        %slice3A_143 = vector.extract_strided_slice %exp3A {offsets = [0], sizes = [1], strides = [1]} : vector<16xf32> to vector<1xf32>
        %squeeze3A_144 = vector.extract %slice3A_143[0] : f32 from vector<1xf32>
        %broadcast_in_dim3A_145 = vector.broadcast %squeeze3A_144 : f32 to vector<16xf32>
        %get3A_146 = arith.index_cast %add3A_61 : i32 to index
        %get3A_147 = arith.constant 80 : index
        %get3A_148 = tpu.vector_load %arg12[%get3A_146, %get3A_147] {strides = array<i32>} : memref<80x128xf32, #tpu.memory_space<vmem>>, vector<1x16xf32>,
        %get3A_149 = vector.shape_cast %get3A_148 : vector<1x16xf32> to vector<16xf32>
        %mul3A_150 = arith.mulf %get3A_149, %broadcast_in_dim3A_145 : vector<16xf32>
        %swap3A_151 = arith.index_cast %add3A_61 : i32 to index
        %swap3A_152 = arith.constant 80 : index
        %swap3A_153 = tpu.vector_load %arg13[%swap3A_151, %swap3A_152] {strides = array<i32>} : memref<80x144xf32, #tpu.memory_space<vmem>>, vector<1x16xf32>,
        %swap3A_154 = vector.shape_cast %swap3A_153 : vector<1x16xf32> to vector<16xf32>
        %swap3A_155 = vector.shape_cast %mul3A_150 : vector<16xf32> to vector<1x16xf32>
        tpu.vector_store %arg13[%swap3A_151, %swap3A_152], %swap3A_155 {strides = array<i32>} : memref<80x144xf32, #tpu.memory_space<vmem>>, vector<1x16xf32>,
        %slice3A_156 = vector.extract_strided_slice %exp3A {offsets = [0], sizes = [1], strides = [1]} : vector<16xf32> to vector<1xf32>
        %squeeze3A_157 = vector.extract %slice3A_156[0] : f32 from vector<1xf32>
        %broadcast_in_dim3A_158 = vector.broadcast %squeeze3A_157 : f32 to vector<16xf32>
        %get3A_159 = arith.index_cast %add3A_61 : i32 to index
        %get3A_160 = arith.constant 96 : index
        %get3A_161 = tpu.vector_load %arg12[%get3A_159, %get3A_160] {strides = array<i32>} : memref<80x128xf32, #tpu.memory_space<vmem>>, vector<1x16xf32>,
        %get3A_162 = vector.shape_cast %get3A_161 : vector<1x16xf32> to vector<16xf32>
        %mul3A_163 = arith.mulf %get3A_162, %broadcast_in_dim3A_158 : vector<16xf32>
        %swap3A_164 = arith.index_cast %add3A_61 : i32 to index
        %swap3A_165 = arith.constant 96 : index
        %swap3A_166 = tpu.vector_load %arg13[%swap3A_164, %swap3A_165] {strides = array<i32>} : memref<80x144xf32, #tpu.memory_space<vmem>>, vector<1x16xf32>,
        %swap3A_167 = vector.shape_cast %swap3A_166 : vector<1x16xf32> to vector<16xf32>
        %swap3A_168 = vector.shape_cast %mul3A_163 : vector<16xf32> to vector<1x16xf32>
        tpu.vector_store %arg13[%swap3A_164, %swap3A_165], %swap3A_168 {strides = array<i32>} : memref<80x144xf32, #tpu.memory_space<vmem>>, vector<1x16xf32>,
        %slice3A_169 = vector.extract_strided_slice %exp3A {offsets = [0], sizes = [1], strides = [1]} : vector<16xf32> to vector<1xf32>
        %squeeze3A_170 = vector.extract %slice3A_169[0] : f32 from vector<1xf32>
        %broadcast_in_dim3A_171 = vector.broadcast %squeeze3A_170 : f32 to vector<16xf32>
        %get3A_172 = arith.index_cast %add3A_61 : i32 to index
        %get3A_173 = arith.constant 112 : index
        %get3A_174 = tpu.vector_load %arg12[%get3A_172, %get3A_173] {strides = array<i32>} : memref<80x128xf32, #tpu.memory_space<vmem>>, vector<1x16xf32>,
        %get3A_175 = vector.shape_cast %get3A_174 : vector<1x16xf32> to vector<16xf32>
        %mul3A_176 = arith.mulf %get3A_175, %broadcast_in_dim3A_171 : vector<16xf32>
        %swap3A_177 = arith.index_cast %add3A_61 : i32 to index
        %swap3A_178 = arith.constant 112 : index
        %swap3A_179 = tpu.vector_load %arg13[%swap3A_177, %swap3A_178] {strides = array<i32>} : memref<80x144xf32, #tpu.memory_space<vmem>>, vector<1x16xf32>,
        %swap3A_180 = vector.shape_cast %swap3A_179 : vector<1x16xf32> to vector<16xf32>
        %swap3A_181 = vector.shape_cast %mul3A_176 : vector<16xf32> to vector<1x16xf32>
        tpu.vector_store %arg13[%swap3A_177, %swap3A_178], %swap3A_181 {strides = array<i32>} : memref<80x144xf32, #tpu.memory_space<vmem>>, vector<1x16xf32>,
      }
      %scan3A_56 = arith.constant 80 : i32
      "tpu.region"() ({
        %run_scoped3A = tpu.sem_alloc : memref<!tpu.dma_semaphore, #tpu.memory_space<semaphore_mem>>
        %dma_start3A = arith.constant 0 : i32
        %dma_start3A_57 = arith.constant 0 : i32
        %dma_start3A_58 = tpu.memref_slice %arg14[%dma_start3A, %dma_start3A_57] : memref<10000x144xf32, #tpu.memory_space<vmem_shared>> -> memref<10000x144xf32, #tpu.memory_space<vmem_shared>>
        tpu.enqueue_indirect_dma source(%arg13 : memref<80x144xf32, #tpu.memory_space<vmem>>) target(%dma_start3A_58 : memref<10000x144xf32, #tpu.memory_space<vmem_shared>>) offsets(%arg9 : memref<80xi32, #tpu.memory_space<vmem>>) semaphore(%run_scoped3A : memref<!tpu.dma_semaphore, #tpu.memory_space<semaphore_mem>>) {add = true}
        %dma_wait3A = arith.constant 0 : i32
        %dma_wait3A_59 = arith.constant 0 : i32
        %dma_wait3A_60 = tpu.memref_slice %arg14[%dma_wait3A, %dma_wait3A_59] : memref<10000x144xf32, #tpu.memory_space<vmem_shared>> -> memref<10000x144xf32, #tpu.memory_space<vmem_shared>>
        tpu.wait_indirect_dma semaphore(%run_scoped3A : memref<!tpu.dma_semaphore, #tpu.memory_space<semaphore_mem>>) src(%arg13 : memref<80x144xf32, #tpu.memory_space<vmem>>) dst(%dma_wait3A_60 : memref<10000x144xf32, #tpu.memory_space<vmem_shared>>)
        tpu.yield
      }) : () -> ()
    }
    %scan3A_24 = arith.constant 125 : i32
    %barrier3A_25 = arith.constant 0 : index
    tpu.barrier barrier_id(%barrier3A_25)
    %scan3A_26 = arith.constant 0 : i32
    %scan3A_27 = arith.constant 7 : i32
    %scan3A_28 = arith.addi %scan3A_26, %scan3A_27 : i32
    %scan3A_29 = arith.constant 1 : i32
    scf.for %scan3A_44 = %scan3A_26 to %scan3A_28 step %scan3A_29  : i32 {
      %mul3A_45 = arith.constant 1 : i32
      %mul3A_46 = arith.muli %scan3A_44, %mul3A_45 : i32
      %add3A_47 = arith.constant 0 : i32
      %add3A_48 = arith.addi %add3A_47, %mul3A_46 : i32
      %mul3A_49 = arith.constant 80 : i32
      %mul3A_50 = arith.muli %add3A_48, %mul3A_49 : i32
      %add3A_51 = arith.addi %mul3A_9, %mul3A_50 : i32
      "tpu.region"() ({
        %run_scoped3A = tpu.sem_alloc : memref<!tpu.dma_semaphore, #tpu.memory_space<semaphore_mem>>
        %dma_start3A = arith.constant 0 : i32
        %dma_start3A_55 = tpu.memref_slice %arg14[%add3A_51, %dma_start3A] : memref<10000x144xf32, #tpu.memory_space<vmem_shared>> -> memref<80x144xf32, #tpu.memory_space<vmem_shared>>
        %dma_start3A_56 = arith.constant 0 : i32
        %dma_start3A_57 = tpu.memref_slice %arg14[%add3A_51, %dma_start3A_56] : memref<10000x144xf32, #tpu.memory_space<vmem_shared>> -> memref<80x144xf32, #tpu.memory_space<vmem_shared>>
        tpu.enqueue_dma source(%dma_start3A_57 : memref<80x144xf32, #tpu.memory_space<vmem_shared>>) target(%arg13 : memref<80x144xf32, #tpu.memory_space<vmem>>) target_semaphore(%run_scoped3A : memref<!tpu.dma_semaphore, #tpu.memory_space<semaphore_mem>>)
        %dma_wait3A = arith.constant 0 : i32
        %dma_wait3A_58 = tpu.memref_slice %arg14[%add3A_51, %dma_wait3A] : memref<10000x144xf32, #tpu.memory_space<vmem_shared>> -> memref<80x144xf32, #tpu.memory_space<vmem_shared>>
        %dma_wait3A_59 = arith.constant 0 : i32
        %dma_wait3A_60 = tpu.memref_slice %arg14[%add3A_51, %dma_wait3A_59] : memref<10000x144xf32, #tpu.memory_space<vmem_shared>> -> memref<80x144xf32, #tpu.memory_space<vmem_shared>>
        tpu.wait_dma2 semaphore(%run_scoped3A : memref<!tpu.dma_semaphore, #tpu.memory_space<semaphore_mem>>) src(%dma_wait3A_60 : memref<80x144xf32, #tpu.memory_space<vmem_shared>>) dst(%arg13 : memref<80x144xf32, #tpu.memory_space<vmem>>)
        tpu.yield
      }) : () -> ()
      %mul3A_52 = arith.constant 80 : i32
      %mul3A_53 = arith.muli %add3A_48, %mul3A_52 : i32
      %add3A_54 = arith.addi %mul3A_9, %mul3A_53 : i32
      "tpu.region"() ({
        %run_scoped3A = tpu.sem_alloc : memref<!tpu.dma_semaphore, #tpu.memory_space<semaphore_mem>>
        %dma_start3A = arith.constant 0 : i32
        %dma_start3A_55 = tpu.memref_slice %arg7[%arg0, %add3A_54, %dma_start3A] : memref<2x10000x144xf32, #tpu.memory_space<hbm>> -> memref<1x80x144xf32, #tpu.memory_space<hbm>>
        %dma_start3A_56 = tpu.memref_squeeze %dma_start3A_55 : memref<1x80x144xf32, #tpu.memory_space<hbm>> -> memref<80x144xf32, #tpu.memory_space<hbm>>
        %dma_start3A_57 = arith.constant 0 : i32
        %dma_start3A_58 = tpu.memref_slice %arg7[%arg0, %add3A_54, %dma_start3A_57] : memref<2x10000x144xf32, #tpu.memory_space<hbm>> -> memref<1x80x144xf32, #tpu.memory_space<hbm>>
        %dma_start3A_59 = tpu.memref_squeeze %dma_start3A_58 : memref<1x80x144xf32, #tpu.memory_space<hbm>> -> memref<80x144xf32, #tpu.memory_space<hbm>>
        tpu.enqueue_dma source(%arg13 : memref<80x144xf32, #tpu.memory_space<vmem>>) target(%dma_start3A_59 : memref<80x144xf32, #tpu.memory_space<hbm>>) target_semaphore(%run_scoped3A : memref<!tpu.dma_semaphore, #tpu.memory_space<semaphore_mem>>)
        %dma_wait3A = arith.constant 0 : i32
        %dma_wait3A_60 = tpu.memref_slice %arg7[%arg0, %add3A_54, %dma_wait3A] : memref<2x10000x144xf32, #tpu.memory_space<hbm>> -> memref<1x80x144xf32, #tpu.memory_space<hbm>>
        %dma_wait3A_61 = tpu.memref_squeeze %dma_wait3A_60 : memref<1x80x144xf32, #tpu.memory_space<hbm>> -> memref<80x144xf32, #tpu.memory_space<hbm>>
        %dma_wait3A_62 = arith.constant 0 : i32
        %dma_wait3A_63 = tpu.memref_slice %arg7[%arg0, %add3A_54, %dma_wait3A_62] : memref<2x10000x144xf32, #tpu.memory_space<hbm>> -> memref<1x80x144xf32, #tpu.memory_space<hbm>>
        %dma_wait3A_64 = tpu.memref_squeeze %dma_wait3A_63 : memref<1x80x144xf32, #tpu.memory_space<hbm>> -> memref<80x144xf32, #tpu.memory_space<hbm>>
        tpu.wait_dma2 semaphore(%run_scoped3A : memref<!tpu.dma_semaphore, #tpu.memory_space<semaphore_mem>>) src(%arg13 : memref<80x144xf32, #tpu.memory_space<vmem>>) dst(%dma_wait3A_64 : memref<80x144xf32, #tpu.memory_space<hbm>>)
        tpu.yield
      }) : () -> ()
    }
    %scan3A_30 = arith.constant 7 : i32
    %add3A_31 = arith.constant 624 : i32
    %add3A_32 = arith.addi %mul3A_9, %add3A_31 : i32
    %sub3A_33 = arith.constant 64 : i32
    %sub3A_34 = arith.subi %add3A_32, %sub3A_33 : i32
    "tpu.region"() ({
      %run_scoped3A = tpu.sem_alloc : memref<!tpu.dma_semaphore, #tpu.memory_space<semaphore_mem>>
      %dma_start3A = arith.constant 0 : i32
      %dma_start3A_44 = arith.constant 0 : i32
      %dma_start3A_45 = tpu.memref_slice %arg13[%dma_start3A, %dma_start3A_44] : memref<80x144xf32, #tpu.memory_space<vmem>> -> memref<64x144xf32, #tpu.memory_space<vmem>>
      %dma_start3A_46 = arith.constant 0 : i32
      %dma_start3A_47 = tpu.memref_slice %arg14[%sub3A_34, %dma_start3A_46] : memref<10000x144xf32, #tpu.memory_space<vmem_shared>> -> memref<64x144xf32, #tpu.memory_space<vmem_shared>>
      %dma_start3A_48 = arith.constant 0 : i32
      %dma_start3A_49 = arith.constant 0 : i32
      %dma_start3A_50 = tpu.memref_slice %arg13[%dma_start3A_48, %dma_start3A_49] : memref<80x144xf32, #tpu.memory_space<vmem>> -> memref<64x144xf32, #tpu.memory_space<vmem>>
      %dma_start3A_51 = arith.constant 0 : i32
      %dma_start3A_52 = tpu.memref_slice %arg14[%sub3A_34, %dma_start3A_51] : memref<10000x144xf32, #tpu.memory_space<vmem_shared>> -> memref<64x144xf32, #tpu.memory_space<vmem_shared>>
      tpu.enqueue_dma source(%dma_start3A_52 : memref<64x144xf32, #tpu.memory_space<vmem_shared>>) target(%dma_start3A_50 : memref<64x144xf32, #tpu.memory_space<vmem>>) target_semaphore(%run_scoped3A : memref<!tpu.dma_semaphore, #tpu.memory_space<semaphore_mem>>)
      %dma_wait3A = arith.constant 0 : i32
      %dma_wait3A_53 = arith.constant 0 : i32
      %dma_wait3A_54 = tpu.memref_slice %arg13[%dma_wait3A, %dma_wait3A_53] : memref<80x144xf32, #tpu.memory_space<vmem>> -> memref<64x144xf32, #tpu.memory_space<vmem>>
      %dma_wait3A_55 = arith.constant 0 : i32
      %dma_wait3A_56 = tpu.memref_slice %arg14[%sub3A_34, %dma_wait3A_55] : memref<10000x144xf32, #tpu.memory_space<vmem_shared>> -> memref<64x144xf32, #tpu.memory_space<vmem_shared>>
      %dma_wait3A_57 = arith.constant 0 : i32
      %dma_wait3A_58 = arith.constant 0 : i32
      %dma_wait3A_59 = tpu.memref_slice %arg13[%dma_wait3A_57, %dma_wait3A_58] : memref<80x144xf32, #tpu.memory_space<vmem>> -> memref<64x144xf32, #tpu.memory_space<vmem>>
      %dma_wait3A_60 = arith.constant 0 : i32
      %dma_wait3A_61 = tpu.memref_slice %arg14[%sub3A_34, %dma_wait3A_60] : memref<10000x144xf32, #tpu.memory_space<vmem_shared>> -> memref<64x144xf32, #tpu.memory_space<vmem_shared>>
      tpu.wait_dma2 semaphore(%run_scoped3A : memref<!tpu.dma_semaphore, #tpu.memory_space<semaphore_mem>>) src(%dma_wait3A_61 : memref<64x144xf32, #tpu.memory_space<vmem_shared>>) dst(%dma_wait3A_59 : memref<64x144xf32, #tpu.memory_space<vmem>>)
      tpu.yield
    }) : () -> ()
    %add3A_35 = arith.constant 624 : i32
    %add3A_36 = arith.addi %mul3A_9, %add3A_35 : i32
    %sub3A_37 = arith.constant 64 : i32
    %sub3A_38 = arith.subi %add3A_36, %sub3A_37 : i32
    "tpu.region"() ({
      %run_scoped3A = tpu.sem_alloc : memref<!tpu.dma_semaphore, #tpu.memory_space<semaphore_mem>>
      %dma_start3A = arith.constant 0 : i32
      %dma_start3A_44 = arith.constant 0 : i32
      %dma_start3A_45 = tpu.memref_slice %arg13[%dma_start3A, %dma_start3A_44] : memref<80x144xf32, #tpu.memory_space<vmem>> -> memref<64x144xf32, #tpu.memory_space<vmem>>
      %dma_start3A_46 = arith.constant 0 : i32
      %dma_start3A_47 = tpu.memref_slice %arg7[%arg0, %sub3A_38, %dma_start3A_46] : memref<2x10000x144xf32, #tpu.memory_space<hbm>> -> memref<1x64x144xf32, #tpu.memory_space<hbm>>
      %dma_start3A_48 = tpu.memref_squeeze %dma_start3A_47 : memref<1x64x144xf32, #tpu.memory_space<hbm>> -> memref<64x144xf32, #tpu.memory_space<hbm>>
      %dma_start3A_49 = arith.constant 0 : i32
      %dma_start3A_50 = tpu.memref_slice %arg7[%arg0, %sub3A_38, %dma_start3A_49] : memref<2x10000x144xf32, #tpu.memory_space<hbm>> -> memref<1x64x144xf32, #tpu.memory_space<hbm>>
      %dma_start3A_51 = tpu.memref_squeeze %dma_start3A_50 : memref<1x64x144xf32, #tpu.memory_space<hbm>> -> memref<64x144xf32, #tpu.memory_space<hbm>>
      %dma_start3A_52 = arith.constant 0 : i32
      %dma_start3A_53 = arith.constant 0 : i32
      %dma_start3A_54 = tpu.memref_slice %arg13[%dma_start3A_52, %dma_start3A_53] : memref<80x144xf32, #tpu.memory_space<vmem>> -> memref<64x144xf32, #tpu.memory_space<vmem>>
      tpu.enqueue_dma source(%dma_start3A_54 : memref<64x144xf32, #tpu.memory_space<vmem>>) target(%dma_start3A_51 : memref<64x144xf32, #tpu.memory_space<hbm>>) target_semaphore(%run_scoped3A : memref<!tpu.dma_semaphore, #tpu.memory_space<semaphore_mem>>)
      %dma_wait3A = arith.constant 0 : i32
      %dma_wait3A_55 = arith.constant 0 : i32
      %dma_wait3A_56 = tpu.memref_slice %arg13[%dma_wait3A, %dma_wait3A_55] : memref<80x144xf32, #tpu.memory_space<vmem>> -> memref<64x144xf32, #tpu.memory_space<vmem>>
      %dma_wait3A_57 = arith.constant 0 : i32
      %dma_wait3A_58 = tpu.memref_slice %arg7[%arg0, %sub3A_38, %dma_wait3A_57] : memref<2x10000x144xf32, #tpu.memory_space<hbm>> -> memref<1x64x144xf32, #tpu.memory_space<hbm>>
      %dma_wait3A_59 = tpu.memref_squeeze %dma_wait3A_58 : memref<1x64x144xf32, #tpu.memory_space<hbm>> -> memref<64x144xf32, #tpu.memory_space<hbm>>
      %dma_wait3A_60 = arith.constant 0 : i32
      %dma_wait3A_61 = tpu.memref_slice %arg7[%arg0, %sub3A_38, %dma_wait3A_60] : memref<2x10000x144xf32, #tpu.memory_space<hbm>> -> memref<1x64x144xf32, #tpu.memory_space<hbm>>
      %dma_wait3A_62 = tpu.memref_squeeze %dma_wait3A_61 : memref<1x64x144xf32, #tpu.memory_space<hbm>> -> memref<64x144xf32, #tpu.memory_space<hbm>>
      %dma_wait3A_63 = arith.constant 0 : i32
      %dma_wait3A_64 = arith.constant 0 : i32
      %dma_wait3A_65 = tpu.memref_slice %arg13[%dma_wait3A_63, %dma_wait3A_64] : memref<80x144xf32, #tpu.memory_space<vmem>> -> memref<64x144xf32, #tpu.memory_space<vmem>>
      tpu.wait_dma2 semaphore(%run_scoped3A : memref<!tpu.dma_semaphore, #tpu.memory_space<semaphore_mem>>) src(%dma_wait3A_65 : memref<64x144xf32, #tpu.memory_space<vmem>>) dst(%dma_wait3A_62 : memref<64x144xf32, #tpu.memory_space<hbm>>)
      tpu.yield
    }) : () -> ()
    %eq3A_39 = arith.constant 15 : i32
    %eq3A_40 = arith.cmpi eq, %arg1, %eq3A_39 : i32
    %convert_element_type3A_41 = arith.extui %eq3A_40 : i1 to i32
    %cond3A_42 = arith.constant 0 : i32
    %cond3A_43 = arith.cmpi ne, %convert_element_type3A_41, %cond3A_42 : i32
    scf.if %cond3A_43 {
      "tpu.region"() ({
        %run_scoped3A = tpu.sem_alloc : memref<!tpu.dma_semaphore, #tpu.memory_space<semaphore_mem>>
        %dma_start3A = arith.constant 0 : i32
        %dma_start3A_44 = arith.constant 0 : i32
        %dma_start3A_45 = tpu.memref_slice %arg13[%dma_start3A, %dma_start3A_44] : memref<80x144xf32, #tpu.memory_space<vmem>> -> memref<16x144xf32, #tpu.memory_space<vmem>>
        %dma_start3A_46 = arith.constant 9984 : i32
        %dma_start3A_47 = arith.constant 0 : i32
        %dma_start3A_48 = tpu.memref_slice %arg14[%dma_start3A_46, %dma_start3A_47] : memref<10000x144xf32, #tpu.memory_space<vmem_shared>> -> memref<16x144xf32, #tpu.memory_space<vmem_shared>>
        %dma_start3A_49 = arith.constant 0 : i32
        %dma_start3A_50 = arith.constant 0 : i32
        %dma_start3A_51 = tpu.memref_slice %arg13[%dma_start3A_49, %dma_start3A_50] : memref<80x144xf32, #tpu.memory_space<vmem>> -> memref<16x144xf32, #tpu.memory_space<vmem>>
        %dma_start3A_52 = arith.constant 9984 : i32
        %dma_start3A_53 = arith.constant 0 : i32
        %dma_start3A_54 = tpu.memref_slice %arg14[%dma_start3A_52, %dma_start3A_53] : memref<10000x144xf32, #tpu.memory_space<vmem_shared>> -> memref<16x144xf32, #tpu.memory_space<vmem_shared>>
        tpu.enqueue_dma source(%dma_start3A_54 : memref<16x144xf32, #tpu.memory_space<vmem_shared>>) target(%dma_start3A_51 : memref<16x144xf32, #tpu.memory_space<vmem>>) target_semaphore(%run_scoped3A : memref<!tpu.dma_semaphore, #tpu.memory_space<semaphore_mem>>)
        %dma_wait3A = arith.constant 0 : i32
        %dma_wait3A_55 = arith.constant 0 : i32
        %dma_wait3A_56 = tpu.memref_slice %arg13[%dma_wait3A, %dma_wait3A_55] : memref<80x144xf32, #tpu.memory_space<vmem>> -> memref<16x144xf32, #tpu.memory_space<vmem>>
        %dma_wait3A_57 = arith.constant 9984 : i32
        %dma_wait3A_58 = arith.constant 0 : i32
        %dma_wait3A_59 = tpu.memref_slice %arg14[%dma_wait3A_57, %dma_wait3A_58] : memref<10000x144xf32, #tpu.memory_space<vmem_shared>> -> memref<16x144xf32, #tpu.memory_space<vmem_shared>>
        %dma_wait3A_60 = arith.constant 0 : i32
        %dma_wait3A_61 = arith.constant 0 : i32
        %dma_wait3A_62 = tpu.memref_slice %arg13[%dma_wait3A_60, %dma_wait3A_61] : memref<80x144xf32, #tpu.memory_space<vmem>> -> memref<16x144xf32, #tpu.memory_space<vmem>>
        %dma_wait3A_63 = arith.constant 9984 : i32
        %dma_wait3A_64 = arith.constant 0 : i32
        %dma_wait3A_65 = tpu.memref_slice %arg14[%dma_wait3A_63, %dma_wait3A_64] : memref<10000x144xf32, #tpu.memory_space<vmem_shared>> -> memref<16x144xf32, #tpu.memory_space<vmem_shared>>
        tpu.wait_dma2 semaphore(%run_scoped3A : memref<!tpu.dma_semaphore, #tpu.memory_space<semaphore_mem>>) src(%dma_wait3A_65 : memref<16x144xf32, #tpu.memory_space<vmem_shared>>) dst(%dma_wait3A_62 : memref<16x144xf32, #tpu.memory_space<vmem>>)
        tpu.yield
      }) : () -> ()
      "tpu.region"() ({
        %run_scoped3A = tpu.sem_alloc : memref<!tpu.dma_semaphore, #tpu.memory_space<semaphore_mem>>
        %dma_start3A = arith.constant 0 : i32
        %dma_start3A_44 = arith.constant 0 : i32
        %dma_start3A_45 = tpu.memref_slice %arg13[%dma_start3A, %dma_start3A_44] : memref<80x144xf32, #tpu.memory_space<vmem>> -> memref<16x144xf32, #tpu.memory_space<vmem>>
        %dma_start3A_46 = arith.constant 9984 : i32
        %dma_start3A_47 = arith.constant 0 : i32
        %dma_start3A_48 = tpu.memref_slice %arg7[%arg0, %dma_start3A_46, %dma_start3A_47] : memref<2x10000x144xf32, #tpu.memory_space<hbm>> -> memref<1x16x144xf32, #tpu.memory_space<hbm>>
        %dma_start3A_49 = tpu.memref_squeeze %dma_start3A_48 : memref<1x16x144xf32, #tpu.memory_space<hbm>> -> memref<16x144xf32, #tpu.memory_space<hbm>>
        %dma_start3A_50 = arith.constant 9984 : i32
        %dma_start3A_51 = arith.constant 0 : i32
        %dma_start3A_52 = tpu.memref_slice %arg7[%arg0, %dma_start3A_50, %dma_start3A_51] : memref<2x10000x144xf32, #tpu.memory_space<hbm>> -> memref<1x16x144xf32, #tpu.memory_space<hbm>>
        %dma_start3A_53 = tpu.memref_squeeze %dma_start3A_52 : memref<1x16x144xf32, #tpu.memory_space<hbm>> -> memref<16x144xf32, #tpu.memory_space<hbm>>
        %dma_start3A_54 = arith.constant 0 : i32
        %dma_start3A_55 = arith.constant 0 : i32
        %dma_start3A_56 = tpu.memref_slice %arg13[%dma_start3A_54, %dma_start3A_55] : memref<80x144xf32, #tpu.memory_space<vmem>> -> memref<16x144xf32, #tpu.memory_space<vmem>>
        tpu.enqueue_dma source(%dma_start3A_56 : memref<16x144xf32, #tpu.memory_space<vmem>>) target(%dma_start3A_53 : memref<16x144xf32, #tpu.memory_space<hbm>>) target_semaphore(%run_scoped3A : memref<!tpu.dma_semaphore, #tpu.memory_space<semaphore_mem>>)
        %dma_wait3A = arith.constant 0 : i32
        %dma_wait3A_57 = arith.constant 0 : i32
        %dma_wait3A_58 = tpu.memref_slice %arg13[%dma_wait3A, %dma_wait3A_57] : memref<80x144xf32, #tpu.memory_space<vmem>> -> memref<16x144xf32, #tpu.memory_space<vmem>>
        %dma_wait3A_59 = arith.constant 9984 : i32
        %dma_wait3A_60 = arith.constant 0 : i32
        %dma_wait3A_61 = tpu.memref_slice %arg7[%arg0, %dma_wait3A_59, %dma_wait3A_60] : memref<2x10000x144xf32, #tpu.memory_space<hbm>> -> memref<1x16x144xf32, #tpu.memory_space<hbm>>
        %dma_wait3A_62 = tpu.memref_squeeze %dma_wait3A_61 : memref<1x16x144xf32, #tpu.memory_space<hbm>> -> memref<16x144xf32, #tpu.memory_space<hbm>>
        %dma_wait3A_63 = arith.constant 9984 : i32
        %dma_wait3A_64 = arith.constant 0 : i32
        %dma_wait3A_65 = tpu.memref_slice %arg7[%arg0, %dma_wait3A_63, %dma_wait3A_64] : memref<2x10000x144xf32, #tpu.memory_space<hbm>> -> memref<1x16x144xf32, #tpu.memory_space<hbm>>
        %dma_wait3A_66 = tpu.memref_squeeze %dma_wait3A_65 : memref<1x16x144xf32, #tpu.memory_space<hbm>> -> memref<16x144xf32, #tpu.memory_space<hbm>>
        %dma_wait3A_67 = arith.constant 0 : i32
        %dma_wait3A_68 = arith.constant 0 : i32
        %dma_wait3A_69 = tpu.memref_slice %arg13[%dma_wait3A_67, %dma_wait3A_68] : memref<80x144xf32, #tpu.memory_space<vmem>> -> memref<16x144xf32, #tpu.memory_space<vmem>>
        tpu.wait_dma2 semaphore(%run_scoped3A : memref<!tpu.dma_semaphore, #tpu.memory_space<semaphore_mem>>) src(%dma_wait3A_69 : memref<16x144xf32, #tpu.memory_space<vmem>>) dst(%dma_wait3A_66 : memref<16x144xf32, #tpu.memory_space<hbm>>)
        tpu.yield
      }) : () -> ()
    } else {
    }
    return
  }
}

module attributes {stable_mosaic.version = 14 : i64} {
  func.func @_tc_pre_body(%arg0: i32, %arg1: memref<1000x128xf32, #tpu.memory_space<vmem>>, %arg2: memref<128x128xf32, #tpu.memory_space<vmem>>, %arg3: memref<128x16xf32, #tpu.memory_space<vmem>>, %arg4: memref<128x16xf32, #tpu.memory_space<vmem>>, %arg5: memref<1000x128xf32, #tpu.memory_space<vmem>>, %arg6: memref<1000x16xf32, #tpu.memory_space<vmem>>, %arg7: memref<1000x16xf32, #tpu.memory_space<vmem>>) attributes {dimension_semantics = [#tpu.dimension_semantics<arbitrary>], iteration_bounds = array<i64: 10>, scalar_prefetch = 0 : i64, scratch_operands = 0 : i64, tpu.core_type = #tpu.core_type<tc>, window_params = [{transform_indices = @transform_0, window_bounds = array<i64: 1000, 128>}, {pipeline_mode = #tpu.pipeline_mode<synchronous>, transform_indices = @transform_1, window_bounds = array<i64: 128, 128>}, {pipeline_mode = #tpu.pipeline_mode<synchronous>, transform_indices = @transform_2, window_bounds = array<i64: 128, 16>}, {pipeline_mode = #tpu.pipeline_mode<synchronous>, transform_indices = @transform_3, window_bounds = array<i64: 128, 16>}, {transform_indices = @transform_4, window_bounds = array<i64: 1000, 128>}, {transform_indices = @transform_5, window_bounds = array<i64: 1000, 16>}, {transform_indices = @transform_6, window_bounds = array<i64: 1000, 16>}]} {
    %get3A = arith.constant 0 : index
    %get3A_0 = arith.constant 0 : index
    %get3A_1 = vector.load %arg1[%get3A, %get3A_0] : memref<1000x128xf32, #tpu.memory_space<vmem>>, vector<1000x128xf32>
    %get3A_2 = arith.constant 0 : index
    %get3A_3 = arith.constant 0 : index
    %get3A_4 = vector.load %arg2[%get3A_2, %get3A_3] : memref<128x128xf32, #tpu.memory_space<vmem>>, vector<128x128xf32>
    %dot_general3A = arith.constant dense<0.000000e+00> : vector<1000x128xf32>
    %dot_general3A_5 = tpu.matmul %get3A_1, %get3A_4, %dot_general3A {dimension_numbers = #tpu.dot_dimension_numbers<[1], [0], [0], [1], [0, 0, 1, 1], [], []>, transpose_lhs_hint = false} : vector<1000x128xf32>, vector<128x128xf32>, vector<1000x128xf32> -> vector<1000x128xf32>
    %swap3A = arith.constant 0 : index
    %swap3A_6 = arith.constant 0 : index
    %swap3A_7 = vector.load %arg5[%swap3A, %swap3A_6] : memref<1000x128xf32, #tpu.memory_space<vmem>>, vector<1000x128xf32>
    tpu.vector_store %arg5[%swap3A, %swap3A_6], %dot_general3A_5 {strides = array<i32>} : memref<1000x128xf32, #tpu.memory_space<vmem>>, vector<1000x128xf32>,
    %get3A_8 = arith.constant 0 : index
    %get3A_9 = arith.constant 0 : index
    %get3A_10 = vector.load %arg3[%get3A_8, %get3A_9] : memref<128x16xf32, #tpu.memory_space<vmem>>, vector<128x16xf32>
    %dot_general3A_11 = arith.constant dense<0.000000e+00> : vector<1000x16xf32>
    %dot_general3A_12 = tpu.matmul %dot_general3A_5, %get3A_10, %dot_general3A_11 {dimension_numbers = #tpu.dot_dimension_numbers<[1], [0], [0], [1], [0, 0, 1, 1], [], []>, transpose_lhs_hint = false} : vector<1000x128xf32>, vector<128x16xf32>, vector<1000x16xf32> -> vector<1000x16xf32>
    %swap3A_13 = arith.constant 0 : index
    %swap3A_14 = arith.constant 0 : index
    %swap3A_15 = vector.load %arg6[%swap3A_13, %swap3A_14] : memref<1000x16xf32, #tpu.memory_space<vmem>>, vector<1000x16xf32>
    tpu.vector_store %arg6[%swap3A_13, %swap3A_14], %dot_general3A_12 {strides = array<i32>} : memref<1000x16xf32, #tpu.memory_space<vmem>>, vector<1000x16xf32>,
    %get3A_16 = arith.constant 0 : index
    %get3A_17 = arith.constant 0 : index
    %get3A_18 = vector.load %arg4[%get3A_16, %get3A_17] : memref<128x16xf32, #tpu.memory_space<vmem>>, vector<128x16xf32>
    %dot_general3A_19 = arith.constant dense<0.000000e+00> : vector<1000x16xf32>
    %dot_general3A_20 = tpu.matmul %dot_general3A_5, %get3A_18, %dot_general3A_19 {dimension_numbers = #tpu.dot_dimension_numbers<[1], [0], [0], [1], [0, 0, 1, 1], [], []>, transpose_lhs_hint = false} : vector<1000x128xf32>, vector<128x16xf32>, vector<1000x16xf32> -> vector<1000x16xf32>
    %swap3A_21 = arith.constant 0 : index
    %swap3A_22 = arith.constant 0 : index
    %swap3A_23 = vector.load %arg7[%swap3A_21, %swap3A_22] : memref<1000x16xf32, #tpu.memory_space<vmem>>, vector<1000x16xf32>
    tpu.vector_store %arg7[%swap3A_21, %swap3A_22], %dot_general3A_20 {strides = array<i32>} : memref<1000x16xf32, #tpu.memory_space<vmem>>, vector<1000x16xf32>,
    return
  }
  func.func @transform_0(%arg0: i32) -> (i32, i32) {
    %c0_i32 = arith.constant 0 : i32
    %c0_i32_0 = arith.constant 0 : i32
    return %arg0, %c0_i32 : i32, i32
  }
  func.func @transform_1(%arg0: i32) -> (i32, i32) {
    %c0_i32 = arith.constant 0 : i32
    %c0_i32_0 = arith.constant 0 : i32
    %c0_i32_1 = arith.constant 0 : i32
    return %c0_i32, %c0_i32_0 : i32, i32
  }
  func.func @transform_2(%arg0: i32) -> (i32, i32) {
    %c0_i32 = arith.constant 0 : i32
    %c0_i32_0 = arith.constant 0 : i32
    %c0_i32_1 = arith.constant 0 : i32
    return %c0_i32, %c0_i32_0 : i32, i32
  }
  func.func @transform_3(%arg0: i32) -> (i32, i32) {
    %c0_i32 = arith.constant 0 : i32
    %c0_i32_0 = arith.constant 0 : i32
    %c0_i32_1 = arith.constant 0 : i32
    return %c0_i32, %c0_i32_0 : i32, i32
  }
  func.func @transform_4(%arg0: i32) -> (i32, i32) {
    %c0_i32 = arith.constant 0 : i32
    %c0_i32_0 = arith.constant 0 : i32
    return %arg0, %c0_i32 : i32, i32
  }
  func.func @transform_5(%arg0: i32) -> (i32, i32) {
    %c0_i32 = arith.constant 0 : i32
    %c0_i32_0 = arith.constant 0 : i32
    return %arg0, %c0_i32 : i32, i32
  }
  func.func @transform_6(%arg0: i32) -> (i32, i32) {
    %c0_i32 = arith.constant 0 : i32
    %c0_i32_0 = arith.constant 0 : i32
    return %arg0, %c0_i32 : i32, i32
  }
}

module attributes {stable_mosaic.version = 14 : i64} {
  func.func @_tc_norm_y_body(%arg0: i32, %arg1: memref<2x1000x144xf32, #tpu.memory_space<vmem>>, %arg2: memref<16x128xf32, #tpu.memory_space<vmem>>, %arg3: memref<1x128xf32, #tpu.memory_space<vmem>>, %arg4: memref<1000x128xf32, #tpu.memory_space<vmem>>, %arg5: memref<1x128xf32, #tpu.memory_space<vmem>>) attributes {dimension_semantics = [#tpu.dimension_semantics<arbitrary>], iteration_bounds = array<i64: 10>, scalar_prefetch = 0 : i64, scratch_operands = 0 : i64, tpu.core_type = #tpu.core_type<tc>, window_params = [{transform_indices = @transform_0, window_bounds = array<i64: 2, 1000, 144>}, {pipeline_mode = #tpu.pipeline_mode<synchronous>, transform_indices = @transform_1, window_bounds = array<i64: 16, 128>}, {pipeline_mode = #tpu.pipeline_mode<synchronous>, transform_indices = @transform_2, window_bounds = array<i64: 1, 128>}, {transform_indices = @transform_3, window_bounds = array<i64: 1000, 128>}, {pipeline_mode = #tpu.pipeline_mode<synchronous>, transform_indices = @transform_4, window_bounds = array<i64: 1, 128>}]} {
    %get3A = arith.constant 0 : index
    %get3A_0 = arith.constant 0 : index
    %get3A_1 = arith.constant 0 : index
    %get3A_2 = vector.load %arg1[%get3A, %get3A_0, %get3A_1] : memref<2x1000x144xf32, #tpu.memory_space<vmem>>, vector<1x1000x144xf32>
    %get3A_3 = vector.shape_cast %get3A_2 : vector<1x1000x144xf32> to vector<1000x144xf32>
    %get3A_4 = arith.constant 1 : index
    %get3A_5 = arith.constant 0 : index
    %get3A_6 = arith.constant 0 : index
    %get3A_7 = vector.load %arg1[%get3A_4, %get3A_5, %get3A_6] : memref<2x1000x144xf32, #tpu.memory_space<vmem>>, vector<1x1000x144xf32>
    %get3A_8 = vector.shape_cast %get3A_7 : vector<1x1000x144xf32> to vector<1000x144xf32>
    %add3A = arith.addf %get3A_3, %get3A_8 : vector<1000x144xf32>
    %slice3A = vector.extract_strided_slice %add3A {offsets = [0, 0], sizes = [1000, 128], strides = [1, 1]} : vector<1000x144xf32> to vector<1000x128xf32>
    %slice3A_9 = vector.extract_strided_slice %add3A {offsets = [0, 128], sizes = [1000, 16], strides = [1, 1]} : vector<1000x144xf32> to vector<1000x16xf32>
    %get3A_10 = arith.constant 0 : index
    %get3A_11 = arith.constant 0 : index
    %get3A_12 = vector.load %arg2[%get3A_10, %get3A_11] : memref<16x128xf32, #tpu.memory_space<vmem>>, vector<16x128xf32>
    %dot_general3A = arith.constant dense<0.000000e+00> : vector<1000x128xf32>
    %dot_general3A_13 = tpu.matmul %slice3A_9, %get3A_12, %dot_general3A {dimension_numbers = #tpu.dot_dimension_numbers<[1], [0], [0], [1], [0, 0, 1, 1], [], []>, transpose_lhs_hint = false} : vector<1000x16xf32>, vector<16x128xf32>, vector<1000x128xf32> -> vector<1000x128xf32>
    %gt3A = arith.constant 0.000000e+00 : f32
    %gt3A_14 = vector.broadcast %gt3A : f32 to vector<1000x128xf32>
    %gt3A_15 = arith.cmpf ogt, %dot_general3A_13, %gt3A_14 : vector<1000x128xf32>
    %div3A = arith.divf %slice3A, %dot_general3A_13 : vector<1000x128xf32>
    %jit3A = arith.constant 0.000000e+00 : f32
    %broadcast_in_dim3A = vector.broadcast %jit3A : f32 to vector<1000x128xf32>
    %select_n3A = arith.select %gt3A_15, %div3A, %broadcast_in_dim3A : vector<1000x128xi1>, vector<1000x128xf32>
    %get3A_16 = arith.constant 0 : index
    %get3A_17 = arith.constant 0 : index
    %get3A_18 = vector.load %arg3[%get3A_16, %get3A_17] : memref<1x128xf32, #tpu.memory_space<vmem>>, vector<1x128xf32>
    %add3A_19 = vector.broadcast %get3A_18 : vector<1x128xf32> to vector<1000x128xf32>
    %add3A_20 = arith.addf %select_n3A, %add3A_19 : vector<1000x128xf32>
    %swap3A = arith.constant 0 : index
    %swap3A_21 = arith.constant 0 : index
    %swap3A_22 = vector.load %arg4[%swap3A, %swap3A_21] : memref<1000x128xf32, #tpu.memory_space<vmem>>, vector<1000x128xf32>
    tpu.vector_store %arg4[%swap3A, %swap3A_21], %add3A_20 {strides = array<i32>} : memref<1000x128xf32, #tpu.memory_space<vmem>>, vector<1000x128xf32>,
    %reduce_sum3A = arith.constant dense<0.000000e+00> : vector<128xf32>
    %reduce_sum3A_23 = vector.multi_reduction <add>, %add3A_20, %reduce_sum3A [0] : vector<1000x128xf32> to vector<128xf32>
    %broadcast_in_dim3A_24 = vector.shape_cast %reduce_sum3A_23 : vector<128xf32> to vector<1x128xf32>
    %eq3A = arith.constant 0 : i32
    %eq3A_25 = arith.cmpi eq, %arg0, %eq3A : i32
    %convert_element_type3A = arith.extui %eq3A_25 : i1 to i32
    %cond3A = arith.constant 0 : i32
    %cond3A_26 = arith.cmpi ne, %convert_element_type3A, %cond3A : i32
    scf.if %cond3A_26 {
      %swap3A_31 = arith.constant 0 : index
      %swap3A_32 = arith.constant 0 : index
      %swap3A_33 = vector.load %arg5[%swap3A_31, %swap3A_32] : memref<1x128xf32, #tpu.memory_space<vmem>>, vector<1x128xf32>
      tpu.vector_store %arg5[%swap3A_31, %swap3A_32], %broadcast_in_dim3A_24 {strides = array<i32>} : memref<1x128xf32, #tpu.memory_space<vmem>>, vector<1x128xf32>,
    } else {
    }
    %ne3A = arith.constant 0 : i32
    %ne3A_27 = arith.cmpi ne, %arg0, %ne3A : i32
    %convert_element_type3A_28 = arith.extui %ne3A_27 : i1 to i32
    %cond3A_29 = arith.constant 0 : i32
    %cond3A_30 = arith.cmpi ne, %convert_element_type3A_28, %cond3A_29 : i32
    scf.if %cond3A_30 {
      %get3A_31 = arith.constant 0 : index
      %get3A_32 = arith.constant 0 : index
      %get3A_33 = vector.load %arg5[%get3A_31, %get3A_32] : memref<1x128xf32, #tpu.memory_space<vmem>>, vector<1x128xf32>
      %add3A_34 = arith.addf %get3A_33, %broadcast_in_dim3A_24 : vector<1x128xf32>
      %swap3A_35 = arith.constant 0 : index
      %swap3A_36 = arith.constant 0 : index
      %swap3A_37 = vector.load %arg5[%swap3A_35, %swap3A_36] : memref<1x128xf32, #tpu.memory_space<vmem>>, vector<1x128xf32>
      tpu.vector_store %arg5[%swap3A_35, %swap3A_36], %add3A_34 {strides = array<i32>} : memref<1x128xf32, #tpu.memory_space<vmem>>, vector<1x128xf32>,
    } else {
    }
    return
  }
  func.func @transform_0(%arg0: i32) -> (i32, i32, i32) {
    %c0_i32 = arith.constant 0 : i32
    %c0_i32_0 = arith.constant 0 : i32
    %c0_i32_1 = arith.constant 0 : i32
    return %c0_i32, %arg0, %c0_i32_0 : i32, i32, i32
  }
  func.func @transform_1(%arg0: i32) -> (i32, i32) {
    %c0_i32 = arith.constant 0 : i32
    %c0_i32_0 = arith.constant 0 : i32
    %c0_i32_1 = arith.constant 0 : i32
    return %c0_i32, %c0_i32_0 : i32, i32
  }
  func.func @transform_2(%arg0: i32) -> (i32, i32) {
    %c0_i32 = arith.constant 0 : i32
    %c0_i32_0 = arith.constant 0 : i32
    %c0_i32_1 = arith.constant 0 : i32
    return %c0_i32, %c0_i32_0 : i32, i32
  }
  func.func @transform_3(%arg0: i32) -> (i32, i32) {
    %c0_i32 = arith.constant 0 : i32
    %c0_i32_0 = arith.constant 0 : i32
    return %arg0, %c0_i32 : i32, i32
  }
  func.func @transform_4(%arg0: i32) -> (i32, i32) {
    %c0_i32 = arith.constant 0 : i32
    %c0_i32_0 = arith.constant 0 : i32
    %c0_i32_1 = arith.constant 0 : i32
    return %c0_i32, %c0_i32_0 : i32, i32
  }
}

module attributes {stable_mosaic.version = 14 : i64} {
  func.func @_tc_var_body(%arg0: i32, %arg1: memref<1000x128xf32, #tpu.memory_space<vmem>>, %arg2: memref<1x128xf32, #tpu.memory_space<vmem>>, %arg3: memref<1x128xf32, #tpu.memory_space<vmem>>) attributes {dimension_semantics = [#tpu.dimension_semantics<arbitrary>], iteration_bounds = array<i64: 10>, scalar_prefetch = 0 : i64, scratch_operands = 0 : i64, tpu.core_type = #tpu.core_type<tc>, window_params = [{transform_indices = @transform_0, window_bounds = array<i64: 1000, 128>}, {pipeline_mode = #tpu.pipeline_mode<synchronous>, transform_indices = @transform_1, window_bounds = array<i64: 1, 128>}, {pipeline_mode = #tpu.pipeline_mode<synchronous>, transform_indices = @transform_2, window_bounds = array<i64: 1, 128>}]} {
    %get3A = arith.constant 0 : index
    %get3A_0 = arith.constant 0 : index
    %get3A_1 = vector.load %arg2[%get3A, %get3A_0] : memref<1x128xf32, #tpu.memory_space<vmem>>, vector<1x128xf32>
    %mul3A = arith.constant 9.99999974E-5 : f32
    %mul3A_2 = vector.broadcast %mul3A : f32 to vector<1x128xf32>
    %mul3A_3 = arith.mulf %get3A_1, %mul3A_2 : vector<1x128xf32>
    %get3A_4 = arith.constant 0 : index
    %get3A_5 = arith.constant 0 : index
    %get3A_6 = vector.load %arg1[%get3A_4, %get3A_5] : memref<1000x128xf32, #tpu.memory_space<vmem>>, vector<1000x128xf32>
    %sub3A = vector.broadcast %mul3A_3 : vector<1x128xf32> to vector<1000x128xf32>
    %sub3A_7 = arith.subf %get3A_6, %sub3A : vector<1000x128xf32>
    %mul3A_8 = arith.mulf %sub3A_7, %sub3A_7 : vector<1000x128xf32>
    %reduce_sum3A = arith.constant dense<0.000000e+00> : vector<128xf32>
    %reduce_sum3A_9 = vector.multi_reduction <add>, %mul3A_8, %reduce_sum3A [0] : vector<1000x128xf32> to vector<128xf32>
    %broadcast_in_dim3A = vector.shape_cast %reduce_sum3A_9 : vector<128xf32> to vector<1x128xf32>
    %eq3A = arith.constant 0 : i32
    %eq3A_10 = arith.cmpi eq, %arg0, %eq3A : i32
    %convert_element_type3A = arith.extui %eq3A_10 : i1 to i32
    %cond3A = arith.constant 0 : i32
    %cond3A_11 = arith.cmpi ne, %convert_element_type3A, %cond3A : i32
    scf.if %cond3A_11 {
      %swap3A = arith.constant 0 : index
      %swap3A_16 = arith.constant 0 : index
      %swap3A_17 = vector.load %arg3[%swap3A, %swap3A_16] : memref<1x128xf32, #tpu.memory_space<vmem>>, vector<1x128xf32>
      tpu.vector_store %arg3[%swap3A, %swap3A_16], %broadcast_in_dim3A {strides = array<i32>} : memref<1x128xf32, #tpu.memory_space<vmem>>, vector<1x128xf32>,
    } else {
    }
    %ne3A = arith.constant 0 : i32
    %ne3A_12 = arith.cmpi ne, %arg0, %ne3A : i32
    %convert_element_type3A_13 = arith.extui %ne3A_12 : i1 to i32
    %cond3A_14 = arith.constant 0 : i32
    %cond3A_15 = arith.cmpi ne, %convert_element_type3A_13, %cond3A_14 : i32
    scf.if %cond3A_15 {
      %get3A_16 = arith.constant 0 : index
      %get3A_17 = arith.constant 0 : index
      %get3A_18 = vector.load %arg3[%get3A_16, %get3A_17] : memref<1x128xf32, #tpu.memory_space<vmem>>, vector<1x128xf32>
      %add3A = arith.addf %get3A_18, %broadcast_in_dim3A : vector<1x128xf32>
      %swap3A = arith.constant 0 : index
      %swap3A_19 = arith.constant 0 : index
      %swap3A_20 = vector.load %arg3[%swap3A, %swap3A_19] : memref<1x128xf32, #tpu.memory_space<vmem>>, vector<1x128xf32>
      tpu.vector_store %arg3[%swap3A, %swap3A_19], %add3A {strides = array<i32>} : memref<1x128xf32, #tpu.memory_space<vmem>>, vector<1x128xf32>,
    } else {
    }
    return
  }
  func.func @transform_0(%arg0: i32) -> (i32, i32) {
    %c0_i32 = arith.constant 0 : i32
    %c0_i32_0 = arith.constant 0 : i32
    return %arg0, %c0_i32 : i32, i32
  }
  func.func @transform_1(%arg0: i32) -> (i32, i32) {
    %c0_i32 = arith.constant 0 : i32
    %c0_i32_0 = arith.constant 0 : i32
    %c0_i32_1 = arith.constant 0 : i32
    return %c0_i32, %c0_i32_0 : i32, i32
  }
  func.func @transform_2(%arg0: i32) -> (i32, i32) {
    %c0_i32 = arith.constant 0 : i32
    %c0_i32_0 = arith.constant 0 : i32
    %c0_i32_1 = arith.constant 0 : i32
    return %c0_i32, %c0_i32_0 : i32, i32
  }
}

module attributes {stable_mosaic.version = 14 : i64} {
  func.func @_tc_bn_mat_body(%arg0: i32, %arg1: memref<1000x128xf32, #tpu.memory_space<vmem>>, %arg2: memref<1x128xf32, #tpu.memory_space<vmem>>, %arg3: memref<1x128xf32, #tpu.memory_space<vmem>>, %arg4: memref<1x128xf32, #tpu.memory_space<vmem>>, %arg5: memref<1x128xf32, #tpu.memory_space<vmem>>, %arg6: memref<128x128xf32, #tpu.memory_space<vmem>>, %arg7: memref<128x16xf32, #tpu.memory_space<vmem>>, %arg8: memref<128x16xf32, #tpu.memory_space<vmem>>, %arg9: memref<1000x128xf32, #tpu.memory_space<vmem>>, %arg10: memref<1000x16xf32, #tpu.memory_space<vmem>>, %arg11: memref<1000x16xf32, #tpu.memory_space<vmem>>) attributes {dimension_semantics = [#tpu.dimension_semantics<arbitrary>], iteration_bounds = array<i64: 10>, scalar_prefetch = 0 : i64, scratch_operands = 0 : i64, tpu.core_type = #tpu.core_type<tc>, window_params = [{transform_indices = @transform_0, window_bounds = array<i64: 1000, 128>}, {pipeline_mode = #tpu.pipeline_mode<synchronous>, transform_indices = @transform_1, window_bounds = array<i64: 1, 128>}, {pipeline_mode = #tpu.pipeline_mode<synchronous>, transform_indices = @transform_2, window_bounds = array<i64: 1, 128>}, {pipeline_mode = #tpu.pipeline_mode<synchronous>, transform_indices = @transform_3, window_bounds = array<i64: 1, 128>}, {pipeline_mode = #tpu.pipeline_mode<synchronous>, transform_indices = @transform_4, window_bounds = array<i64: 1, 128>}, {pipeline_mode = #tpu.pipeline_mode<synchronous>, transform_indices = @transform_5, window_bounds = array<i64: 128, 128>}, {pipeline_mode = #tpu.pipeline_mode<synchronous>, transform_indices = @transform_6, window_bounds = array<i64: 128, 16>}, {pipeline_mode = #tpu.pipeline_mode<synchronous>, transform_indices = @transform_7, window_bounds = array<i64: 128, 16>}, {transform_indices = @transform_8, window_bounds = array<i64: 1000, 128>}, {transform_indices = @transform_9, window_bounds = array<i64: 1000, 16>}, {transform_indices = @transform_10, window_bounds = array<i64: 1000, 16>}]} {
    %get3A = arith.constant 0 : index
    %get3A_0 = arith.constant 0 : index
    %get3A_1 = vector.load %arg2[%get3A, %get3A_0] : memref<1x128xf32, #tpu.memory_space<vmem>>, vector<1x128xf32>
    %mul3A = arith.constant 9.99999974E-5 : f32
    %mul3A_2 = vector.broadcast %mul3A : f32 to vector<1x128xf32>
    %mul3A_3 = arith.mulf %get3A_1, %mul3A_2 : vector<1x128xf32>
    %get3A_4 = arith.constant 0 : index
    %get3A_5 = arith.constant 0 : index
    %get3A_6 = vector.load %arg3[%get3A_4, %get3A_5] : memref<1x128xf32, #tpu.memory_space<vmem>>, vector<1x128xf32>
    %mul3A_7 = arith.constant 9.99999974E-5 : f32
    %mul3A_8 = vector.broadcast %mul3A_7 : f32 to vector<1x128xf32>
    %mul3A_9 = arith.mulf %get3A_6, %mul3A_8 : vector<1x128xf32>
    %get3A_10 = arith.constant 0 : index
    %get3A_11 = arith.constant 0 : index
    %get3A_12 = vector.load %arg1[%get3A_10, %get3A_11] : memref<1000x128xf32, #tpu.memory_space<vmem>>, vector<1000x128xf32>
    %sub3A = vector.broadcast %mul3A_3 : vector<1x128xf32> to vector<1000x128xf32>
    %sub3A_13 = arith.subf %get3A_12, %sub3A : vector<1000x128xf32>
    %add3A = arith.constant 9.99999974E-6 : f32
    %add3A_14 = vector.broadcast %add3A : f32 to vector<1x128xf32>
    %add3A_15 = arith.addf %mul3A_9, %add3A_14 : vector<1x128xf32>
    %rsqrt3A = math.rsqrt %add3A_15 : vector<1x128xf32>
    %mul3A_16 = vector.broadcast %rsqrt3A : vector<1x128xf32> to vector<1000x128xf32>
    %mul3A_17 = arith.mulf %sub3A_13, %mul3A_16 : vector<1000x128xf32>
    %get3A_18 = arith.constant 0 : index
    %get3A_19 = arith.constant 0 : index
    %get3A_20 = vector.load %arg4[%get3A_18, %get3A_19] : memref<1x128xf32, #tpu.memory_space<vmem>>, vector<1x128xf32>
    %mul3A_21 = vector.broadcast %get3A_20 : vector<1x128xf32> to vector<1000x128xf32>
    %mul3A_22 = arith.mulf %mul3A_17, %mul3A_21 : vector<1000x128xf32>
    %get3A_23 = arith.constant 0 : index
    %get3A_24 = arith.constant 0 : index
    %get3A_25 = vector.load %arg5[%get3A_23, %get3A_24] : memref<1x128xf32, #tpu.memory_space<vmem>>, vector<1x128xf32>
    %add3A_26 = vector.broadcast %get3A_25 : vector<1x128xf32> to vector<1000x128xf32>
    %add3A_27 = arith.addf %mul3A_22, %add3A_26 : vector<1000x128xf32>
    %max3A = arith.constant 0.000000e+00 : f32
    %max3A_28 = vector.broadcast %max3A : f32 to vector<1000x128xf32>
    %max3A_29 = arith.maximumf %add3A_27, %max3A_28 : vector<1000x128xf32>
    %get3A_30 = arith.constant 0 : index
    %get3A_31 = arith.constant 0 : index
    %get3A_32 = vector.load %arg6[%get3A_30, %get3A_31] : memref<128x128xf32, #tpu.memory_space<vmem>>, vector<128x128xf32>
    %dot_general3A = arith.constant dense<0.000000e+00> : vector<1000x128xf32>
    %dot_general3A_33 = tpu.matmul %max3A_29, %get3A_32, %dot_general3A {dimension_numbers = #tpu.dot_dimension_numbers<[1], [0], [0], [1], [0, 0, 1, 1], [], []>, transpose_lhs_hint = false} : vector<1000x128xf32>, vector<128x128xf32>, vector<1000x128xf32> -> vector<1000x128xf32>
    %swap3A = arith.constant 0 : index
    %swap3A_34 = arith.constant 0 : index
    %swap3A_35 = vector.load %arg9[%swap3A, %swap3A_34] : memref<1000x128xf32, #tpu.memory_space<vmem>>, vector<1000x128xf32>
    tpu.vector_store %arg9[%swap3A, %swap3A_34], %dot_general3A_33 {strides = array<i32>} : memref<1000x128xf32, #tpu.memory_space<vmem>>, vector<1000x128xf32>,
    %get3A_36 = arith.constant 0 : index
    %get3A_37 = arith.constant 0 : index
    %get3A_38 = vector.load %arg7[%get3A_36, %get3A_37] : memref<128x16xf32, #tpu.memory_space<vmem>>, vector<128x16xf32>
    %dot_general3A_39 = arith.constant dense<0.000000e+00> : vector<1000x16xf32>
    %dot_general3A_40 = tpu.matmul %dot_general3A_33, %get3A_38, %dot_general3A_39 {dimension_numbers = #tpu.dot_dimension_numbers<[1], [0], [0], [1], [0, 0, 1, 1], [], []>, transpose_lhs_hint = false} : vector<1000x128xf32>, vector<128x16xf32>, vector<1000x16xf32> -> vector<1000x16xf32>
    %swap3A_41 = arith.constant 0 : index
    %swap3A_42 = arith.constant 0 : index
    %swap3A_43 = vector.load %arg10[%swap3A_41, %swap3A_42] : memref<1000x16xf32, #tpu.memory_space<vmem>>, vector<1000x16xf32>
    tpu.vector_store %arg10[%swap3A_41, %swap3A_42], %dot_general3A_40 {strides = array<i32>} : memref<1000x16xf32, #tpu.memory_space<vmem>>, vector<1000x16xf32>,
    %get3A_44 = arith.constant 0 : index
    %get3A_45 = arith.constant 0 : index
    %get3A_46 = vector.load %arg8[%get3A_44, %get3A_45] : memref<128x16xf32, #tpu.memory_space<vmem>>, vector<128x16xf32>
    %dot_general3A_47 = arith.constant dense<0.000000e+00> : vector<1000x16xf32>
    %dot_general3A_48 = tpu.matmul %dot_general3A_33, %get3A_46, %dot_general3A_47 {dimension_numbers = #tpu.dot_dimension_numbers<[1], [0], [0], [1], [0, 0, 1, 1], [], []>, transpose_lhs_hint = false} : vector<1000x128xf32>, vector<128x16xf32>, vector<1000x16xf32> -> vector<1000x16xf32>
    %swap3A_49 = arith.constant 0 : index
    %swap3A_50 = arith.constant 0 : index
    %swap3A_51 = vector.load %arg11[%swap3A_49, %swap3A_50] : memref<1000x16xf32, #tpu.memory_space<vmem>>, vector<1000x16xf32>
    tpu.vector_store %arg11[%swap3A_49, %swap3A_50], %dot_general3A_48 {strides = array<i32>} : memref<1000x16xf32, #tpu.memory_space<vmem>>, vector<1000x16xf32>,
    return
  }
  func.func @transform_0(%arg0: i32) -> (i32, i32) {
    %c0_i32 = arith.constant 0 : i32
    %c0_i32_0 = arith.constant 0 : i32
    return %arg0, %c0_i32 : i32, i32
  }
  func.func @transform_1(%arg0: i32) -> (i32, i32) {
    %c0_i32 = arith.constant 0 : i32
    %c0_i32_0 = arith.constant 0 : i32
    %c0_i32_1 = arith.constant 0 : i32
    return %c0_i32, %c0_i32_0 : i32, i32
  }
  func.func @transform_2(%arg0: i32) -> (i32, i32) {
    %c0_i32 = arith.constant 0 : i32
    %c0_i32_0 = arith.constant 0 : i32
    %c0_i32_1 = arith.constant 0 : i32
    return %c0_i32, %c0_i32_0 : i32, i32
  }
  func.func @transform_3(%arg0: i32) -> (i32, i32) {
    %c0_i32 = arith.constant 0 : i32
    %c0_i32_0 = arith.constant 0 : i32
    %c0_i32_1 = arith.constant 0 : i32
    return %c0_i32, %c0_i32_0 : i32, i32
  }
  func.func @transform_4(%arg0: i32) -> (i32, i32) {
    %c0_i32 = arith.constant 0 : i32
    %c0_i32_0 = arith.constant 0 : i32
    %c0_i32_1 = arith.constant 0 : i32
    return %c0_i32, %c0_i32_0 : i32, i32
  }
  func.func @transform_5(%arg0: i32) -> (i32, i32) {
    %c0_i32 = arith.constant 0 : i32
    %c0_i32_0 = arith.constant 0 : i32
    %c0_i32_1 = arith.constant 0 : i32
    return %c0_i32, %c0_i32_0 : i32, i32
  }
  func.func @transform_6(%arg0: i32) -> (i32, i32) {
    %c0_i32 = arith.constant 0 : i32
    %c0_i32_0 = arith.constant 0 : i32
    %c0_i32_1 = arith.constant 0 : i32
    return %c0_i32, %c0_i32_0 : i32, i32
  }
  func.func @transform_7(%arg0: i32) -> (i32, i32) {
    %c0_i32 = arith.constant 0 : i32
    %c0_i32_0 = arith.constant 0 : i32
    %c0_i32_1 = arith.constant 0 : i32
    return %c0_i32, %c0_i32_0 : i32, i32
  }
  func.func @transform_8(%arg0: i32) -> (i32, i32) {
    %c0_i32 = arith.constant 0 : i32
    %c0_i32_0 = arith.constant 0 : i32
    return %arg0, %c0_i32 : i32, i32
  }
  func.func @transform_9(%arg0: i32) -> (i32, i32) {
    %c0_i32 = arith.constant 0 : i32
    %c0_i32_0 = arith.constant 0 : i32
    return %arg0, %c0_i32 : i32, i32
  }
  func.func @transform_10(%arg0: i32) -> (i32, i32) {
    %c0_i32 = arith.constant 0 : i32
    %c0_i32_0 = arith.constant 0 : i32
    return %arg0, %c0_i32 : i32, i32
  }
}

module attributes {stable_mosaic.version = 14 : i64} {
  func.func @_tc_bn_fc_body(%arg0: i32, %arg1: memref<1000x128xf32, #tpu.memory_space<vmem>>, %arg2: memref<1x128xf32, #tpu.memory_space<vmem>>, %arg3: memref<1x128xf32, #tpu.memory_space<vmem>>, %arg4: memref<1x128xf32, #tpu.memory_space<vmem>>, %arg5: memref<1x128xf32, #tpu.memory_space<vmem>>, %arg6: memref<128x1xf32, #tpu.memory_space<vmem>>, %arg7: memref<1x1xf32, #tpu.memory_space<vmem>>, %arg8: memref<1000x1xf32, #tpu.memory_space<vmem>>) attributes {dimension_semantics = [#tpu.dimension_semantics<arbitrary>], iteration_bounds = array<i64: 10>, scalar_prefetch = 0 : i64, scratch_operands = 0 : i64, tpu.core_type = #tpu.core_type<tc>, window_params = [{transform_indices = @transform_0, window_bounds = array<i64: 1000, 128>}, {pipeline_mode = #tpu.pipeline_mode<synchronous>, transform_indices = @transform_1, window_bounds = array<i64: 1, 128>}, {pipeline_mode = #tpu.pipeline_mode<synchronous>, transform_indices = @transform_2, window_bounds = array<i64: 1, 128>}, {pipeline_mode = #tpu.pipeline_mode<synchronous>, transform_indices = @transform_3, window_bounds = array<i64: 1, 128>}, {pipeline_mode = #tpu.pipeline_mode<synchronous>, transform_indices = @transform_4, window_bounds = array<i64: 1, 128>}, {pipeline_mode = #tpu.pipeline_mode<synchronous>, transform_indices = @transform_5, window_bounds = array<i64: 128, 1>}, {pipeline_mode = #tpu.pipeline_mode<synchronous>, transform_indices = @transform_6, window_bounds = array<i64: 1, 1>}, {transform_indices = @transform_7, window_bounds = array<i64: 1000, 1>}]} {
    %get3A = arith.constant 0 : index
    %get3A_0 = arith.constant 0 : index
    %get3A_1 = vector.load %arg2[%get3A, %get3A_0] : memref<1x128xf32, #tpu.memory_space<vmem>>, vector<1x128xf32>
    %mul3A = arith.constant 9.99999974E-5 : f32
    %mul3A_2 = vector.broadcast %mul3A : f32 to vector<1x128xf32>
    %mul3A_3 = arith.mulf %get3A_1, %mul3A_2 : vector<1x128xf32>
    %get3A_4 = arith.constant 0 : index
    %get3A_5 = arith.constant 0 : index
    %get3A_6 = vector.load %arg3[%get3A_4, %get3A_5] : memref<1x128xf32, #tpu.memory_space<vmem>>, vector<1x128xf32>
    %mul3A_7 = arith.constant 9.99999974E-5 : f32
    %mul3A_8 = vector.broadcast %mul3A_7 : f32 to vector<1x128xf32>
    %mul3A_9 = arith.mulf %get3A_6, %mul3A_8 : vector<1x128xf32>
    %get3A_10 = arith.constant 0 : index
    %get3A_11 = arith.constant 0 : index
    %get3A_12 = vector.load %arg1[%get3A_10, %get3A_11] : memref<1000x128xf32, #tpu.memory_space<vmem>>, vector<1000x128xf32>
    %sub3A = vector.broadcast %mul3A_3 : vector<1x128xf32> to vector<1000x128xf32>
    %sub3A_13 = arith.subf %get3A_12, %sub3A : vector<1000x128xf32>
    %add3A = arith.constant 9.99999974E-6 : f32
    %add3A_14 = vector.broadcast %add3A : f32 to vector<1x128xf32>
    %add3A_15 = arith.addf %mul3A_9, %add3A_14 : vector<1x128xf32>
    %rsqrt3A = math.rsqrt %add3A_15 : vector<1x128xf32>
    %mul3A_16 = vector.broadcast %rsqrt3A : vector<1x128xf32> to vector<1000x128xf32>
    %mul3A_17 = arith.mulf %sub3A_13, %mul3A_16 : vector<1000x128xf32>
    %get3A_18 = arith.constant 0 : index
    %get3A_19 = arith.constant 0 : index
    %get3A_20 = vector.load %arg4[%get3A_18, %get3A_19] : memref<1x128xf32, #tpu.memory_space<vmem>>, vector<1x128xf32>
    %mul3A_21 = vector.broadcast %get3A_20 : vector<1x128xf32> to vector<1000x128xf32>
    %mul3A_22 = arith.mulf %mul3A_17, %mul3A_21 : vector<1000x128xf32>
    %get3A_23 = arith.constant 0 : index
    %get3A_24 = arith.constant 0 : index
    %get3A_25 = vector.load %arg5[%get3A_23, %get3A_24] : memref<1x128xf32, #tpu.memory_space<vmem>>, vector<1x128xf32>
    %add3A_26 = vector.broadcast %get3A_25 : vector<1x128xf32> to vector<1000x128xf32>
    %add3A_27 = arith.addf %mul3A_22, %add3A_26 : vector<1000x128xf32>
    %max3A = arith.constant 0.000000e+00 : f32
    %max3A_28 = vector.broadcast %max3A : f32 to vector<1000x128xf32>
    %max3A_29 = arith.maximumf %add3A_27, %max3A_28 : vector<1000x128xf32>
    %get3A_30 = arith.constant 0 : index
    %get3A_31 = arith.constant 0 : index
    %get3A_32 = vector.load %arg6[%get3A_30, %get3A_31] : memref<128x1xf32, #tpu.memory_space<vmem>>, vector<128x1xf32>
    %dot_general3A = arith.constant dense<0.000000e+00> : vector<1000x1xf32>
    %dot_general3A_33 = tpu.matmul %max3A_29, %get3A_32, %dot_general3A {dimension_numbers = #tpu.dot_dimension_numbers<[1], [0], [0], [1], [0, 0, 1, 1], [], []>, transpose_lhs_hint = false} : vector<1000x128xf32>, vector<128x1xf32>, vector<1000x1xf32> -> vector<1000x1xf32>
    %get3A_34 = arith.constant 0 : index
    %get3A_35 = arith.constant 0 : index
    %get3A_36 = vector.load %arg7[%get3A_34, %get3A_35] : memref<1x1xf32, #tpu.memory_space<vmem>>, vector<1x1xf32>
    %get3A_37 = vector.extract %get3A_36[0, 0] : f32 from vector<1x1xf32>
    %add3A_38 = vector.broadcast %get3A_37 : f32 to vector<1000x1xf32>
    %add3A_39 = arith.addf %dot_general3A_33, %add3A_38 : vector<1000x1xf32>
    %logistic3A = arith.negf %add3A_39 : vector<1000x1xf32>
    %logistic3A_40 = math.exp %logistic3A : vector<1000x1xf32>
    %logistic3A_41 = arith.constant 1.000000e+00 : f32
    %logistic3A_42 = vector.broadcast %logistic3A_41 : f32 to vector<1000x1xf32>
    %logistic3A_43 = arith.addf %logistic3A_42, %logistic3A_40 : vector<1000x1xf32>
    %logistic3A_44 = arith.divf %logistic3A_42, %logistic3A_43 : vector<1000x1xf32>
    %swap3A = arith.constant 0 : index
    %swap3A_45 = arith.constant 0 : index
    %swap3A_46 = vector.load %arg8[%swap3A, %swap3A_45] : memref<1000x1xf32, #tpu.memory_space<vmem>>, vector<1000x1xf32>
    tpu.vector_store %arg8[%swap3A, %swap3A_45], %logistic3A_44 {strides = array<i32>} : memref<1000x1xf32, #tpu.memory_space<vmem>>, vector<1000x1xf32>,
    return
  }
  func.func @transform_0(%arg0: i32) -> (i32, i32) {
    %c0_i32 = arith.constant 0 : i32
    %c0_i32_0 = arith.constant 0 : i32
    return %arg0, %c0_i32 : i32, i32
  }
  func.func @transform_1(%arg0: i32) -> (i32, i32) {
    %c0_i32 = arith.constant 0 : i32
    %c0_i32_0 = arith.constant 0 : i32
    %c0_i32_1 = arith.constant 0 : i32
    return %c0_i32, %c0_i32_0 : i32, i32
  }
  func.func @transform_2(%arg0: i32) -> (i32, i32) {
    %c0_i32 = arith.constant 0 : i32
    %c0_i32_0 = arith.constant 0 : i32
    %c0_i32_1 = arith.constant 0 : i32
    return %c0_i32, %c0_i32_0 : i32, i32
  }
  func.func @transform_3(%arg0: i32) -> (i32, i32) {
    %c0_i32 = arith.constant 0 : i32
    %c0_i32_0 = arith.constant 0 : i32
    %c0_i32_1 = arith.constant 0 : i32
    return %c0_i32, %c0_i32_0 : i32, i32
  }
  func.func @transform_4(%arg0: i32) -> (i32, i32) {
    %c0_i32 = arith.constant 0 : i32
    %c0_i32_0 = arith.constant 0 : i32
    %c0_i32_1 = arith.constant 0 : i32
    return %c0_i32, %c0_i32_0 : i32, i32
  }
  func.func @transform_5(%arg0: i32) -> (i32, i32) {
    %c0_i32 = arith.constant 0 : i32
    %c0_i32_0 = arith.constant 0 : i32
    %c0_i32_1 = arith.constant 0 : i32
    return %c0_i32, %c0_i32_0 : i32, i32
  }
  func.func @transform_6(%arg0: i32) -> (i32, i32) {
    %c0_i32 = arith.constant 0 : i32
    %c0_i32_0 = arith.constant 0 : i32
    %c0_i32_1 = arith.constant 0 : i32
    return %c0_i32, %c0_i32_0 : i32, i32
  }
  func.func @transform_7(%arg0: i32) -> (i32, i32) {
    %c0_i32 = arith.constant 0 : i32
    %c0_i32_0 = arith.constant 0 : i32
    return %arg0, %c0_i32 : i32, i32
  }
}

</mosaic_0001>

<sc_bundles>
// kernel: kernel.11.cloned.1.call-start
scs
__scs_entry_jumppad:
0x0: {  	(pc) =	sbr.rel $0x88, $3  }
0x1: {  	(tag) =	ssettag $0x0;
	lr =	simm.s32 $0x1  }
0x2: {  	[smem:$0x3F91] =	sst lr;
	_ =	strace $0xD0000000  }
0x3: {  	_ = 	snop  }
0x4: {  	_ = 	snop  }
0x5: {  	_ = 	snop  }
0x6: {  	_ = 	snop  }
0x7: {  	_ = 	snop  }
__scs_overlays_trampoline_lowered:
0x8: {  	[smem:$0x3FA0] =	sst s0  }
0x9: {  	[smem:$0x3FA1] =	sst s1  }
0xa: {  	[smem:$0x3FA2] =	sst s2  }
0xb: {  	[smem:$0x3FA3] =	sst s3  }
0xc: {  	[smem:$0x3FA4] =	sst s4  }
0xd: {  	[smem:$0x3FA5] =	sst s5  }
0xe: {  	[smem:$0x3FA6] =	sst s6  }
0xf: {  	[smem:$0x3FA7] =	sst s7  }
0x10: {  	[smem:$0x3FA8] =	sst s8  }
0x11: {  	[smem:$0x3FA9] =	sst s9;
	s0 =	simm.s32 @!p0 $0x0  }
0x12: {  	s1 =	sld [smem:$0x3F8F];
	s0 =	simm.s32 @p0 $0x1  }
0x13: {  	[smem:$0x3FAA] =	sst s0;
	s0 =	simm.s32 @!p1 $0x0  }
0x14: {  	s2 =	sld [smem:$0x3F8E];
	s0 =	simm.s32 @p1 $0x1  }
0x15: {  	[smem:$0x3FAB] =	sst s0;
	s0 =	simm.s32 @!p2 $0x0  }
0x16: {  	s3 =	sld [smem:$0x3FDB];
	s0 =	simm.s32 @p2 $0x1  }
0x17: {  	s4 =	simm.s32 $0x1BF5;
	[smem:$0x3FAD] =	sst s0  }
0x18: {  	s0 =	sld [smem:$0x3F90];
	_ =	swait.ge [sflag:s4], $0x0  }
0x19: {  	s7 =	sld [smem:$0x3F91]  }
0x1a: {  	s8 =	sadd.s32 $0xFFFFE003, lr  }
0x1b: {  	s9 =	sadd.s32 $0xFFFFFEF7, lr;
	s5 =	simm.s32 $0xFFFFFFFF;
	p2 =	slt.u32 s8, $0xFFFFF086  }
0x1c: {  	p1 =	slt.u32 s9, $0xF7A;
	s5 =	simm.s32 @!p2 $0x0  }
0x1d: {  	s5 =	simm.s32 @p1 $0x1;
	p0 =	seq.s32 s7, s2  }
0x1e: {  	s7 =	smul.u32 @!p0 $0xF7A, s2;
	p2 =	seq.s32 @!p0 s5, $0x0  }
0x1f: {  	s9 =	smul.u32 $0xF7A, s1;
	s8 =	simm.s32 @!p0 $0x1BF5;
	p2 =	por !p2, p0  }
0x20: {  	[sflag:s8] =	ssyncset.s32 @!p0 $0xFFFFF086;
	s6 =	sadd.s32 @!p0 s3, s7;
	s7 =	simm.s32 @!p0 $0x108  }
0x21: {  	s3 =	sadd.s32 s3, s9;
	s6 =	sadd.s32 @!p0 $0x88, s6;
	s7 =	simm.s32 @p2 $0x1082  }
0x22: {  	[simem:s7], [sflag:s8] =	dma.local @!p0 [hbm:s6], $0xF7A  }
0x23: {  	s9 =	sor.u32 $0xD0000000, s2;
	s6 =	simm.s32 $0x108;
	_ =	swait.ge @!p0 [sflag:s8], $0x0  }
0x24: {  	s3 =	sadd.s32 $0x88, s3;
	s6 =	simm.s32 @!p1 $0x1082;
	[sflag:s4] =	ssyncset.s32 $0xFFFFF086  }
0x25: {  	[simem:s6], [sflag:s4] =	dma.local [hbm:s3], $0xF7A  }
0x26: {  	[smem:$0x3F91] =	sst s1;
	(tag) =	ssettag s2;
	_ =	strace s9  }
0x27: {  	s1 =	sld [smem:$0x3FA1]  }
0x28: {  	s2 =	sld [smem:$0x3FA2]  }
0x29: {  	s4 =	sld [smem:$0x3FA4]  }
0x2a: {  	p0 =	seq.s32 s5, $0x0;
	s5 =	sld [smem:$0x3FA5]  }
0x2b: {  	s6 =	sld [smem:$0x3FA6]  }
0x2c: {  	s7 =	sld [smem:$0x3FA7]  }
0x2d: {  	s3 =	simm.s32 $0x108;
	s8 =	sld [smem:$0x3FA8]  }
0x2e: {  	s3 =	simm.s32 @!p0 $0x1082;
	s9 =	sld [smem:$0x3FA9]  }
0x2f: {  	lr =	sadd.s32 s0, s3;
	s0 =	sld [smem:$0x3FA0]  }
0x30: {  	s3 =	sld [smem:$0x3FA3]  }
0x31: {  	[smem:$0x3FAC] =	sst s10  }
0x32: {  	s10 =	sld [smem:$0x3FAA];
	_ =	sdelay $0x3  }
0x33: {  	p0 =	seq.s32 s10, $0x1;
	s10 =	sld [smem:$0x3FAC];
	_ =	sdelay $0x3  }
0x34: {  	[smem:$0x3FAC] =	sst s10  }
0x35: {  	s10 =	sld [smem:$0x3FAB];
	_ =	sdelay $0x3  }
0x36: {  	p1 =	seq.s32 s10, $0x1;
	s10 =	sld [smem:$0x3FAC];
	_ =	sdelay $0x3  }
0x37: {  	[smem:$0x3FAC] =	sst s10  }
0x38: {  	s10 =	sld [smem:$0x3FAD]  }
0x39: {  	_ = 	snop;
	(pc) =	sbr.ind lr, $3  }
0x3a: {  	_ = 	snop  }
0x3b: {  	_ = 	snop  }
0x3c: {  	p2 =	seq.s32 s10, $0x1;
	s10 =	sld [smem:$0x3FAC]  }
0x3d: {  	_ =	shalt  }
0x3e: {  	_ =	shalt  }
0x3f: {  	_ =	shalt  }
0x40: {  	_ =	shalt  }
0x41: {  	_ =	shalt  }
0x42: {  	_ =	shalt  }
0x43: {  	_ =	shalt  }
0x44: {  	_ =	shalt  }
0x45: {  	_ =	shalt  }
0x46: {  	_ =	shalt  }
0x47: {  	_ =	shalt  }
0x48: {  	_ =	shalt  }
0x49: {  	_ =	shalt  }
0x4a: {  	_ =	shalt  }
0x4b: {  	_ =	shalt  }
0x4c: {  	_ =	shalt  }
0x4d: {  	_ =	shalt  }
0x4e: {  	_ =	shalt  }
0x4f: {  	_ =	shalt  }
0x50: {  	_ =	shalt  }
0x51: {  	_ =	shalt  }
0x52: {  	_ =	shalt  }
0x53: {  	_ =	shalt  }
0x54: {  	_ =	shalt  }
0x55: {  	_ =	shalt  }
0x56: {  	_ =	shalt  }
0x57: {  	_ =	shalt  }
0x58: {  	_ =	shalt  }
0x59: {  	_ =	shalt  }
0x5a: {  	_ =	shalt  }
0x5b: {  	_ =	shalt  }
0x5c: {  	_ =	shalt  }
0x5d: {  	_ =	shalt  }
0x5e: {  	_ =	shalt  }
0x5f: {  	_ =	shalt  }
0x60: {  	_ =	shalt  }
0x61: {  	_ =	shalt  }
0x62: {  	_ =	shalt  }
0x63: {  	_ =	shalt  }
0x64: {  	_ =	shalt  }
0x65: {  	_ =	shalt  }
0x66: {  	_ =	shalt  }
0x67: {  	_ =	shalt  }
0x68: {  	_ =	shalt  }
0x69: {  	_ =	shalt  }
0x6a: {  	_ =	shalt  }
0x6b: {  	_ =	shalt  }
0x6c: {  	_ =	shalt  }
0x6d: {  	_ =	shalt  }
0x6e: {  	_ =	shalt  }
0x6f: {  	_ =	shalt  }
0x70: {  	_ =	shalt  }
0x71: {  	_ =	shalt  }
0x72: {  	_ =	shalt  }
0x73: {  	_ =	shalt  }
0x74: {  	_ =	shalt  }
0x75: {  	_ =	shalt  }
0x76: {  	_ =	shalt  }
0x77: {  	_ =	shalt  }
0x78: {  	_ =	shalt  }
0x79: {  	_ =	shalt  }
0x7a: {  	_ =	shalt  }
0x7b: {  	_ =	shalt  }
0x7c: {  	_ =	shalt  }
0x7d: {  	_ =	shalt  }
0x7e: {  	_ =	shalt  }
0x7f: {  	_ =	shalt  }
0x80: {  	_ =	shalt  }
0x81: {  	_ =	shalt  }
0x82: {  	_ =	shalt  }
0x83: {  	_ =	shalt  }
0x84: {  	_ =	shalt  }
0x85: {  	_ =	shalt  }
0x86: {  	_ =	shalt  }
0x87: {  	_ =	shalt  }
.Lfunc_end0:
.L_simem_size_0:
called_computation_lowered:
.L_overlay_start_0:
0x88: {  	s2 =	sld [smem:$0x3FD9]  }
0x89: {  	s3 =	sld [smem:$0x3FFE];
	_ =	sdelay $0x1  }
0x8a: {  	s1 =	srdreg.scid  }
0x8b: {  	s0 =	sand.u32 $0x1, s1  }
0x8c: {  	s16 =	sshll.u32 s0, $0xA;
	s2 =	sadd.s32 s3, s2  }
0x8d: {  	s2 =	sadd.s32 s2, s16  }
0x8e: {  	[smem:$0x3FB8] =	sst s2  }
0x8f: {  	_ = 	snop  }
0x90: {  	(tm) =	ssettm $0x1  }
0x91: {  	s17 =	sld [smem:$0x3FFB];
	_ =	sdelay $0x3  }
0x92: {  	_ =	strace s17  }
0x93: {  	s2 =	sld [smem:$0x3FFC];
	_ =	sdelay $0x3  }
0x94: {  	_ =	strace s2  }
0x95: {  	s2 =	sld [smem:$0x3FFD];
	_ =	sdelay $0x3  }
0x96: {  	_ =	strace s2  }
0x97: {  	_ =	strace $0x8FFFFFFF  }
0x98: {  	s18 =	sld [smem:$0x3FDB];
	_ =	sdelay $0x1  }
0x99: {  	s19 =	simm.s32 $_scs_section_size  }
0x9a: {  	s4 =	simm.s32 $_size__tile_overlayer_lowered;
	s5 =	simm.s32 $_tile_overlayer_lowered  }
0x9b: {  	s22 =	simm.s32 $0x1BFF;
	s21 =	sshll.u32 s5, $0x1;
	s2 =	sadd.s32 s19, s18  }
0x9c: {  	s6 =	simm.s32 $0x0;
	s20 =	sshll.u32 s4, $0x1;
	s4 =	sadd.s32 s21, s2  }
0x9d: {  	[timem:s6], [sflag:s22] =	dma.local [hbm:s4], s20  }
0x9e: {  	_ =	swait.ge [sflag:s22], s20  }
0x9f: {  	s3 =	ssub.s32 $0x0, s20;
	[sflag:s22] =	ssyncset.done $0x0  }
0xa0: {  	[sflag:s22] =	ssyncadd.s32 s3;
	_ =	sdelay $0x1  }
0xa1: {  	s23 =	simm.s32 $0x1B8B  }
0xa2: {  	_ =	swait.ge [sflag:s23], $0x1  }
0xa3: {  	[sflag:s23] =	ssyncset.done $0x0  }
0xa4: {  	s25 =	simm.s32 $0x1B8E;
	s24 =	sld [smem:$0x3FFE];
	[sflag:s23] =	ssyncadd.s32 $0xFFFFFFFF  }
0xa5: {  	s26 =	simm.s32 $execute0_lowered;
	[smem:$0x3FD2] =	sst s25  }
0xa6: {  	s4 =	sshll.u32 s26, $0x1;
	_ =	strace $0x80000046;
	[dreg:$0x1] =	wrdreg $0xFFFFFFFF  }
0xa7: {  	s28 =	simm.s32 $_size_execute0_lowered;
	s2 =	sadd.s32 s2, s4;
	[dreg:$0x0] =	wrdreg $0x0  }
0xa8: {  	s4 =	sshll.u32 s28, $0x1;
	[dreg:$0x2] =	wrdreg s2  }
0xa9: {  	[dreg:$0x3] =	wrdreg s4  }
0xaa: {  	[dreg:$0x4] =	wrdreg $0xC0  }
0xab: {  	_ =	task [dreg:s6], $0x5FFFF  }
0xac: {  	[dreg:$0x1] =	wrdreg $0xFFFFFFFF  }
0xad: {  	[dreg:$0x0] =	wrdreg $0x60  }
0xae: {  	[dreg:$0x2] =	wrdreg s24  }
0xaf: {  	[dreg:$0x3] =	wrdreg $0x5FA00  }
0xb0: {  	[dreg:$0x4] =	wrdreg $0x9  }
0xb1: {  	_ =	task.clear_ibuf [dreg:s6], $0x5FFFF;
	_ =	strace $0x90000046  }
0xb2: {  	s29 =	simm.s32 $0x9;
	_ =	strace $0x80000048  }
0xb3: {  	_ =	swait.ge [sflag:s29], $0x1  }
0xb4: {  	[sflag:s29] =	ssyncadd.s32 $0xFFFFFFFF  }
0xb5: {  	_ =	strace $0x90000048  }
0xb6: {  	_ =	sfence  }
0xb7: {  	s30 =	sld [smem:$0x0];
	_ =	sdelay $0x2  }
0xb8: {  	s31 =	sshll.u32 s1, $0xD;
	s1 =	sshrl.u32 s1, $0x2  }
0xb9: {  	s3 =	sand.u32 $0x4000, s31;
	s1 =	sadd.s32 s1, s30  }
0xba: {  	s0 =	sor.u32 s3, s0;
	s1 =	sshll.u32 s1, $0x11  }
0xbb: {  	s0 =	sor.u32 s1, s0  }
0xbc: {  	s0 =	sadd.s32 $0x8F2B, s0  }
0xbd: {  	[sflag:s0] =	ssyncadd.remote.s32 $0x1  }
0xbe: {  	_ =	sfence.sel $0xFFFF  }
0xbf: {  	[dreg:$0x0] =	wrdreg $0xFFFFFFFF;
	(pc) =	sbr.abs _section_cstart, $3  }
0xc0: {  	[dreg:$0x1] =	wrdreg $0xFFFFFFFF  }
0xc1: {  	_ =	task.clear_ibuf [dreg:s6], $0x2FFFF;
	_ =	strace $0x9FFFFFFF  }
0xc2: {  	(tm) =	ssettm $0x7FFFFFFF  }
0xc3: {  	_ =	shalt  }
tec
execute0_lowered:
.L_overlay_start_1:
0x0: {  	(tag) =	ssettag $0x1  }
0x1: {  	s1 =	rddreg [dreg:$0x0]  }
0x2: {  	s2 =	rddreg [dreg:$0x1]  }
0x3: {  	s3 =	simm.s32 $0x0;
	s0 =	srdreg.scid;
	s24 =	stileid.u32  }
0x4: {  	[smem:$0x7FF] =	sst s3;
	s4 =	sand.u32 $0x1, s0;
	s0 =	smul.u32 $0x15F00, s24  }
0x5: {  	s6 =	sadd.s32 $0x47800, s1;
	s10 =	smul.u32 $0x270, s24;
	p0 =	sne.s32 s24, $0xF  }
0x6: {  	_ =	strace $0x80000047;
	s5 =	smul.u32 $0x15F900, s4;
	s7 =	ssub.s32 $0x2, s4  }
0x7: {  	s4 =	sshll.u32 s4, $0x4;
	s8 =	sadd.s32 $0x13B00, s0;
	s9 =	sshrl.u32 s7, $0x1  }
0x8: {  	s26 =	sadd.s32 $0x50, s10;
	s20 =	sadd.s32 $0x8700, s0;
	s21 =	sadd.s32 $0xB400, s0  }
0x9: {  	s22 =	sadd.s32 $0xE100, s0;
	s23 =	sadd.s32 $0x10E00, s0;
	s4 =	sor.u32 s24, s4  }
0xa: {  	s29 =	sadd.s32 s0, s2;
	s11 =	sadd.s32 s5, s8;
	s7 =	ssub.s32 s7, s9  }
0xb: {  	s13 =	sadd.s32 s5, s0;
	s14 =	sshrl.u32 s5, $0x3;
	s19 =	smul.u32 $0x90, s26  }
0xc: {  	s17 =	sadd.s32 s5, s21;
	s18 =	sadd.s32 s5, s22;
	s26 =	smul.u32 $0x240, s26  }
0xd: {  	s25 =	sshrl.u32 s11, $0x3;
	s10 =	sshrl.u32 s13, $0x3;
	s11 =	sadd.s32 s6, s14  }
0xe: {  	s14 =	sadd.s32 s5, s20;
	s9 =	sadd.s32 s6, s25;
	s10 =	sadd.s32 s6, s10  }
0xf: {  	s12 =	sadd.s32 s5, s19;
	s16 =	sshrl.u32 s14, $0x3;
	s14 =	sadd.s32 $0x2EC00, s1  }
0x10: {  	s30 =	sadd.s32 s19, s2;
	s19 =	simm.s32 $0xAA0;
	[dreg:$0x3] =	wrdreg s9  }
0x11: {  	[dreg:$0x4] =	wrdreg s10;
	s10 =	sadd.s32 $0x5A00, s0;
	s12 =	sshrl.u32 s12, $0x3  }
0x12: {  	s9 =	sadd.s32 $0x2BE00, s11;
	s11 =	smax.u32 s7, $0x1;
	s0 =	sadd.s32 s20, s2  }
0x13: {  	s20 =	simm.s32 $0x0;
	s13 =	sadd.s32 s5, s10;
	[dreg:$0xb] =	wrdreg s9  }
0x14: {  	s12 =	sadd.s32 s6, s12;
	s5 =	sadd.s32 s5, s23;
	[dreg:$0xc] =	wrdreg s11  }
0x15: {  	s31 =	sadd.s32 s10, s2;
	s10 =	simm.s32 $0xA0;
	s13 =	sshrl.u32 s13, $0x3  }
0x16: {  	[dreg:$0x5] =	wrdreg s12;
	s12 =	sadd.s32 s6, s16;
	s5 =	sshrl.u32 s5, $0x3  }
0x17: {  	s16 =	sadd.s32 $0x2A00, s1;
	s15 =	sadd.s32 s6, s13;
	[dreg:$0x7] =	wrdreg s12  }
0x18: {  	s12 =	sshrl.u32 s17, $0x3;
	s13 =	sshrl.u32 s18, $0x3;
	s5 =	sadd.s32 s6, s5  }
0x19: {  	s17 =	smul.u32 $0x2710, s4;
	s18 =	sadd.s32 s8, s2;
	[dreg:$0x6] =	wrdreg s15  }
0x1a: {  	s12 =	sadd.s32 s6, s12;
	s25 =	sadd.s32 s6, s13;
	[dreg:$0xa] =	wrdreg s5  }
0x1b: {  	s13 =	sadd.s32 $0x33C00, s1;
	s5 =	smul.u32 $0x57C00, s24;
	[dreg:$0x8] =	wrdreg s12  }
0x1c: {  	s15 =	sadd.s32 $0x29C00, s1;
	s6 =	sadd.s32 $0x15F000, s2;
	[dreg:$0x9] =	wrdreg s25  }
0x1d: {  	s12 =	sadd.s32 $0x3DA00, s1;
	s1 =	sshrl.u32 s26, $0x2;
	s8 =	sshrl.u32 s5, $0x2  }
0x1e: {  	s25 =	sadd.s32 $0x16800, s5;
	s26 =	sadd.s32 $0x21C00, s5;
	s1 =	sadd.s32 s1, s2  }
0x1f: {  	s9 =	sadd.s32 $0x2D000, s5;
	s11 =	sadd.s32 $0x38400, s5;
	s5 =	sadd.s32 $0x43800, s5  }
0x20: {  	s4 =	sadd.s32 s8, s2;
	[dreg:$0xe] =	wrdreg s1;
	s7 =	sshrl.u32 s26, $0x2  }
0x21: {  	s26 =	sshrl.u32 s5, $0x2;
	s5 =	sadd.s32 s23, s2;
	[dreg:$0xd] =	wrdreg s4  }
0x22: {  	s4 =	sshrl.u32 s25, $0x2;
	s8 =	sadd.s32 s7, s2;
	s25 =	sshrl.u32 s11, $0x2  }
0x23: {  	s28 =	sadd.s32 s26, s2;
	s7 =	simm.s32 $0x32A0;
	s1 =	sadd.s32 s4, s2  }
0x24: {  	s11 =	simm.s32 $0x5A0;
	[dreg:$0xf] =	wrdreg s1;
	s1 =	sshrl.u32 s9, $0x2  }
0x25: {  	[dreg:$0x10] =	wrdreg s8;
	s4 =	sadd.s32 s22, s2;
	s1 =	sadd.s32 s1, s2  }
0x26: {  	s8 =	simm.s32 $0x1;
	[dreg:$0x11] =	wrdreg s1;
	s1 =	sadd.s32 s25, s2  }
0x27: {  	v0 =	vimm.f32 $0.0e+00;
	vm0 =	vmmov $0xf;
	s9 =	simm.s32 $0x50;
	[dreg:$0x12] =	wrdreg s1;
	s1 =	sadd.s32 s21, s2  }
.LBB2_1:
0x28: {  	s21 =	simm.s32 $0x80;
	s22 =	simm.s32 $0x440  }
.LBB2_2:
0x29: {  	p1 =	sne.s32 s22, $0xB3C0;
	[tilespmem:s21+$0x32A0] =	vst v0  }
0x2a: {  	[tilespmem:s21+$0x3220] =	vst v0  }
0x2b: {  	[tilespmem:s21+$0x3230] =	vst v0  }
0x2c: {  	[tilespmem:s21+$0x3240] =	vst v0  }
.Ltmp0:
0x2d: {  	[tilespmem:s21+$0x3250] =	vst v0;
	(pc) =	sbr.rel @p1 .LBB2_2-.Ltmp0, $4  }
0x2e: {  	[tilespmem:s21+$0x3260] =	vst v0  }
0x2f: {  	[tilespmem:s21+$0x3270] =	vst v0  }
0x30: {  	[tilespmem:s21+$0x3280] =	vst v0  }
0x31: {  	[tilespmem:s21+$0x3290] =	vst v0;
	s21 =	sshra.s32 s22, $0x2;
	s22 =	sadd.s32 $0x240, s22  }
0x32: {  	[tilespmem:s21+$0x32A0] =	vst v0  }
0x33: {  	[tilespmem:s21+$0x3220] =	vst v0  }
0x34: {  	[tilespmem:s21+$0x3230] =	vst v0  }
0x35: {  	[tilespmem:s21+$0x3240] =	vst v0  }
0x36: {  	[tilespmem:s21+$0x3250] =	vst v0  }
0x37: {  	[tilespmem:s21+$0x3260] =	vst v0  }
0x38: {  	[tilespmem:s21+$0x3270] =	vst v0  }
0x39: {  	[tilespmem:s21+$0x3280] =	vst v0  }
0x3a: {  	[tilespmem:s21+$0x3290] =	vst v0;
	s26 =	rddreg [dreg:$0xd]  }
0x3b: {  	[spmem:s26] =	stream.linear.scatter [tilespmem:s7], [sflag:$0x1], $0x2D00, $0x38;
	[tilespmem:$0x1BF30] =	vst v63  }
0x3c: {  	_ =	swait.ge [sflag:s8], $0x2D00  }
0x3d: {  	[sflag:s8] =	ssyncset.done $0x0  }
0x3e: {  	s22 =	rddreg [dreg:$0xe];
	[sflag:s8] =	ssyncadd.s32 $0xFFFFD300  }
0x3f: {  	[spmem:s22] =	stream.linear.scatter [tilespmem:s7], [sflag:$0x1], $0x2D00, $0x38;
	[tilespmem:$0x1BF30] =	vst v63  }
0x40: {  	_ =	swait.ge [sflag:s8], $0x2D00  }
0x41: {  	[sflag:s8] =	ssyncset.done $0x0  }
0x42: {  	s23 =	rddreg [dreg:$0xf];
	[sflag:s8] =	ssyncadd.s32 $0xFFFFD300  }
0x43: {  	[spmem:s23] =	stream.linear.scatter [tilespmem:s7], [sflag:$0x1], $0x2D00, $0x38;
	[tilespmem:$0x1BF30] =	vst v63  }
0x44: {  	_ =	swait.ge [sflag:s8], $0x2D00  }
0x45: {  	[sflag:s8] =	ssyncset.done $0x0  }
0x46: {  	s24 =	rddreg [dreg:$0x10];
	[sflag:s8] =	ssyncadd.s32 $0xFFFFD300  }
0x47: {  	[spmem:s24] =	stream.linear.scatter [tilespmem:s7], [sflag:$0x1], $0x2D00, $0x38;
	[tilespmem:$0x1BF30] =	vst v63  }
0x48: {  	_ =	swait.ge [sflag:s8], $0x2D00  }
0x49: {  	[sflag:s8] =	ssyncset.done $0x0  }
0x4a: {  	s25 =	rddreg [dreg:$0x11];
	[sflag:s8] =	ssyncadd.s32 $0xFFFFD300  }
0x4b: {  	[spmem:s25] =	stream.linear.scatter [tilespmem:s7], [sflag:$0x1], $0x2D00, $0x38;
	[tilespmem:$0x1BF30] =	vst v63  }
0x4c: {  	_ =	swait.ge [sflag:s8], $0x2D00  }
0x4d: {  	[sflag:s8] =	ssyncset.done $0x0  }
0x4e: {  	s26 =	rddreg [dreg:$0x12];
	[sflag:s8] =	ssyncadd.s32 $0xFFFFD300  }
0x4f: {  	[spmem:s26] =	stream.linear.scatter [tilespmem:s7], [sflag:$0x1], $0x2D00, $0x38;
	[tilespmem:$0x1BF30] =	vst v63  }
0x50: {  	_ =	swait.ge [sflag:s8], $0x2D00  }
0x51: {  	[sflag:s8] =	ssyncset.done $0x0  }
0x52: {  	[sflag:s8] =	ssyncadd.s32 $0xFFFFD300  }
0x53: {  	[spmem:s28] =	stream.linear.scatter [tilespmem:s7], [sflag:$0x1], $0x2D00, $0x38;
	[tilespmem:$0x1BF30] =	vst v63  }
0x54: {  	_ =	swait.ge [sflag:s8], $0x2D00  }
0x55: {  	[sflag:s8] =	ssyncset.done $0x0  }
0x56: {  	[sflag:s8] =	ssyncadd.s32 $0xFFFFD300  }
0x57: {  	[spmem:s18] =	stream.linear.scatter [tilespmem:s7], [sflag:$0x1], $0x2400, $0x38;
	[tilespmem:$0x1BF30] =	vst v63  }
0x58: {  	_ =	swait.ge [sflag:s8], $0x2400  }
0x59: {  	[sflag:s8] =	ssyncset.done $0x0  }
0x5a: {  	s21 =	simm.s32 @!p0 $0x32A0;
	[sflag:s8] =	ssyncadd.s32 $0xFFFFDC00  }
0x5b: {  	[spmem:s6] =	stream.linear.scatter @!p0 [tilespmem:s21], [sflag:$0x1], $0x900, $0x38;
	[tilespmem:$0x1BF30] =	vst v63  }
0x5c: {  	s21 =	simm.s32 @!p0 $0x1  }
0x5d: {  	_ =	swait.ge @!p0 [sflag:s21], $0x900  }
0x5e: {  	[sflag:s21] =	ssyncset.done @!p0 $0x0  }
0x5f: {  	[sflag:s21] =	ssyncadd.s32 @!p0 $0xFFFFF700  }
0x60: {  	s22 =	simm.s32 $0x0;
	s21 =	simm.s32 $0x0;
	[bflag:$0x0] =	sbarrier.arrive $0xFFFF  }
.LBB2_4:
0x61: {  	s23 =	smul.u32 $0x50, s22;
	_ =	sdelay $0x1  }
0x62: {  	s23 =	sadd.s32 s17, s23  }
0x63: {  	s23 =	sshrl.u32 s23, $0x3  }
0x64: {  	s24 =	sadd.s32 s12, s23  }
0x65: {  	[tilespmem:s21], [sflag:$0x1] =	stream.linear.gather [hbm4b:s24+s21], $0x50, $0x38;
	[tilespmem:$0x1BF30] =	vst v63  }
0x66: {  	_ =	swait.ge [sflag:s8], $0x50  }
0x67: {  	[sflag:s8] =	ssyncset.done $0x0  }
0x68: {  	s23 =	sadd.s32 s13, s23;
	[sflag:s8] =	ssyncadd.s32 $0xFFFFFFB0  }
0x69: {  	[tilespmem:s9], [sflag:$0x1] =	stream.linear.gather [hbm4b:s23+s21], $0x50, $0x38;
	[tilespmem:$0x1BF30] =	vst v63  }
0x6a: {  	_ =	swait.ge [sflag:s8], $0x50  }
0x6b: {  	[sflag:s8] =	ssyncset.done $0x0  }
0x6c: {  	[sflag:s8] =	ssyncadd.s32 $0xFFFFFFB0  }
0x6d: {  	[tilespmem:s10], [sflag:$0x1] =	stream.indirect.gather [hbm4b:s14+s9], $0x10, s21, s9, $0xb8;
	[tilespmem:$0x1BF30] =	vst v63  }
0x6e: {  	_ =	swait.ge [sflag:s8], $0x500  }
0x6f: {  	[sflag:s8] =	ssyncset.done $0x0  }
0x70: {  	[sflag:s8] =	ssyncadd.s32 $0xFFFFFB00  }
0x71: {  	[tilespmem:s11], [sflag:$0x1] =	stream.indirect.gather [hbm4b:s15+s9], $0x10, s9, s9, $0xb8;
	[tilespmem:$0x1BF30] =	vst v63  }
0x72: {  	_ =	swait.ge [sflag:s8], $0x500  }
0x73: {  	[sflag:s8] =	ssyncset.done $0x0  }
0x74: {  	[sflag:s8] =	ssyncadd.s32 $0xFFFFFB00  }
0x75: {  	[tilespmem:s19], [sflag:$0x1] =	stream.indirect.gather [hbm4b:s16+s9], $0x80, s21, s9, $0xb8;
	[tilespmem:$0x1BF30] =	vst v63  }
0x76: {  	_ =	swait.ge [sflag:s8], $0x2800  }
0x77: {  	[sflag:s8] =	ssyncset.done $0x0  }
0x78: {  	s26 =	simm.s32 $0x0;
	[sflag:s8] =	ssyncadd.s32 $0xFFFFD800  }
0x79: {  	v1 =	vld [tilespmem:s26+$0xA0]  }
0x7a: {  	v2 =	vld [tilespmem:s26+$0x5A0];
	_ =	sdelay $0x4  }
0x7b: {  	v1 =	vadd.f32 v2, v1;
	_ =	sdelay $0x1  }
0x7c: {  	v2 =	vmul.f32 $2.000000030e-01, v1;
	_ =	sdelay $0x1  }
0x7d: {  	v1 =	vmax.f32 v1, v2  }
0x7e: {  	v1 =	vmul.f32 $1.442695020e+00, v1;
	_ =	sdelay $0x1  }
0x7f: {  	(erf) = vpow2.f32 v1;
	_ =	sdelay $0x8  }
0x80: {  	v1 =	vpop (erf)  }
0x81: {  	s23 =	simm.s32 $0x32E0;
	v2 =	vnsel vm0, $0x0, v1  }
0x82: {  	s24 =	simm.s32 $0xAE0;
	[tilespmem:s23+$0x40] =	vst v2  }
0x83: {  	v2 =	vld [tilespmem:s24+$0xFFFFFFC0];
	_ =	sdelay $0x2  }
0x84: {  	v3 =	vbroadcast v1, $0x0;
	_ =	sdelay $0x1  }
0x85: {  	v2 =	vmul.f32 v3, v2;
	_ =	sdelay $0x1  }
0x86: {  	[tilespmem:s23+$0xFFFFFFC0] =	vst v2  }
0x87: {  	v2 =	vld [tilespmem:s24+$0xFFFFFFD0];
	_ =	sdelay $0x4  }
0x88: {  	v2 =	vmul.f32 v3, v2;
	_ =	sdelay $0x1  }
0x89: {  	[tilespmem:s23+$0xFFFFFFD0] =	vst v2  }
0x8a: {  	v2 =	vld [tilespmem:s24+$0xFFFFFFE0];
	_ =	sdelay $0x2  }
0x8b: {  	v3 =	vbroadcast v1, $0x1;
	_ =	sdelay $0x1  }
0x8c: {  	v2 =	vmul.f32 v3, v2;
	_ =	sdelay $0x1  }
0x8d: {  	[tilespmem:s23+$0xFFFFFFE0] =	vst v2  }
0x8e: {  	v2 =	vld [tilespmem:s24+$0xFFFFFFF0];
	_ =	sdelay $0x4  }
0x8f: {  	v2 =	vmul.f32 v2, v3;
	_ =	sdelay $0x1  }
0x90: {  	[tilespmem:s23+$0xFFFFFFF0] =	vst v2  }
0x91: {  	v2 =	vld [tilespmem:s24+$0x0];
	_ =	sdelay $0x2  }
0x92: {  	v3 =	vbroadcast v1, $0x2;
	_ =	sdelay $0x1  }
0x93: {  	v2 =	vmul.f32 v2, v3;
	_ =	sdelay $0x1  }
0x94: {  	[tilespmem:s23+$0x0] =	vst v2  }
0x95: {  	v2 =	vld [tilespmem:s24+$0x10];
	_ =	sdelay $0x4  }
0x96: {  	v2 =	vmul.f32 v2, v3;
	_ =	sdelay $0x1  }
0x97: {  	[tilespmem:s23+$0x10] =	vst v2  }
0x98: {  	v2 =	vld [tilespmem:s24+$0x20];
	_ =	sdelay $0x2  }
0x99: {  	v1 =	vbroadcast v1, $0x3;
	_ =	sdelay $0x1  }
0x9a: {  	v2 =	vmul.f32 v2, v1;
	_ =	sdelay $0x1  }
0x9b: {  	[tilespmem:s23+$0x20] =	vst v2  }
0x9c: {  	v2 =	vld [tilespmem:s24+$0x30];
	_ =	sdelay $0x4  }
0x9d: {  	v1 =	vmul.f32 v2, v1;
	_ =	sdelay $0x1  }
0x9e: {  	s26 =	simm.s32 $0x10;
	[tilespmem:s23+$0x30] =	vst v1  }
0x9f: {  	s25 =	simm.s32 $0x80;
	v1 =	vld [tilespmem:s26+$0xA0]  }
.LBB2_5:
0xa0: {  	p1 =	sne.s32 s25, $0x13C0;
	v2 =	vld [tilespmem:s26+$0x5A0];
	_ =	sdelay $0x4  }
0xa1: {  	v1 =	vadd.f32 v2, v1;
	_ =	sdelay $0x1  }
0xa2: {  	v2 =	vmul.f32 $2.000000030e-01, v1;
	_ =	sdelay $0x1  }
0xa3: {  	v1 =	vmax.f32 v1, v2  }
0xa4: {  	v1 =	vmul.f32 $1.442695020e+00, v1;
	_ =	sdelay $0x1  }
0xa5: {  	(erf) = vpow2.f32 v1;
	_ =	sdelay $0x8  }
0xa6: {  	v1 =	vpop (erf)  }
0xa7: {  	s23 =	sadd.s32 $0x90, s23;
	v2 =	vnsel vm0, $0x0, v1  }
0xa8: {  	s24 =	sadd.s32 $0x80, s24;
	[tilespmem:s23+$0x40] =	vst v2  }
0xa9: {  	v2 =	vld [tilespmem:s24+$0xFFFFFFC0];
	_ =	sdelay $0x2  }
0xaa: {  	v3 =	vbroadcast v1, $0x0;
	_ =	sdelay $0x1  }
0xab: {  	v2 =	vmul.f32 v3, v2;
	_ =	sdelay $0x1  }
0xac: {  	[tilespmem:s23+$0xFFFFFFC0] =	vst v2  }
0xad: {  	v2 =	vld [tilespmem:s24+$0xFFFFFFD0];
	_ =	sdelay $0x4  }
0xae: {  	v2 =	vmul.f32 v3, v2;
	_ =	sdelay $0x1  }
0xaf: {  	[tilespmem:s23+$0xFFFFFFD0] =	vst v2  }
0xb0: {  	v2 =	vld [tilespmem:s24+$0xFFFFFFE0];
	_ =	sdelay $0x2  }
0xb1: {  	v3 =	vbroadcast v1, $0x1;
	_ =	sdelay $0x1  }
0xb2: {  	v2 =	vmul.f32 v3, v2;
	_ =	sdelay $0x1  }
0xb3: {  	[tilespmem:s23+$0xFFFFFFE0] =	vst v2  }
0xb4: {  	v2 =	vld [tilespmem:s24+$0xFFFFFFF0];
	_ =	sdelay $0x4  }
0xb5: {  	v2 =	vmul.f32 v2, v3;
	_ =	sdelay $0x1  }
0xb6: {  	[tilespmem:s23+$0xFFFFFFF0] =	vst v2  }
0xb7: {  	v2 =	vld [tilespmem:s24+$0x0];
	_ =	sdelay $0x2  }
0xb8: {  	v3 =	vbroadcast v1, $0x2;
	_ =	sdelay $0x1  }
0xb9: {  	v2 =	vmul.f32 v2, v3;
	_ =	sdelay $0x1  }
0xba: {  	[tilespmem:s23+$0x0] =	vst v2  }
0xbb: {  	v2 =	vld [tilespmem:s24+$0x10];
	_ =	sdelay $0x4  }
0xbc: {  	v2 =	vmul.f32 v2, v3;
	_ =	sdelay $0x1  }
0xbd: {  	[tilespmem:s23+$0x10] =	vst v2  }
0xbe: {  	v2 =	vld [tilespmem:s24+$0x20];
	_ =	sdelay $0x2  }
0xbf: {  	v1 =	vbroadcast v1, $0x3;
	_ =	sdelay $0x1  }
0xc0: {  	v2 =	vmul.f32 v2, v1;
	_ =	sdelay $0x1  }
0xc1: {  	[tilespmem:s23+$0x20] =	vst v2  }
0xc2: {  	v2 =	vld [tilespmem:s24+$0x30];
	_ =	sdelay $0x3  }
.Ltmp1:
0xc3: {  	(pc) =	sbr.rel @p1 .LBB2_5-.Ltmp1, $3  }
0xc4: {  	v1 =	vmul.f32 v2, v1;
	_ =	sdelay $0x1  }
0xc5: {  	s26 =	sshra.s32 s25, $0x2;
	[tilespmem:s23+$0x30] =	vst v1  }
0xc6: {  	s25 =	sadd.s32 $0x40, s25;
	v1 =	vld [tilespmem:s26+$0xA0]  }
0xc7: {  	v2 =	vld [tilespmem:s26+$0x5A0];
	_ =	sdelay $0x4  }
0xc8: {  	v1 =	vadd.f32 v2, v1;
	_ =	sdelay $0x1  }
0xc9: {  	v2 =	vmul.f32 $2.000000030e-01, v1;
	_ =	sdelay $0x1  }
0xca: {  	v1 =	vmax.f32 v1, v2  }
0xcb: {  	v1 =	vmul.f32 $1.442695020e+00, v1;
	_ =	sdelay $0x1  }
0xcc: {  	(erf) = vpow2.f32 v1;
	_ =	sdelay $0x8  }
0xcd: {  	v1 =	vpop (erf)  }
0xce: {  	s23 =	sadd.s32 $0x90, s23;
	v2 =	vnsel vm0, $0x0, v1  }
0xcf: {  	s24 =	sadd.s32 $0x80, s24;
	[tilespmem:s23+$0x40] =	vst v2  }
0xd0: {  	v2 =	vld [tilespmem:s24+$0xFFFFFFC0];
	_ =	sdelay $0x2  }
0xd1: {  	v3 =	vbroadcast v1, $0x0;
	_ =	sdelay $0x1  }
0xd2: {  	v2 =	vmul.f32 v3, v2;
	_ =	sdelay $0x1  }
0xd3: {  	[tilespmem:s23+$0xFFFFFFC0] =	vst v2  }
0xd4: {  	v2 =	vld [tilespmem:s24+$0xFFFFFFD0];
	_ =	sdelay $0x4  }
0xd5: {  	v2 =	vmul.f32 v3, v2;
	_ =	sdelay $0x1  }
0xd6: {  	[tilespmem:s23+$0xFFFFFFD0] =	vst v2  }
0xd7: {  	v2 =	vld [tilespmem:s24+$0xFFFFFFE0];
	_ =	sdelay $0x2  }
0xd8: {  	v3 =	vbroadcast v1, $0x1;
	_ =	sdelay $0x1  }
0xd9: {  	v2 =	vmul.f32 v3, v2;
	_ =	sdelay $0x1  }
0xda: {  	[tilespmem:s23+$0xFFFFFFE0] =	vst v2  }
0xdb: {  	v2 =	vld [tilespmem:s24+$0xFFFFFFF0];
	_ =	sdelay $0x4  }
0xdc: {  	v2 =	vmul.f32 v2, v3;
	_ =	sdelay $0x1  }
0xdd: {  	[tilespmem:s23+$0xFFFFFFF0] =	vst v2  }
0xde: {  	v2 =	vld [tilespmem:s24+$0x0];
	_ =	sdelay $0x2  }
0xdf: {  	v3 =	vbroadcast v1, $0x2;
	_ =	sdelay $0x1  }
0xe0: {  	v2 =	vmul.f32 v2, v3;
	_ =	sdelay $0x1  }
0xe1: {  	[tilespmem:s23+$0x0] =	vst v2  }
0xe2: {  	v2 =	vld [tilespmem:s24+$0x10];
	_ =	sdelay $0x4  }
0xe3: {  	v2 =	vmul.f32 v2, v3;
	_ =	sdelay $0x1  }
0xe4: {  	[tilespmem:s23+$0x10] =	vst v2  }
0xe5: {  	v2 =	vld [tilespmem:s24+$0x20];
	_ =	sdelay $0x2  }
0xe6: {  	v1 =	vbroadcast v1, $0x3;
	_ =	sdelay $0x1  }
0xe7: {  	v2 =	vmul.f32 v2, v1;
	_ =	sdelay $0x1  }
0xe8: {  	[tilespmem:s23+$0x20] =	vst v2  }
0xe9: {  	v2 =	vld [tilespmem:s24+$0x30];
	_ =	sdelay $0x4  }
0xea: {  	s22 =	sadd.s32 $0x1, s22;
	v1 =	vmul.f32 v2, v1  }
0xeb: {  	p1 =	sne.s32 s22, $0x7D  }
.Ltmp2:
0xec: {  	[tilespmem:s23+$0x30] =	vst v1;
	(pc) =	sbr.rel @p1 .LBB2_4-.Ltmp2, $4  }
0xed: {  	[spmem:s2] =	stream.indirect.scatter.add.f32 [tilespmem:s7], [sflag:$0x1], $0x90, s9, s9, $0xb8;
	[tilespmem:$0x1BF30] =	vst v63  }
0xee: {  	_ =	swait.ge [sflag:s8], $0x2D00  }
0xef: {  	[sflag:s8] =	ssyncset.done $0x0  }
0xf0: {  	[sflag:s8] =	ssyncadd.s32 $0xFFFFD300  }
0xf1: {  	[bflag:$0x0] =	sbarrier.arrive $0xFFFF  }
0xf2: {  	[tilespmem:s7], [sflag:$0x1] =	stream.linear.gather [spmem:s29], $0x2D00, $0x38;
	[tilespmem:$0x1BF30] =	vst v63  }
0xf3: {  	_ =	swait.ge [sflag:s8], $0x2D00  }
0xf4: {  	[sflag:s8] =	ssyncset.done $0x0  }
0xf5: {  	s21 =	rddreg [dreg:$0x4];
	[sflag:s8] =	ssyncadd.s32 $0xFFFFD300  }
0xf6: {  	[hbm4b:s21+s3] =	stream.linear.scatter [tilespmem:s7], [sflag:$0x1], $0x2D00, $0x38;
	[tilespmem:$0x1BF30] =	vst v63  }
0xf7: {  	_ =	swait.ge [sflag:s8], $0x2D00  }
0xf8: {  	[sflag:s8] =	ssyncset.done $0x0  }
0xf9: {  	[sflag:s8] =	ssyncadd.s32 $0xFFFFD300  }
0xfa: {  	[tilespmem:s7], [sflag:$0x1] =	stream.linear.gather [spmem:s30], $0x2D00, $0x38;
	[tilespmem:$0x1BF30] =	vst v63  }
0xfb: {  	_ =	swait.ge [sflag:s8], $0x2D00  }
0xfc: {  	[sflag:s8] =	ssyncset.done $0x0  }
0xfd: {  	s24 =	rddreg [dreg:$0x5];
	[sflag:s8] =	ssyncadd.s32 $0xFFFFD300  }
0xfe: {  	[hbm4b:s24+s3] =	stream.linear.scatter [tilespmem:s7], [sflag:$0x1], $0x2D00, $0x38;
	[tilespmem:$0x1BF30] =	vst v63  }
0xff: {  	_ =	swait.ge [sflag:s8], $0x2D00  }
0x100: {  	[sflag:s8] =	ssyncset.done $0x0  }
0x101: {  	[sflag:s8] =	ssyncadd.s32 $0xFFFFD300  }
0x102: {  	[tilespmem:s7], [sflag:$0x1] =	stream.linear.gather [spmem:s31], $0x2D00, $0x38;
	[tilespmem:$0x1BF30] =	vst v63  }
0x103: {  	_ =	swait.ge [sflag:s8], $0x2D00  }
0x104: {  	[sflag:s8] =	ssyncset.done $0x0  }
0x105: {  	s25 =	rddreg [dreg:$0x6];
	[sflag:s8] =	ssyncadd.s32 $0xFFFFD300  }
0x106: {  	[hbm4b:s25+s3] =	stream.linear.scatter [tilespmem:s7], [sflag:$0x1], $0x2D00, $0x38;
	[tilespmem:$0x1BF30] =	vst v63  }
0x107: {  	_ =	swait.ge [sflag:s8], $0x2D00  }
0x108: {  	[sflag:s8] =	ssyncset.done $0x0  }
0x109: {  	[sflag:s8] =	ssyncadd.s32 $0xFFFFD300  }
0x10a: {  	[tilespmem:s7], [sflag:$0x1] =	stream.linear.gather [spmem:s0], $0x2D00, $0x38;
	[tilespmem:$0x1BF30] =	vst v63  }
0x10b: {  	_ =	swait.ge [sflag:s8], $0x2D00  }
0x10c: {  	[sflag:s8] =	ssyncset.done $0x0  }
0x10d: {  	s26 =	rddreg [dreg:$0x7];
	[sflag:s8] =	ssyncadd.s32 $0xFFFFD300  }
0x10e: {  	[hbm4b:s26+s3] =	stream.linear.scatter [tilespmem:s7], [sflag:$0x1], $0x2D00, $0x38;
	[tilespmem:$0x1BF30] =	vst v63  }
0x10f: {  	_ =	swait.ge [sflag:s8], $0x2D00  }
0x110: {  	[sflag:s8] =	ssyncset.done $0x0  }
0x111: {  	[sflag:s8] =	ssyncadd.s32 $0xFFFFD300  }
0x112: {  	[tilespmem:s7], [sflag:$0x1] =	stream.linear.gather [spmem:s1], $0x2D00, $0x38;
	[tilespmem:$0x1BF30] =	vst v63  }
0x113: {  	_ =	swait.ge [sflag:s8], $0x2D00  }
0x114: {  	[sflag:s8] =	ssyncset.done $0x0  }
0x115: {  	s22 =	rddreg [dreg:$0x8];
	[sflag:s8] =	ssyncadd.s32 $0xFFFFD300  }
0x116: {  	[hbm4b:s22+s3] =	stream.linear.scatter [tilespmem:s7], [sflag:$0x1], $0x2D00, $0x38;
	[tilespmem:$0x1BF30] =	vst v63  }
0x117: {  	_ =	swait.ge [sflag:s8], $0x2D00  }
0x118: {  	[sflag:s8] =	ssyncset.done $0x0  }
0x119: {  	[sflag:s8] =	ssyncadd.s32 $0xFFFFD300  }
0x11a: {  	[tilespmem:s7], [sflag:$0x1] =	stream.linear.gather [spmem:s4], $0x2D00, $0x38;
	[tilespmem:$0x1BF30] =	vst v63  }
0x11b: {  	_ =	swait.ge [sflag:s8], $0x2D00  }
0x11c: {  	[sflag:s8] =	ssyncset.done $0x0  }
0x11d: {  	s23 =	rddreg [dreg:$0x9];
	[sflag:s8] =	ssyncadd.s32 $0xFFFFD300  }
0x11e: {  	[hbm4b:s23+s3] =	stream.linear.scatter [tilespmem:s7], [sflag:$0x1], $0x2D00, $0x38;
	[tilespmem:$0x1BF30] =	vst v63  }
0x11f: {  	_ =	swait.ge [sflag:s8], $0x2D00  }
0x120: {  	[sflag:s8] =	ssyncset.done $0x0  }
0x121: {  	[sflag:s8] =	ssyncadd.s32 $0xFFFFD300  }
0x122: {  	[tilespmem:s7], [sflag:$0x1] =	stream.linear.gather [spmem:s5], $0x2D00, $0x38;
	[tilespmem:$0x1BF30] =	vst v63  }
0x123: {  	_ =	swait.ge [sflag:s8], $0x2D00  }
0x124: {  	[sflag:s8] =	ssyncset.done $0x0  }
0x125: {  	s24 =	rddreg [dreg:$0xa];
	[sflag:s8] =	ssyncadd.s32 $0xFFFFD300  }
0x126: {  	[hbm4b:s24+s3] =	stream.linear.scatter [tilespmem:s7], [sflag:$0x1], $0x2D00, $0x38;
	[tilespmem:$0x1BF30] =	vst v63  }
0x127: {  	_ =	swait.ge [sflag:s8], $0x2D00  }
0x128: {  	[sflag:s8] =	ssyncset.done $0x0  }
0x129: {  	[sflag:s8] =	ssyncadd.s32 $0xFFFFD300  }
0x12a: {  	[tilespmem:s7], [sflag:$0x1] =	stream.linear.gather [spmem:s18], $0x2400, $0x38;
	[tilespmem:$0x1BF30] =	vst v63  }
0x12b: {  	_ =	swait.ge [sflag:s8], $0x2400  }
0x12c: {  	[sflag:s8] =	ssyncset.done $0x0  }
0x12d: {  	s25 =	rddreg [dreg:$0x3];
	[sflag:s8] =	ssyncadd.s32 $0xFFFFDC00  }
0x12e: {  	[hbm4b:s25+s3] =	stream.linear.scatter [tilespmem:s7], [sflag:$0x1], $0x2400, $0x38;
	[tilespmem:$0x1BF30] =	vst v63  }
0x12f: {  	_ =	swait.ge [sflag:s8], $0x2400  }
0x130: {  	[sflag:s8] =	ssyncset.done $0x0  }
0x131: {  	s21 =	simm.s32 @!p0 $0x32A0;
	s22 =	simm.s32 @!p0 $0x1;
	[sflag:s8] =	ssyncadd.s32 $0xFFFFDC00  }
0x132: {  	[tilespmem:s21], [sflag:$0x1] =	stream.linear.gather @!p0 [spmem:s6], $0x900, $0x38;
	[tilespmem:$0x1BF30] =	vst v63  }
0x133: {  	_ =	swait.ge @!p0 [sflag:s22], $0x900  }
0x134: {  	[sflag:s22] =	ssyncset.done @!p0 $0x0  }
0x135: {  	s23 =	simm.s32 @!p0 $0x0;
	s24 =	rddreg [dreg:$0xb];
	[sflag:s22] =	ssyncadd.s32 @!p0 $0xFFFFF700  }
0x136: {  	[hbm4b:s24+s23] =	stream.linear.scatter @!p0 [tilespmem:s21], [sflag:$0x1], $0x900, $0x38;
	[tilespmem:$0x1BF30] =	vst v63  }
0x137: {  	_ =	swait.ge @!p0 [sflag:s22], $0x900  }
0x138: {  	s20 =	sadd.s32 $0x1, s20;
	s26 =	rddreg [dreg:$0xc]  }
0x139: {  	p1 =	sne.s32 s20, s26  }
.Ltmp3:
0x13a: {  	_ = 	snop;
	(pc) =	sbr.rel @p1 .LBB2_1-.Ltmp3, $3  }
0x13b: {  	_ =	sdelay $0x1  }
0x13c: {  	[sflag:s22] =	ssyncset.done @!p0 $0x0  }
0x13d: {  	[sflag:s22] =	ssyncadd.s32 @!p0 $0xFFFFF700  }
0x13e: {  	_ =	sfence.sel $0x180000  }
0x13f: {  	[bflag:$0x0] =	sbarrier.arrive $0xFFFF  }
0x140: {  	_ =	strace $0x90000047  }
0x141: {  	s0 =	stileid.u32;
	[bflag:$0x2] =	sbarrier.arrive $0xFFFF  }
0x142: {  	p0 =	sne.s32 s0, $0x0;
	s0 =	rddreg [dreg:$0x2]  }
0x143: {  	s0 =	sadd.s32 @!p0 $0x100000, s0  }
0x144: {  	[sflag:s0] =	ssyncadd.tile.s32 @!p0 $0x1;
	_ =	shalt  }
.Lfunc_end2:
_tile_overlayer_lowered:
.L_overlay_start_2:
0x145: {  	(tag) =	ssettag $0x2  }
0x146: {  	s0 =	rddreg [dreg:$0x0];
	s2 =	stileid.u32  }
0x147: {  	s1 =	rddreg [dreg:$0x1];
	p0 =	sne.s32 s2, $0x0  }
0x148: {  	s3 =	rddreg [dreg:$0x2];
	[bflag:$0x3] =	sbarrier.arrive $0xFFFF;
	s2 =	simm.s32 @!p0 $0x1C01  }
0x149: {  	[timem:s3], [sflag:s2] =	dma.local @!p0 [hbm:s0], s1  }
0x14a: {  	s0 =	simm.s32 @!p0 $0x1  }
0x14b: {  	_ =	swait.ge @!p0 [sflag:s0], s1  }
0x14c: {  	s1 =	ssub.s32 @!p0 $0x0, s1;
	[sflag:s0] =	ssyncset.done @!p0 $0x0  }
0x14d: {  	[sflag:s0] =	ssyncadd.s32 @!p0 s1  }
0x14e: {  	[bflag:$0x3] =	sbarrier.arrive $0xFFFF  }
0x14f: {  	_ =	shalt  }

// kernel: kernel.14.cloned.1.call-start
scs
__scs_entry_jumppad:
0x0: {  	(pc) =	sbr.rel $0x88, $3  }
0x1: {  	(tag) =	ssettag $0x0;
	lr =	simm.s32 $0x1  }
0x2: {  	[smem:$0x3F91] =	sst lr;
	_ =	strace $0xD0000000  }
0x3: {  	_ = 	snop  }
0x4: {  	_ = 	snop  }
0x5: {  	_ = 	snop  }
0x6: {  	_ = 	snop  }
0x7: {  	_ = 	snop  }
__scs_overlays_trampoline_lowered:
0x8: {  	[smem:$0x3FA0] =	sst s0  }
0x9: {  	[smem:$0x3FA1] =	sst s1  }
0xa: {  	[smem:$0x3FA2] =	sst s2  }
0xb: {  	[smem:$0x3FA3] =	sst s3  }
0xc: {  	[smem:$0x3FA4] =	sst s4  }
0xd: {  	[smem:$0x3FA5] =	sst s5  }
0xe: {  	[smem:$0x3FA6] =	sst s6  }
0xf: {  	[smem:$0x3FA7] =	sst s7  }
0x10: {  	[smem:$0x3FA8] =	sst s8  }
0x11: {  	[smem:$0x3FA9] =	sst s9;
	s0 =	simm.s32 @!p0 $0x0  }
0x12: {  	s1 =	sld [smem:$0x3F8F];
	s0 =	simm.s32 @p0 $0x1  }
0x13: {  	[smem:$0x3FAA] =	sst s0;
	s0 =	simm.s32 @!p1 $0x0  }
0x14: {  	s2 =	sld [smem:$0x3F8E];
	s0 =	simm.s32 @p1 $0x1  }
0x15: {  	[smem:$0x3FAB] =	sst s0;
	s0 =	simm.s32 @!p2 $0x0  }
0x16: {  	s3 =	sld [smem:$0x3FDB];
	s0 =	simm.s32 @p2 $0x1  }
0x17: {  	s4 =	simm.s32 $0x1BF5;
	[smem:$0x3FAD] =	sst s0  }
0x18: {  	s0 =	sld [smem:$0x3F90];
	_ =	swait.ge [sflag:s4], $0x0  }
0x19: {  	s7 =	sld [smem:$0x3F91]  }
0x1a: {  	s8 =	sadd.s32 $0xFFFFE003, lr  }
0x1b: {  	s9 =	sadd.s32 $0xFFFFFEF7, lr;
	s5 =	simm.s32 $0xFFFFFFFF;
	p2 =	slt.u32 s8, $0xFFFFF086  }
0x1c: {  	p1 =	slt.u32 s9, $0xF7A;
	s5 =	simm.s32 @!p2 $0x0  }
0x1d: {  	s5 =	simm.s32 @p1 $0x1;
	p0 =	seq.s32 s7, s2  }
0x1e: {  	s7 =	smul.u32 @!p0 $0xF7A, s2;
	p2 =	seq.s32 @!p0 s5, $0x0  }
0x1f: {  	s9 =	smul.u32 $0xF7A, s1;
	s8 =	simm.s32 @!p0 $0x1BF5;
	p2 =	por !p2, p0  }
0x20: {  	[sflag:s8] =	ssyncset.s32 @!p0 $0xFFFFF086;
	s6 =	sadd.s32 @!p0 s3, s7;
	s7 =	simm.s32 @!p0 $0x108  }
0x21: {  	s3 =	sadd.s32 s3, s9;
	s6 =	sadd.s32 @!p0 $0x88, s6;
	s7 =	simm.s32 @p2 $0x1082  }
0x22: {  	[simem:s7], [sflag:s8] =	dma.local @!p0 [hbm:s6], $0xF7A  }
0x23: {  	s9 =	sor.u32 $0xD0000000, s2;
	s6 =	simm.s32 $0x108;
	_ =	swait.ge @!p0 [sflag:s8], $0x0  }
0x24: {  	s3 =	sadd.s32 $0x88, s3;
	s6 =	simm.s32 @!p1 $0x1082;
	[sflag:s4] =	ssyncset.s32 $0xFFFFF086  }
0x25: {  	[simem:s6], [sflag:s4] =	dma.local [hbm:s3], $0xF7A  }
0x26: {  	[smem:$0x3F91] =	sst s1;
	(tag) =	ssettag s2;
	_ =	strace s9  }
0x27: {  	s1 =	sld [smem:$0x3FA1]  }
0x28: {  	s2 =	sld [smem:$0x3FA2]  }
0x29: {  	s4 =	sld [smem:$0x3FA4]  }
0x2a: {  	p0 =	seq.s32 s5, $0x0;
	s5 =	sld [smem:$0x3FA5]  }
0x2b: {  	s6 =	sld [smem:$0x3FA6]  }
0x2c: {  	s7 =	sld [smem:$0x3FA7]  }
0x2d: {  	s3 =	simm.s32 $0x108;
	s8 =	sld [smem:$0x3FA8]  }
0x2e: {  	s3 =	simm.s32 @!p0 $0x1082;
	s9 =	sld [smem:$0x3FA9]  }
0x2f: {  	lr =	sadd.s32 s0, s3;
	s0 =	sld [smem:$0x3FA0]  }
0x30: {  	s3 =	sld [smem:$0x3FA3]  }
0x31: {  	[smem:$0x3FAC] =	sst s10  }
0x32: {  	s10 =	sld [smem:$0x3FAA];
	_ =	sdelay $0x3  }
0x33: {  	p0 =	seq.s32 s10, $0x1;
	s10 =	sld [smem:$0x3FAC];
	_ =	sdelay $0x3  }
0x34: {  	[smem:$0x3FAC] =	sst s10  }
0x35: {  	s10 =	sld [smem:$0x3FAB];
	_ =	sdelay $0x3  }
0x36: {  	p1 =	seq.s32 s10, $0x1;
	s10 =	sld [smem:$0x3FAC];
	_ =	sdelay $0x3  }
0x37: {  	[smem:$0x3FAC] =	sst s10  }
0x38: {  	s10 =	sld [smem:$0x3FAD]  }
0x39: {  	_ = 	snop;
	(pc) =	sbr.ind lr, $3  }
0x3a: {  	_ = 	snop  }
0x3b: {  	_ = 	snop  }
0x3c: {  	p2 =	seq.s32 s10, $0x1;
	s10 =	sld [smem:$0x3FAC]  }
0x3d: {  	_ =	shalt  }
0x3e: {  	_ =	shalt  }
0x3f: {  	_ =	shalt  }
0x40: {  	_ =	shalt  }
0x41: {  	_ =	shalt  }
0x42: {  	_ =	shalt  }
0x43: {  	_ =	shalt  }
0x44: {  	_ =	shalt  }
0x45: {  	_ =	shalt  }
0x46: {  	_ =	shalt  }
0x47: {  	_ =	shalt  }
0x48: {  	_ =	shalt  }
0x49: {  	_ =	shalt  }
0x4a: {  	_ =	shalt  }
0x4b: {  	_ =	shalt  }
0x4c: {  	_ =	shalt  }
0x4d: {  	_ =	shalt  }
0x4e: {  	_ =	shalt  }
0x4f: {  	_ =	shalt  }
0x50: {  	_ =	shalt  }
0x51: {  	_ =	shalt  }
0x52: {  	_ =	shalt  }
0x53: {  	_ =	shalt  }
0x54: {  	_ =	shalt  }
0x55: {  	_ =	shalt  }
0x56: {  	_ =	shalt  }
0x57: {  	_ =	shalt  }
0x58: {  	_ =	shalt  }
0x59: {  	_ =	shalt  }
0x5a: {  	_ =	shalt  }
0x5b: {  	_ =	shalt  }
0x5c: {  	_ =	shalt  }
0x5d: {  	_ =	shalt  }
0x5e: {  	_ =	shalt  }
0x5f: {  	_ =	shalt  }
0x60: {  	_ =	shalt  }
0x61: {  	_ =	shalt  }
0x62: {  	_ =	shalt  }
0x63: {  	_ =	shalt  }
0x64: {  	_ =	shalt  }
0x65: {  	_ =	shalt  }
0x66: {  	_ =	shalt  }
0x67: {  	_ =	shalt  }
0x68: {  	_ =	shalt  }
0x69: {  	_ =	shalt  }
0x6a: {  	_ =	shalt  }
0x6b: {  	_ =	shalt  }
0x6c: {  	_ =	shalt  }
0x6d: {  	_ =	shalt  }
0x6e: {  	_ =	shalt  }
0x6f: {  	_ =	shalt  }
0x70: {  	_ =	shalt  }
0x71: {  	_ =	shalt  }
0x72: {  	_ =	shalt  }
0x73: {  	_ =	shalt  }
0x74: {  	_ =	shalt  }
0x75: {  	_ =	shalt  }
0x76: {  	_ =	shalt  }
0x77: {  	_ =	shalt  }
0x78: {  	_ =	shalt  }
0x79: {  	_ =	shalt  }
0x7a: {  	_ =	shalt  }
0x7b: {  	_ =	shalt  }
0x7c: {  	_ =	shalt  }
0x7d: {  	_ =	shalt  }
0x7e: {  	_ =	shalt  }
0x7f: {  	_ =	shalt  }
0x80: {  	_ =	shalt  }
0x81: {  	_ =	shalt  }
0x82: {  	_ =	shalt  }
0x83: {  	_ =	shalt  }
0x84: {  	_ =	shalt  }
0x85: {  	_ =	shalt  }
0x86: {  	_ =	shalt  }
0x87: {  	_ =	shalt  }
.Lfunc_end0:
.L_simem_size_0:
called_computation.1_lowered:
.L_overlay_start_0:
0x88: {  	s2 =	sld [smem:$0x3FD9]  }
0x89: {  	s3 =	sld [smem:$0x3FFE];
	_ =	sdelay $0x1  }
0x8a: {  	s1 =	srdreg.scid  }
0x8b: {  	s0 =	sand.u32 $0x1, s1  }
0x8c: {  	s16 =	sshll.u32 s0, $0xA;
	s2 =	sadd.s32 s3, s2  }
0x8d: {  	s2 =	sadd.s32 s2, s16  }
0x8e: {  	[smem:$0x3FB8] =	sst s2  }
0x8f: {  	_ = 	snop  }
0x90: {  	(tm) =	ssettm $0x1  }
0x91: {  	s17 =	sld [smem:$0x3FFB];
	_ =	sdelay $0x3  }
0x92: {  	_ =	strace s17  }
0x93: {  	s2 =	sld [smem:$0x3FFC];
	_ =	sdelay $0x3  }
0x94: {  	_ =	strace s2  }
0x95: {  	s2 =	sld [smem:$0x3FFD];
	_ =	sdelay $0x3  }
0x96: {  	_ =	strace s2  }
0x97: {  	_ =	strace $0x8FFFFFFF  }
0x98: {  	s18 =	sld [smem:$0x3FDB];
	_ =	sdelay $0x1  }
0x99: {  	s19 =	simm.s32 $_scs_section_size  }
0x9a: {  	s4 =	simm.s32 $_size__tile_overlayer_lowered;
	s5 =	simm.s32 $_tile_overlayer_lowered  }
0x9b: {  	s22 =	simm.s32 $0x1BFF;
	s21 =	sshll.u32 s5, $0x1;
	s2 =	sadd.s32 s19, s18  }
0x9c: {  	s6 =	simm.s32 $0x0;
	s20 =	sshll.u32 s4, $0x1;
	s4 =	sadd.s32 s21, s2  }
0x9d: {  	[timem:s6], [sflag:s22] =	dma.local [hbm:s4], s20  }
0x9e: {  	_ =	swait.ge [sflag:s22], s20  }
0x9f: {  	s3 =	ssub.s32 $0x0, s20;
	[sflag:s22] =	ssyncset.done $0x0  }
0xa0: {  	[sflag:s22] =	ssyncadd.s32 s3;
	_ =	sdelay $0x1  }
0xa1: {  	s23 =	simm.s32 $0x1B8B  }
0xa2: {  	_ =	swait.ge [sflag:s23], $0x1  }
0xa3: {  	[sflag:s23] =	ssyncset.done $0x0  }
0xa4: {  	s25 =	simm.s32 $0x1B8E;
	s24 =	sld [smem:$0x3FFE];
	[sflag:s23] =	ssyncadd.s32 $0xFFFFFFFF  }
0xa5: {  	s26 =	simm.s32 $execute0_lowered;
	[smem:$0x3FD2] =	sst s25  }
0xa6: {  	s4 =	sshll.u32 s26, $0x1;
	_ =	strace $0x80000049;
	[dreg:$0x1] =	wrdreg $0xFFFFFFFF  }
0xa7: {  	s28 =	simm.s32 $_size_execute0_lowered;
	s2 =	sadd.s32 s2, s4;
	[dreg:$0x0] =	wrdreg $0x0  }
0xa8: {  	s4 =	sshll.u32 s28, $0x1;
	[dreg:$0x2] =	wrdreg s2  }
0xa9: {  	[dreg:$0x3] =	wrdreg s4  }
0xaa: {  	[dreg:$0x4] =	wrdreg $0xC0  }
0xab: {  	_ =	task [dreg:s6], $0x5FFFF  }
0xac: {  	[dreg:$0x1] =	wrdreg $0xFFFFFFFF  }
0xad: {  	[dreg:$0x0] =	wrdreg $0x60  }
0xae: {  	[dreg:$0x2] =	wrdreg s24  }
0xaf: {  	[dreg:$0x3] =	wrdreg $0x5FA00  }
0xb0: {  	[dreg:$0x4] =	wrdreg $0x9  }
0xb1: {  	_ =	task.clear_ibuf [dreg:s6], $0x5FFFF;
	_ =	strace $0x90000049  }
0xb2: {  	s29 =	simm.s32 $0x9;
	_ =	strace $0x8000004B  }
0xb3: {  	_ =	swait.ge [sflag:s29], $0x1  }
0xb4: {  	[sflag:s29] =	ssyncadd.s32 $0xFFFFFFFF  }
0xb5: {  	_ =	strace $0x9000004B  }
0xb6: {  	_ =	sfence  }
0xb7: {  	s30 =	sld [smem:$0x0];
	_ =	sdelay $0x2  }
0xb8: {  	s31 =	sshll.u32 s1, $0xD;
	s1 =	sshrl.u32 s1, $0x2  }
0xb9: {  	s3 =	sand.u32 $0x4000, s31;
	s1 =	sadd.s32 s1, s30  }
0xba: {  	s0 =	sor.u32 s3, s0;
	s1 =	sshll.u32 s1, $0x11  }
0xbb: {  	s0 =	sor.u32 s1, s0  }
0xbc: {  	s0 =	sadd.s32 $0x8F2B, s0  }
0xbd: {  	[sflag:s0] =	ssyncadd.remote.s32 $0x1  }
0xbe: {  	_ =	sfence.sel $0xFFFF  }
0xbf: {  	[dreg:$0x0] =	wrdreg $0xFFFFFFFF;
	(pc) =	sbr.abs _section_cstart, $3  }
0xc0: {  	[dreg:$0x1] =	wrdreg $0xFFFFFFFF  }
0xc1: {  	_ =	task.clear_ibuf [dreg:s6], $0x2FFFF;
	_ =	strace $0x9FFFFFFF  }
0xc2: {  	(tm) =	ssettm $0x7FFFFFFF  }
0xc3: {  	_ =	shalt  }
tec
execute0_lowered:
.L_overlay_start_1:
0x0: {  	(tag) =	ssettag $0x1  }
0x1: {  	s1 =	rddreg [dreg:$0x0]  }
0x2: {  	s2 =	rddreg [dreg:$0x1]  }
0x3: {  	s3 =	simm.s32 $0x0;
	s0 =	srdreg.scid;
	s24 =	stileid.u32  }
0x4: {  	[smem:$0x7FF] =	sst s3;
	s4 =	sand.u32 $0x1, s0;
	s0 =	smul.u32 $0x15F00, s24  }
0x5: {  	s6 =	sadd.s32 $0x47800, s1;
	s10 =	smul.u32 $0x270, s24;
	p0 =	sne.s32 s24, $0xF  }
0x6: {  	_ =	strace $0x8000004A;
	s5 =	smul.u32 $0x15F900, s4;
	s7 =	ssub.s32 $0x2, s4  }
0x7: {  	s4 =	sshll.u32 s4, $0x4;
	s8 =	sadd.s32 $0x13B00, s0;
	s9 =	sshrl.u32 s7, $0x1  }
0x8: {  	s26 =	sadd.s32 $0x50, s10;
	s20 =	sadd.s32 $0x8700, s0;
	s21 =	sadd.s32 $0xB400, s0  }
0x9: {  	s22 =	sadd.s32 $0xE100, s0;
	s23 =	sadd.s32 $0x10E00, s0;
	s4 =	sor.u32 s24, s4  }
0xa: {  	s29 =	sadd.s32 s0, s2;
	s11 =	sadd.s32 s5, s8;
	s7 =	ssub.s32 s7, s9  }
0xb: {  	s13 =	sadd.s32 s5, s0;
	s14 =	sshrl.u32 s5, $0x3;
	s19 =	smul.u32 $0x90, s26  }
0xc: {  	s17 =	sadd.s32 s5, s21;
	s18 =	sadd.s32 s5, s22;
	s26 =	smul.u32 $0x240, s26  }
0xd: {  	s25 =	sshrl.u32 s11, $0x3;
	s10 =	sshrl.u32 s13, $0x3;
	s11 =	sadd.s32 s6, s14  }
0xe: {  	s14 =	sadd.s32 s5, s20;
	s9 =	sadd.s32 s6, s25;
	s10 =	sadd.s32 s6, s10  }
0xf: {  	s12 =	sadd.s32 s5, s19;
	s16 =	sshrl.u32 s14, $0x3;
	s14 =	sadd.s32 $0x2EC00, s1  }
0x10: {  	s30 =	sadd.s32 s19, s2;
	s19 =	simm.s32 $0xAA0;
	[dreg:$0x3] =	wrdreg s9  }
0x11: {  	[dreg:$0x4] =	wrdreg s10;
	s10 =	sadd.s32 $0x5A00, s0;
	s12 =	sshrl.u32 s12, $0x3  }
0x12: {  	s9 =	sadd.s32 $0x2BE00, s11;
	s11 =	smax.u32 s7, $0x1;
	s0 =	sadd.s32 s20, s2  }
0x13: {  	s20 =	simm.s32 $0x0;
	s13 =	sadd.s32 s5, s10;
	[dreg:$0xb] =	wrdreg s9  }
0x14: {  	s12 =	sadd.s32 s6, s12;
	s5 =	sadd.s32 s5, s23;
	[dreg:$0xc] =	wrdreg s11  }
0x15: {  	s31 =	sadd.s32 s10, s2;
	s10 =	simm.s32 $0xA0;
	s13 =	sshrl.u32 s13, $0x3  }
0x16: {  	[dreg:$0x5] =	wrdreg s12;
	s12 =	sadd.s32 s6, s16;
	s5 =	sshrl.u32 s5, $0x3  }
0x17: {  	s16 =	sadd.s32 $0x2A00, s1;
	s15 =	sadd.s32 s6, s13;
	[dreg:$0x7] =	wrdreg s12  }
0x18: {  	s12 =	sshrl.u32 s17, $0x3;
	s13 =	sshrl.u32 s18, $0x3;
	s5 =	sadd.s32 s6, s5  }
0x19: {  	s17 =	smul.u32 $0x2710, s4;
	s18 =	sadd.s32 s8, s2;
	[dreg:$0x6] =	wrdreg s15  }
0x1a: {  	s12 =	sadd.s32 s6, s12;
	s25 =	sadd.s32 s6, s13;
	[dreg:$0xa] =	wrdreg s5  }
0x1b: {  	s13 =	sadd.s32 $0x33C00, s1;
	s5 =	smul.u32 $0x57C00, s24;
	[dreg:$0x8] =	wrdreg s12  }
0x1c: {  	s15 =	sadd.s32 $0x29C00, s1;
	s6 =	sadd.s32 $0x15F000, s2;
	[dreg:$0x9] =	wrdreg s25  }
0x1d: {  	s12 =	sadd.s32 $0x3DA00, s1;
	s1 =	sshrl.u32 s26, $0x2;
	s8 =	sshrl.u32 s5, $0x2  }
0x1e: {  	s25 =	sadd.s32 $0x16800, s5;
	s26 =	sadd.s32 $0x21C00, s5;
	s1 =	sadd.s32 s1, s2  }
0x1f: {  	s9 =	sadd.s32 $0x2D000, s5;
	s11 =	sadd.s32 $0x38400, s5;
	s5 =	sadd.s32 $0x43800, s5  }
0x20: {  	s4 =	sadd.s32 s8, s2;
	[dreg:$0xe] =	wrdreg s1;
	s7 =	sshrl.u32 s26, $0x2  }
0x21: {  	s26 =	sshrl.u32 s5, $0x2;
	s5 =	sadd.s32 s23, s2;
	[dreg:$0xd] =	wrdreg s4  }
0x22: {  	s4 =	sshrl.u32 s25, $0x2;
	s8 =	sadd.s32 s7, s2;
	s25 =	sshrl.u32 s11, $0x2  }
0x23: {  	s28 =	sadd.s32 s26, s2;
	s7 =	simm.s32 $0x32A0;
	s1 =	sadd.s32 s4, s2  }
0x24: {  	s11 =	simm.s32 $0x5A0;
	[dreg:$0xf] =	wrdreg s1;
	s1 =	sshrl.u32 s9, $0x2  }
0x25: {  	[dreg:$0x10] =	wrdreg s8;
	s4 =	sadd.s32 s22, s2;
	s1 =	sadd.s32 s1, s2  }
0x26: {  	s8 =	simm.s32 $0x1;
	[dreg:$0x11] =	wrdreg s1;
	s1 =	sadd.s32 s25, s2  }
0x27: {  	v0 =	vimm.f32 $0.0e+00;
	vm0 =	vmmov $0x1;
	s9 =	simm.s32 $0x50;
	[dreg:$0x12] =	wrdreg s1;
	s1 =	sadd.s32 s21, s2  }
.LBB2_1:
0x28: {  	s21 =	simm.s32 $0x80;
	s22 =	simm.s32 $0x440  }
.LBB2_2:
0x29: {  	p1 =	sne.s32 s22, $0xB3C0;
	[tilespmem:s21+$0x32A0] =	vst v0  }
0x2a: {  	[tilespmem:s21+$0x3220] =	vst v0  }
0x2b: {  	[tilespmem:s21+$0x3230] =	vst v0  }
0x2c: {  	[tilespmem:s21+$0x3240] =	vst v0  }
.Ltmp0:
0x2d: {  	[tilespmem:s21+$0x3250] =	vst v0;
	(pc) =	sbr.rel @p1 .LBB2_2-.Ltmp0, $4  }
0x2e: {  	[tilespmem:s21+$0x3260] =	vst v0  }
0x2f: {  	[tilespmem:s21+$0x3270] =	vst v0  }
0x30: {  	[tilespmem:s21+$0x3280] =	vst v0  }
0x31: {  	[tilespmem:s21+$0x3290] =	vst v0;
	s21 =	sshra.s32 s22, $0x2;
	s22 =	sadd.s32 $0x240, s22  }
0x32: {  	[tilespmem:s21+$0x32A0] =	vst v0  }
0x33: {  	[tilespmem:s21+$0x3220] =	vst v0  }
0x34: {  	[tilespmem:s21+$0x3230] =	vst v0  }
0x35: {  	[tilespmem:s21+$0x3240] =	vst v0  }
0x36: {  	[tilespmem:s21+$0x3250] =	vst v0  }
0x37: {  	[tilespmem:s21+$0x3260] =	vst v0  }
0x38: {  	[tilespmem:s21+$0x3270] =	vst v0  }
0x39: {  	[tilespmem:s21+$0x3280] =	vst v0  }
0x3a: {  	[tilespmem:s21+$0x3290] =	vst v0;
	s26 =	rddreg [dreg:$0xd]  }
0x3b: {  	[spmem:s26] =	stream.linear.scatter [tilespmem:s7], [sflag:$0x1], $0x2D00, $0x38;
	[tilespmem:$0x1BF30] =	vst v63  }
0x3c: {  	_ =	swait.ge [sflag:s8], $0x2D00  }
0x3d: {  	[sflag:s8] =	ssyncset.done $0x0  }
0x3e: {  	s22 =	rddreg [dreg:$0xe];
	[sflag:s8] =	ssyncadd.s32 $0xFFFFD300  }
0x3f: {  	[spmem:s22] =	stream.linear.scatter [tilespmem:s7], [sflag:$0x1], $0x2D00, $0x38;
	[tilespmem:$0x1BF30] =	vst v63  }
0x40: {  	_ =	swait.ge [sflag:s8], $0x2D00  }
0x41: {  	[sflag:s8] =	ssyncset.done $0x0  }
0x42: {  	s23 =	rddreg [dreg:$0xf];
	[sflag:s8] =	ssyncadd.s32 $0xFFFFD300  }
0x43: {  	[spmem:s23] =	stream.linear.scatter [tilespmem:s7], [sflag:$0x1], $0x2D00, $0x38;
	[tilespmem:$0x1BF30] =	vst v63  }
0x44: {  	_ =	swait.ge [sflag:s8], $0x2D00  }
0x45: {  	[sflag:s8] =	ssyncset.done $0x0  }
0x46: {  	s24 =	rddreg [dreg:$0x10];
	[sflag:s8] =	ssyncadd.s32 $0xFFFFD300  }
0x47: {  	[spmem:s24] =	stream.linear.scatter [tilespmem:s7], [sflag:$0x1], $0x2D00, $0x38;
	[tilespmem:$0x1BF30] =	vst v63  }
0x48: {  	_ =	swait.ge [sflag:s8], $0x2D00  }
0x49: {  	[sflag:s8] =	ssyncset.done $0x0  }
0x4a: {  	s25 =	rddreg [dreg:$0x11];
	[sflag:s8] =	ssyncadd.s32 $0xFFFFD300  }
0x4b: {  	[spmem:s25] =	stream.linear.scatter [tilespmem:s7], [sflag:$0x1], $0x2D00, $0x38;
	[tilespmem:$0x1BF30] =	vst v63  }
0x4c: {  	_ =	swait.ge [sflag:s8], $0x2D00  }
0x4d: {  	[sflag:s8] =	ssyncset.done $0x0  }
0x4e: {  	s26 =	rddreg [dreg:$0x12];
	[sflag:s8] =	ssyncadd.s32 $0xFFFFD300  }
0x4f: {  	[spmem:s26] =	stream.linear.scatter [tilespmem:s7], [sflag:$0x1], $0x2D00, $0x38;
	[tilespmem:$0x1BF30] =	vst v63  }
0x50: {  	_ =	swait.ge [sflag:s8], $0x2D00  }
0x51: {  	[sflag:s8] =	ssyncset.done $0x0  }
0x52: {  	[sflag:s8] =	ssyncadd.s32 $0xFFFFD300  }
0x53: {  	[spmem:s28] =	stream.linear.scatter [tilespmem:s7], [sflag:$0x1], $0x2D00, $0x38;
	[tilespmem:$0x1BF30] =	vst v63  }
0x54: {  	_ =	swait.ge [sflag:s8], $0x2D00  }
0x55: {  	[sflag:s8] =	ssyncset.done $0x0  }
0x56: {  	[sflag:s8] =	ssyncadd.s32 $0xFFFFD300  }
0x57: {  	[spmem:s18] =	stream.linear.scatter [tilespmem:s7], [sflag:$0x1], $0x2400, $0x38;
	[tilespmem:$0x1BF30] =	vst v63  }
0x58: {  	_ =	swait.ge [sflag:s8], $0x2400  }
0x59: {  	[sflag:s8] =	ssyncset.done $0x0  }
0x5a: {  	s21 =	simm.s32 @!p0 $0x32A0;
	[sflag:s8] =	ssyncadd.s32 $0xFFFFDC00  }
0x5b: {  	[spmem:s6] =	stream.linear.scatter @!p0 [tilespmem:s21], [sflag:$0x1], $0x900, $0x38;
	[tilespmem:$0x1BF30] =	vst v63  }
0x5c: {  	s21 =	simm.s32 @!p0 $0x1  }
0x5d: {  	_ =	swait.ge @!p0 [sflag:s21], $0x900  }
0x5e: {  	[sflag:s21] =	ssyncset.done @!p0 $0x0  }
0x5f: {  	[sflag:s21] =	ssyncadd.s32 @!p0 $0xFFFFF700  }
0x60: {  	s22 =	simm.s32 $0x0;
	s21 =	simm.s32 $0x0;
	[bflag:$0x0] =	sbarrier.arrive $0xFFFF  }
.LBB2_4:
0x61: {  	s23 =	smul.u32 $0x50, s22;
	_ =	sdelay $0x1  }
0x62: {  	s23 =	sadd.s32 s17, s23  }
0x63: {  	s23 =	sshrl.u32 s23, $0x3  }
0x64: {  	s24 =	sadd.s32 s12, s23  }
0x65: {  	[tilespmem:s21], [sflag:$0x1] =	stream.linear.gather [hbm4b:s24+s21], $0x50, $0x38;
	[tilespmem:$0x1BF30] =	vst v63  }
0x66: {  	_ =	swait.ge [sflag:s8], $0x50  }
0x67: {  	[sflag:s8] =	ssyncset.done $0x0  }
0x68: {  	s23 =	sadd.s32 s13, s23;
	[sflag:s8] =	ssyncadd.s32 $0xFFFFFFB0  }
0x69: {  	[tilespmem:s9], [sflag:$0x1] =	stream.linear.gather [hbm4b:s23+s21], $0x50, $0x38;
	[tilespmem:$0x1BF30] =	vst v63  }
0x6a: {  	_ =	swait.ge [sflag:s8], $0x50  }
0x6b: {  	[sflag:s8] =	ssyncset.done $0x0  }
0x6c: {  	[sflag:s8] =	ssyncadd.s32 $0xFFFFFFB0  }
0x6d: {  	[tilespmem:s10], [sflag:$0x1] =	stream.indirect.gather [hbm4b:s14+s9], $0x10, s21, s9, $0xb8;
	[tilespmem:$0x1BF30] =	vst v63  }
0x6e: {  	_ =	swait.ge [sflag:s8], $0x500  }
0x6f: {  	[sflag:s8] =	ssyncset.done $0x0  }
0x70: {  	[sflag:s8] =	ssyncadd.s32 $0xFFFFFB00  }
0x71: {  	[tilespmem:s11], [sflag:$0x1] =	stream.indirect.gather [hbm4b:s15+s9], $0x10, s9, s9, $0xb8;
	[tilespmem:$0x1BF30] =	vst v63  }
0x72: {  	_ =	swait.ge [sflag:s8], $0x500  }
0x73: {  	[sflag:s8] =	ssyncset.done $0x0  }
0x74: {  	[sflag:s8] =	ssyncadd.s32 $0xFFFFFB00  }
0x75: {  	[tilespmem:s19], [sflag:$0x1] =	stream.indirect.gather [hbm4b:s16+s9], $0x80, s21, s9, $0xb8;
	[tilespmem:$0x1BF30] =	vst v63  }
0x76: {  	_ =	swait.ge [sflag:s8], $0x2800  }
0x77: {  	[sflag:s8] =	ssyncset.done $0x0  }
0x78: {  	s26 =	simm.s32 $0x0;
	[sflag:s8] =	ssyncadd.s32 $0xFFFFD800  }
0x79: {  	v1 =	vld [tilespmem:s26+$0xA0]  }
0x7a: {  	v2 =	vld [tilespmem:s26+$0x5A0];
	_ =	sdelay $0x4  }
0x7b: {  	v1 =	vadd.f32 v2, v1;
	_ =	sdelay $0x1  }
0x7c: {  	v2 =	vmul.f32 $2.000000030e-01, v1;
	_ =	sdelay $0x1  }
0x7d: {  	v1 =	vmax.f32 v1, v2  }
0x7e: {  	v1 =	vmul.f32 $1.442695020e+00, v1;
	_ =	sdelay $0x1  }
0x7f: {  	(erf) = vpow2.f32 v1;
	_ =	sdelay $0x8  }
0x80: {  	v1 =	vpop (erf)  }
0x81: {  	s23 =	simm.s32 $0x32E0;
	v2 =	vnsel vm0, $0x0, v1  }
0x82: {  	s24 =	simm.s32 $0xAE0;
	[tilespmem:s23+$0x40] =	vst v2  }
0x83: {  	v2 =	vld [tilespmem:s24+$0xFFFFFFC0];
	_ =	sdelay $0x2  }
0x84: {  	v1 =	vbroadcast v1, $0x0;
	_ =	sdelay $0x1  }
0x85: {  	v2 =	vmul.f32 v1, v2;
	_ =	sdelay $0x1  }
0x86: {  	[tilespmem:s23+$0xFFFFFFC0] =	vst v2  }
0x87: {  	v2 =	vld [tilespmem:s24+$0xFFFFFFD0];
	_ =	sdelay $0x4  }
0x88: {  	v2 =	vmul.f32 v1, v2;
	_ =	sdelay $0x1  }
0x89: {  	[tilespmem:s23+$0xFFFFFFD0] =	vst v2  }
0x8a: {  	v2 =	vld [tilespmem:s24+$0xFFFFFFE0];
	_ =	sdelay $0x4  }
0x8b: {  	v2 =	vmul.f32 v1, v2;
	_ =	sdelay $0x1  }
0x8c: {  	[tilespmem:s23+$0xFFFFFFE0] =	vst v2  }
0x8d: {  	v2 =	vld [tilespmem:s24+$0xFFFFFFF0];
	_ =	sdelay $0x4  }
0x8e: {  	v2 =	vmul.f32 v2, v1;
	_ =	sdelay $0x1  }
0x8f: {  	[tilespmem:s23+$0xFFFFFFF0] =	vst v2  }
0x90: {  	v2 =	vld [tilespmem:s24+$0x0];
	_ =	sdelay $0x4  }
0x91: {  	v2 =	vmul.f32 v2, v1;
	_ =	sdelay $0x1  }
0x92: {  	[tilespmem:s23+$0x0] =	vst v2  }
0x93: {  	v2 =	vld [tilespmem:s24+$0x10];
	_ =	sdelay $0x4  }
0x94: {  	v2 =	vmul.f32 v2, v1;
	_ =	sdelay $0x1  }
0x95: {  	[tilespmem:s23+$0x10] =	vst v2  }
0x96: {  	v2 =	vld [tilespmem:s24+$0x20];
	_ =	sdelay $0x4  }
0x97: {  	v2 =	vmul.f32 v2, v1;
	_ =	sdelay $0x1  }
0x98: {  	[tilespmem:s23+$0x20] =	vst v2  }
0x99: {  	v2 =	vld [tilespmem:s24+$0x30];
	_ =	sdelay $0x4  }
0x9a: {  	v1 =	vmul.f32 v2, v1;
	_ =	sdelay $0x1  }
0x9b: {  	s26 =	simm.s32 $0x10;
	[tilespmem:s23+$0x30] =	vst v1  }
0x9c: {  	s25 =	simm.s32 $0x80;
	v1 =	vld [tilespmem:s26+$0xA0]  }
.LBB2_5:
0x9d: {  	p1 =	sne.s32 s25, $0x13C0;
	v2 =	vld [tilespmem:s26+$0x5A0];
	_ =	sdelay $0x4  }
0x9e: {  	v1 =	vadd.f32 v2, v1;
	_ =	sdelay $0x1  }
0x9f: {  	v2 =	vmul.f32 $2.000000030e-01, v1;
	_ =	sdelay $0x1  }
0xa0: {  	v1 =	vmax.f32 v1, v2  }
0xa1: {  	v1 =	vmul.f32 $1.442695020e+00, v1;
	_ =	sdelay $0x1  }
0xa2: {  	(erf) = vpow2.f32 v1;
	_ =	sdelay $0x8  }
0xa3: {  	v1 =	vpop (erf)  }
0xa4: {  	s23 =	sadd.s32 $0x90, s23;
	v2 =	vnsel vm0, $0x0, v1  }
0xa5: {  	s24 =	sadd.s32 $0x80, s24;
	[tilespmem:s23+$0x40] =	vst v2  }
0xa6: {  	v2 =	vld [tilespmem:s24+$0xFFFFFFC0];
	_ =	sdelay $0x2  }
0xa7: {  	v1 =	vbroadcast v1, $0x0;
	_ =	sdelay $0x1  }
0xa8: {  	v2 =	vmul.f32 v1, v2;
	_ =	sdelay $0x1  }
0xa9: {  	[tilespmem:s23+$0xFFFFFFC0] =	vst v2  }
0xaa: {  	v2 =	vld [tilespmem:s24+$0xFFFFFFD0];
	_ =	sdelay $0x4  }
0xab: {  	v2 =	vmul.f32 v1, v2;
	_ =	sdelay $0x1  }
0xac: {  	[tilespmem:s23+$0xFFFFFFD0] =	vst v2  }
0xad: {  	v2 =	vld [tilespmem:s24+$0xFFFFFFE0];
	_ =	sdelay $0x4  }
0xae: {  	v2 =	vmul.f32 v1, v2;
	_ =	sdelay $0x1  }
0xaf: {  	[tilespmem:s23+$0xFFFFFFE0] =	vst v2  }
0xb0: {  	v2 =	vld [tilespmem:s24+$0xFFFFFFF0];
	_ =	sdelay $0x4  }
0xb1: {  	v2 =	vmul.f32 v2, v1;
	_ =	sdelay $0x1  }
0xb2: {  	[tilespmem:s23+$0xFFFFFFF0] =	vst v2  }
0xb3: {  	v2 =	vld [tilespmem:s24+$0x0];
	_ =	sdelay $0x4  }
0xb4: {  	v2 =	vmul.f32 v2, v1;
	_ =	sdelay $0x1  }
0xb5: {  	[tilespmem:s23+$0x0] =	vst v2  }
0xb6: {  	v2 =	vld [tilespmem:s24+$0x10];
	_ =	sdelay $0x4  }
0xb7: {  	v2 =	vmul.f32 v2, v1;
	_ =	sdelay $0x1  }
0xb8: {  	[tilespmem:s23+$0x10] =	vst v2  }
0xb9: {  	v2 =	vld [tilespmem:s24+$0x20];
	_ =	sdelay $0x4  }
0xba: {  	v2 =	vmul.f32 v2, v1;
	_ =	sdelay $0x1  }
0xbb: {  	[tilespmem:s23+$0x20] =	vst v2  }
0xbc: {  	v2 =	vld [tilespmem:s24+$0x30];
	_ =	sdelay $0x3  }
.Ltmp1:
0xbd: {  	(pc) =	sbr.rel @p1 .LBB2_5-.Ltmp1, $3  }
0xbe: {  	v1 =	vmul.f32 v2, v1;
	_ =	sdelay $0x1  }
0xbf: {  	s26 =	sshra.s32 s25, $0x2;
	[tilespmem:s23+$0x30] =	vst v1  }
0xc0: {  	s25 =	sadd.s32 $0x40, s25;
	v1 =	vld [tilespmem:s26+$0xA0]  }
0xc1: {  	v2 =	vld [tilespmem:s26+$0x5A0];
	_ =	sdelay $0x4  }
0xc2: {  	v1 =	vadd.f32 v2, v1;
	_ =	sdelay $0x1  }
0xc3: {  	v2 =	vmul.f32 $2.000000030e-01, v1;
	_ =	sdelay $0x1  }
0xc4: {  	v1 =	vmax.f32 v1, v2  }
0xc5: {  	v1 =	vmul.f32 $1.442695020e+00, v1;
	_ =	sdelay $0x1  }
0xc6: {  	(erf) = vpow2.f32 v1;
	_ =	sdelay $0x8  }
0xc7: {  	v1 =	vpop (erf)  }
0xc8: {  	s23 =	sadd.s32 $0x90, s23;
	v2 =	vnsel vm0, $0x0, v1  }
0xc9: {  	s24 =	sadd.s32 $0x80, s24;
	[tilespmem:s23+$0x40] =	vst v2  }
0xca: {  	v2 =	vld [tilespmem:s24+$0xFFFFFFC0];
	_ =	sdelay $0x2  }
0xcb: {  	v1 =	vbroadcast v1, $0x0;
	_ =	sdelay $0x1  }
0xcc: {  	v2 =	vmul.f32 v1, v2;
	_ =	sdelay $0x1  }
0xcd: {  	[tilespmem:s23+$0xFFFFFFC0] =	vst v2  }
0xce: {  	v2 =	vld [tilespmem:s24+$0xFFFFFFD0];
	_ =	sdelay $0x4  }
0xcf: {  	v2 =	vmul.f32 v1, v2;
	_ =	sdelay $0x1  }
0xd0: {  	[tilespmem:s23+$0xFFFFFFD0] =	vst v2  }
0xd1: {  	v2 =	vld [tilespmem:s24+$0xFFFFFFE0];
	_ =	sdelay $0x4  }
0xd2: {  	v2 =	vmul.f32 v1, v2;
	_ =	sdelay $0x1  }
0xd3: {  	[tilespmem:s23+$0xFFFFFFE0] =	vst v2  }
0xd4: {  	v2 =	vld [tilespmem:s24+$0xFFFFFFF0];
	_ =	sdelay $0x4  }
0xd5: {  	v2 =	vmul.f32 v2, v1;
	_ =	sdelay $0x1  }
0xd6: {  	[tilespmem:s23+$0xFFFFFFF0] =	vst v2  }
0xd7: {  	v2 =	vld [tilespmem:s24+$0x0];
	_ =	sdelay $0x4  }
0xd8: {  	v2 =	vmul.f32 v2, v1;
	_ =	sdelay $0x1  }
0xd9: {  	[tilespmem:s23+$0x0] =	vst v2  }
0xda: {  	v2 =	vld [tilespmem:s24+$0x10];
	_ =	sdelay $0x4  }
0xdb: {  	v2 =	vmul.f32 v2, v1;
	_ =	sdelay $0x1  }
0xdc: {  	[tilespmem:s23+$0x10] =	vst v2  }
0xdd: {  	v2 =	vld [tilespmem:s24+$0x20];
	_ =	sdelay $0x4  }
0xde: {  	v2 =	vmul.f32 v2, v1;
	_ =	sdelay $0x1  }
0xdf: {  	[tilespmem:s23+$0x20] =	vst v2  }
0xe0: {  	v2 =	vld [tilespmem:s24+$0x30];
	_ =	sdelay $0x4  }
0xe1: {  	s22 =	sadd.s32 $0x1, s22;
	v1 =	vmul.f32 v2, v1  }
0xe2: {  	p1 =	sne.s32 s22, $0x7D  }
.Ltmp2:
0xe3: {  	[tilespmem:s23+$0x30] =	vst v1;
	(pc) =	sbr.rel @p1 .LBB2_4-.Ltmp2, $4  }
0xe4: {  	[spmem:s2] =	stream.indirect.scatter.add.f32 [tilespmem:s7], [sflag:$0x1], $0x90, s9, s9, $0xb8;
	[tilespmem:$0x1BF30] =	vst v63  }
0xe5: {  	_ =	swait.ge [sflag:s8], $0x2D00  }
0xe6: {  	[sflag:s8] =	ssyncset.done $0x0  }
0xe7: {  	[sflag:s8] =	ssyncadd.s32 $0xFFFFD300  }
0xe8: {  	[bflag:$0x0] =	sbarrier.arrive $0xFFFF  }
0xe9: {  	[tilespmem:s7], [sflag:$0x1] =	stream.linear.gather [spmem:s29], $0x2D00, $0x38;
	[tilespmem:$0x1BF30] =	vst v63  }
0xea: {  	_ =	swait.ge [sflag:s8], $0x2D00  }
0xeb: {  	[sflag:s8] =	ssyncset.done $0x0  }
0xec: {  	s21 =	rddreg [dreg:$0x4];
	[sflag:s8] =	ssyncadd.s32 $0xFFFFD300  }
0xed: {  	[hbm4b:s21+s3] =	stream.linear.scatter [tilespmem:s7], [sflag:$0x1], $0x2D00, $0x38;
	[tilespmem:$0x1BF30] =	vst v63  }
0xee: {  	_ =	swait.ge [sflag:s8], $0x2D00  }
0xef: {  	[sflag:s8] =	ssyncset.done $0x0  }
0xf0: {  	[sflag:s8] =	ssyncadd.s32 $0xFFFFD300  }
0xf1: {  	[tilespmem:s7], [sflag:$0x1] =	stream.linear.gather [spmem:s30], $0x2D00, $0x38;
	[tilespmem:$0x1BF30] =	vst v63  }
0xf2: {  	_ =	swait.ge [sflag:s8], $0x2D00  }
0xf3: {  	[sflag:s8] =	ssyncset.done $0x0  }
0xf4: {  	s24 =	rddreg [dreg:$0x5];
	[sflag:s8] =	ssyncadd.s32 $0xFFFFD300  }
0xf5: {  	[hbm4b:s24+s3] =	stream.linear.scatter [tilespmem:s7], [sflag:$0x1], $0x2D00, $0x38;
	[tilespmem:$0x1BF30] =	vst v63  }
0xf6: {  	_ =	swait.ge [sflag:s8], $0x2D00  }
0xf7: {  	[sflag:s8] =	ssyncset.done $0x0  }
0xf8: {  	[sflag:s8] =	ssyncadd.s32 $0xFFFFD300  }
0xf9: {  	[tilespmem:s7], [sflag:$0x1] =	stream.linear.gather [spmem:s31], $0x2D00, $0x38;
	[tilespmem:$0x1BF30] =	vst v63  }
0xfa: {  	_ =	swait.ge [sflag:s8], $0x2D00  }
0xfb: {  	[sflag:s8] =	ssyncset.done $0x0  }
0xfc: {  	s25 =	rddreg [dreg:$0x6];
	[sflag:s8] =	ssyncadd.s32 $0xFFFFD300  }
0xfd: {  	[hbm4b:s25+s3] =	stream.linear.scatter [tilespmem:s7], [sflag:$0x1], $0x2D00, $0x38;
	[tilespmem:$0x1BF30] =	vst v63  }
0xfe: {  	_ =	swait.ge [sflag:s8], $0x2D00  }
0xff: {  	[sflag:s8] =	ssyncset.done $0x0  }
0x100: {  	[sflag:s8] =	ssyncadd.s32 $0xFFFFD300  }
0x101: {  	[tilespmem:s7], [sflag:$0x1] =	stream.linear.gather [spmem:s0], $0x2D00, $0x38;
	[tilespmem:$0x1BF30] =	vst v63  }
0x102: {  	_ =	swait.ge [sflag:s8], $0x2D00  }
0x103: {  	[sflag:s8] =	ssyncset.done $0x0  }
0x104: {  	s26 =	rddreg [dreg:$0x7];
	[sflag:s8] =	ssyncadd.s32 $0xFFFFD300  }
0x105: {  	[hbm4b:s26+s3] =	stream.linear.scatter [tilespmem:s7], [sflag:$0x1], $0x2D00, $0x38;
	[tilespmem:$0x1BF30] =	vst v63  }
0x106: {  	_ =	swait.ge [sflag:s8], $0x2D00  }
0x107: {  	[sflag:s8] =	ssyncset.done $0x0  }
0x108: {  	[sflag:s8] =	ssyncadd.s32 $0xFFFFD300  }
0x109: {  	[tilespmem:s7], [sflag:$0x1] =	stream.linear.gather [spmem:s1], $0x2D00, $0x38;
	[tilespmem:$0x1BF30] =	vst v63  }
0x10a: {  	_ =	swait.ge [sflag:s8], $0x2D00  }
0x10b: {  	[sflag:s8] =	ssyncset.done $0x0  }
0x10c: {  	s22 =	rddreg [dreg:$0x8];
	[sflag:s8] =	ssyncadd.s32 $0xFFFFD300  }
0x10d: {  	[hbm4b:s22+s3] =	stream.linear.scatter [tilespmem:s7], [sflag:$0x1], $0x2D00, $0x38;
	[tilespmem:$0x1BF30] =	vst v63  }
0x10e: {  	_ =	swait.ge [sflag:s8], $0x2D00  }
0x10f: {  	[sflag:s8] =	ssyncset.done $0x0  }
0x110: {  	[sflag:s8] =	ssyncadd.s32 $0xFFFFD300  }
0x111: {  	[tilespmem:s7], [sflag:$0x1] =	stream.linear.gather [spmem:s4], $0x2D00, $0x38;
	[tilespmem:$0x1BF30] =	vst v63  }
0x112: {  	_ =	swait.ge [sflag:s8], $0x2D00  }
0x113: {  	[sflag:s8] =	ssyncset.done $0x0  }
0x114: {  	s23 =	rddreg [dreg:$0x9];
	[sflag:s8] =	ssyncadd.s32 $0xFFFFD300  }
0x115: {  	[hbm4b:s23+s3] =	stream.linear.scatter [tilespmem:s7], [sflag:$0x1], $0x2D00, $0x38;
	[tilespmem:$0x1BF30] =	vst v63  }
0x116: {  	_ =	swait.ge [sflag:s8], $0x2D00  }
0x117: {  	[sflag:s8] =	ssyncset.done $0x0  }
0x118: {  	[sflag:s8] =	ssyncadd.s32 $0xFFFFD300  }
0x119: {  	[tilespmem:s7], [sflag:$0x1] =	stream.linear.gather [spmem:s5], $0x2D00, $0x38;
	[tilespmem:$0x1BF30] =	vst v63  }
0x11a: {  	_ =	swait.ge [sflag:s8], $0x2D00  }
0x11b: {  	[sflag:s8] =	ssyncset.done $0x0  }
0x11c: {  	s24 =	rddreg [dreg:$0xa];
	[sflag:s8] =	ssyncadd.s32 $0xFFFFD300  }
0x11d: {  	[hbm4b:s24+s3] =	stream.linear.scatter [tilespmem:s7], [sflag:$0x1], $0x2D00, $0x38;
	[tilespmem:$0x1BF30] =	vst v63  }
0x11e: {  	_ =	swait.ge [sflag:s8], $0x2D00  }
0x11f: {  	[sflag:s8] =	ssyncset.done $0x0  }
0x120: {  	[sflag:s8] =	ssyncadd.s32 $0xFFFFD300  }
0x121: {  	[tilespmem:s7], [sflag:$0x1] =	stream.linear.gather [spmem:s18], $0x2400, $0x38;
	[tilespmem:$0x1BF30] =	vst v63  }
0x122: {  	_ =	swait.ge [sflag:s8], $0x2400  }
0x123: {  	[sflag:s8] =	ssyncset.done $0x0  }
0x124: {  	s25 =	rddreg [dreg:$0x3];
	[sflag:s8] =	ssyncadd.s32 $0xFFFFDC00  }
0x125: {  	[hbm4b:s25+s3] =	stream.linear.scatter [tilespmem:s7], [sflag:$0x1], $0x2400, $0x38;
	[tilespmem:$0x1BF30] =	vst v63  }
0x126: {  	_ =	swait.ge [sflag:s8], $0x2400  }
0x127: {  	[sflag:s8] =	ssyncset.done $0x0  }
0x128: {  	s21 =	simm.s32 @!p0 $0x32A0;
	s22 =	simm.s32 @!p0 $0x1;
	[sflag:s8] =	ssyncadd.s32 $0xFFFFDC00  }
0x129: {  	[tilespmem:s21], [sflag:$0x1] =	stream.linear.gather @!p0 [spmem:s6], $0x900, $0x38;
	[tilespmem:$0x1BF30] =	vst v63  }
0x12a: {  	_ =	swait.ge @!p0 [sflag:s22], $0x900  }
0x12b: {  	[sflag:s22] =	ssyncset.done @!p0 $0x0  }
0x12c: {  	s23 =	simm.s32 @!p0 $0x0;
	s24 =	rddreg [dreg:$0xb];
	[sflag:s22] =	ssyncadd.s32 @!p0 $0xFFFFF700  }
0x12d: {  	[hbm4b:s24+s23] =	stream.linear.scatter @!p0 [tilespmem:s21], [sflag:$0x1], $0x900, $0x38;
	[tilespmem:$0x1BF30] =	vst v63  }
0x12e: {  	_ =	swait.ge @!p0 [sflag:s22], $0x900  }
0x12f: {  	s20 =	sadd.s32 $0x1, s20;
	s26 =	rddreg [dreg:$0xc]  }
0x130: {  	p1 =	sne.s32 s20, s26  }
.Ltmp3:
0x131: {  	_ = 	snop;
	(pc) =	sbr.rel @p1 .LBB2_1-.Ltmp3, $3  }
0x132: {  	_ =	sdelay $0x1  }
0x133: {  	[sflag:s22] =	ssyncset.done @!p0 $0x0  }
0x134: {  	[sflag:s22] =	ssyncadd.s32 @!p0 $0xFFFFF700  }
0x135: {  	_ =	sfence.sel $0x180000  }
0x136: {  	[bflag:$0x0] =	sbarrier.arrive $0xFFFF  }
0x137: {  	_ =	strace $0x9000004A  }
0x138: {  	s0 =	stileid.u32;
	[bflag:$0x2] =	sbarrier.arrive $0xFFFF  }
0x139: {  	p0 =	sne.s32 s0, $0x0;
	s0 =	rddreg [dreg:$0x2]  }
0x13a: {  	s0 =	sadd.s32 @!p0 $0x100000, s0  }
0x13b: {  	[sflag:s0] =	ssyncadd.tile.s32 @!p0 $0x1;
	_ =	shalt  }
.Lfunc_end2:
_tile_overlayer_lowered:
.L_overlay_start_2:
0x13c: {  	(tag) =	ssettag $0x2  }
0x13d: {  	s0 =	rddreg [dreg:$0x0];
	s2 =	stileid.u32  }
0x13e: {  	s1 =	rddreg [dreg:$0x1];
	p0 =	sne.s32 s2, $0x0  }
0x13f: {  	s3 =	rddreg [dreg:$0x2];
	[bflag:$0x3] =	sbarrier.arrive $0xFFFF;
	s2 =	simm.s32 @!p0 $0x1C01  }
0x140: {  	[timem:s3], [sflag:s2] =	dma.local @!p0 [hbm:s0], s1  }
0x141: {  	s0 =	simm.s32 @!p0 $0x1  }
0x142: {  	_ =	swait.ge @!p0 [sflag:s0], s1  }
0x143: {  	s1 =	ssub.s32 @!p0 $0x0, s1;
	[sflag:s0] =	ssyncset.done @!p0 $0x0  }
0x144: {  	[sflag:s0] =	ssyncadd.s32 @!p0 s1  }
0x145: {  	[bflag:$0x3] =	sbarrier.arrive $0xFFFF  }
0x146: {  	_ =	shalt  }

</sc_bundles>
